<compile_context>
chip_gen: v7x
topology: tpu7x:2x2x1
jax: 0.10.2.dev20260603
libtpu: 0.0.44.dev20260713+nightly
codegen_flags: <defaults>
</compile_context>

<pallas_src>
import functools

import numpy as np
import jax
import jax.numpy as jnp
from jax import lax
from jax.experimental import pallas as pl
from jax.experimental.pallas import tpu as pltpu
from jax.experimental.pallas import tpu_sc as plsc

N_GENES = 100000
N_FREQ = 10
D_IN = 4 * N_FREQ
D_EMB = 16
N_FRAG = 200000

NC = 2
NS = 16
NW = NC * NS
B_W = 6272
B_LAST = N_FRAG - 31 * B_W
CH = 64
N_CH = B_W // CH
N_CH_LAST = B_LAST // CH
NPAIR = (N_CH + 1) // 2
G_SZ = 16
N_G = CH // G_SZ

_FREQS = [float(1.0 / 1000.0 ** (2.0 * (i + 1) / N_FREQ)) for i in range(N_FREQ)]

_S3, _S5, _S7, _S9 = -1.0 / 6.0, 1.0 / 120.0, -1.0 / 5040.0, 1.0 / 362880.0
_D2, _D4, _D6, _D8 = -1.0 / 2.0, 1.0 / 24.0, -1.0 / 720.0, 1.0 / 40320.0


def _sincos(y):
    z = y * y
    s = y + y * z * (_S3 + z * (_S5 + z * _S7))
    c = 1.0 + z * (_D2 + z * (_D4 + z * _D6))
    return s, c


_SC_MESH = plsc.VectorSubcoreMesh(
    core_axis_name="c", subcore_axis_name="s", num_cores=NC, num_subcores=NS)


@functools.partial(
    pl.kernel,
    out_type=jax.ShapeDtypeStruct((N_FRAG, D_EMB), jnp.float32),
    mesh=_SC_MESH,
    compiler_params=pltpu.CompilerParams(needs_layout_passes=False),
    scratch_types=[
        pltpu.VMEM((B_W,), jnp.int32),
        pltpu.VMEM((B_W,), jnp.float32),
        pltpu.VMEM((B_W,), jnp.float32),
        pltpu.VMEM((CH, D_IN * D_EMB), jnp.float32),
        pltpu.VMEM((CH, D_IN * D_EMB), jnp.float32),
        pltpu.VMEM((CH, D_EMB), jnp.float32),
        pltpu.VMEM((CH, D_EMB), jnp.float32),
        pltpu.VMEM((CH, D_IN), jnp.float32),
        pltpu.SemaphoreType.DMA,
        pltpu.SemaphoreType.DMA,
        pltpu.SemaphoreType.DMA,
        pltpu.SemaphoreType.DMA,
    ],
)
def _sc_embed(table_hbm, idx_hbm, coord_hbm, out_hbm,
              idx_v, xs_v, ys_v, rows0, rows1, outb0, outb1, embc_v,
              sg0, sg1, so0, so1):
    wid = lax.axis_index("s") * NC + lax.axis_index("c")
    base = wid * B_W
    full = wid < NW - 1
    ncw = jnp.where(full, N_CH, N_CH_LAST)

    @pl.when(full)
    def _():
        pltpu.sync_copy(idx_hbm.at[pl.ds(base, B_W)], idx_v)
        pltpu.sync_copy(coord_hbm.at[pl.ds(base, B_W)], xs_v)
        pltpu.sync_copy(coord_hbm.at[pl.ds(N_FRAG + base, B_W)], ys_v)

    @pl.when(jnp.logical_not(full))
    def _():
        pltpu.sync_copy(idx_hbm.at[pl.ds(base, B_LAST)],
                        idx_v.at[pl.ds(0, B_LAST)])
        pltpu.sync_copy(coord_hbm.at[pl.ds(base, B_LAST)],
                        xs_v.at[pl.ds(0, B_LAST)])
        pltpu.sync_copy(coord_hbm.at[pl.ds(N_FRAG + base, B_LAST)],
                        ys_v.at[pl.ds(0, B_LAST)])

    def issue(c, rows_b, sg):
        pltpu.async_copy(table_hbm.at[idx_v.at[pl.ds(c * CH, CH)]], rows_b, sg)

    iota16 = lax.broadcasted_iota(jnp.int32, (G_SZ,), 0)

    def sin_stage(c):
        def group_body(g, carry):
            j_chunk = g * G_SZ + iota16
            j_loc = c * CH + j_chunk
            c0 = plsc.load_gather(xs_v, [j_loc])
            c1 = plsc.load_gather(ys_v, [j_loc])
            for half, cc in ((0, c0), (1, c1)):
                for i in range(N_FREQ):
                    y = cc * _FREQS[i]
                    s_m, co_m = _sincos(y)
                    m = half * 2 * N_FREQ + 2 * i
                    plsc.store_scatter(
                        embc_v, [j_chunk, jnp.full((G_SZ,), m, jnp.int32)], s_m)
                    plsc.store_scatter(
                        embc_v, [j_chunk, jnp.full((G_SZ,), m + 1, jnp.int32)],
                        co_m)
            return carry

        lax.fori_loop(0, N_G, group_body, 0)

    def fma_stage(rows_b, out_b):
        def frag_body(j, carry2):
            ev0 = embc_v[j, pl.ds(0, 16)]
            ev1 = embc_v[j, pl.ds(16, 16)]
            ev2 = embc_v[j, pl.ds(24, 16)]
            accs = [None, None, None, None]
            for k in range(D_IN):
                if k < 16:
                    e = ev0[k]
                elif k < 32:
                    e = ev1[k - 16]
                else:
                    e = ev2[k - 24]
                tt = e * rows_b[j, pl.ds(k * D_EMB, D_EMB)]
                a = k % 4
                accs[a] = tt if accs[a] is None else accs[a] + tt
            acc = (accs[0] + accs[1]) + (accs[2] + accs[3])
            out_b[j, :] = jnp.maximum(acc, 0.0)
            return carry2

        lax.fori_loop(0, CH, frag_body, 0)

    def process(c, rows_b, out_b, sg, so, have_prev_store):
        sin_stage(c)
        pltpu.make_async_copy(
            table_hbm.at[idx_v.at[pl.ds(c * CH, CH)]], rows_b, sg).wait()

        @pl.when(have_prev_store)
        def _():
            pltpu.make_async_copy(
                out_b, out_hbm.at[pl.ds(base + c * CH, CH)], so).wait()

        fma_stage(rows_b, out_b)
        pltpu.async_copy(out_b, out_hbm.at[pl.ds(base + c * CH, CH)], so)

    issue(0, rows0, sg0)

    def pair_body(p, carry):
        c0 = 2 * p

        @pl.when(c0 + 1 < ncw)
        def _():
            issue(c0 + 1, rows1, sg1)

        @pl.when(c0 < ncw)
        def _():
            process(c0, rows0, outb0, sg0, so0, p > 0)

        @pl.when(c0 + 2 < ncw)
        def _():
            issue(c0 + 2, rows0, sg0)

        @pl.when(c0 + 1 < ncw)
        def _():
            process(c0 + 1, rows1, outb1, sg1, so1, p > 0)

        return carry

    lax.fori_loop(0, NPAIR, pair_body, 0)
    pltpu.make_async_copy(outb0, out_hbm.at[pl.ds(base, CH)], so0).wait()
    pltpu.make_async_copy(outb1, out_hbm.at[pl.ds(base, CH)], so1).wait()


def kernel(coordinates, gene_ix, weight1):
    table = weight1.reshape(N_GENES, D_IN * D_EMB)
    return _sc_embed(table, gene_ix, coordinates.T.reshape(-1))

# --- scband reference (transcript-rebuilt; emitter-appended) ---
"""Pipeline reference for scband-fragment-embedder-1443109012245 (READ-ONLY COPY).

The authoritative reference and input builder live on the scoring server;
editing this copy changes nothing except your own understanding.
"""

import jax, jax.numpy as jnp
import numpy as np

N_GENES = 100000
N_FREQ = 10
N_EMB = 16
N_FRAG = 200000


def _freqs_shifts():
    freqs = np.array([[1.0 / 1000.0 ** (2.0 * i / N_FREQ)] * 2 for i in range(1, N_FREQ + 1)], dtype=np.float32).reshape(-1)
    shifts = np.array([[0.0, np.pi / 2.0] for _ in range(1, N_FREQ + 1)], dtype=np.float32).reshape(-1)
    return jnp.asarray(freqs), jnp.asarray(shifts)


def setup_inputs(seed: int = 0) -> dict:
    key = jax.random.key(seed)
    k1, k2, k3 = jax.random.split(key, 3)
    coordinates = jax.random.normal(k1, (N_FRAG, 2), dtype=jnp.float32)
    gene_ix = jax.random.randint(k2, (N_FRAG,), 0, N_GENES, dtype=jnp.int32)
    stdv = 1.0 / np.sqrt(N_EMB) / 100.0
    weight1 = jax.random.uniform(k3, (N_GENES, 4 * N_FREQ, N_EMB), minval=-stdv, maxval=stdv, dtype=jnp.float32)
    return {"coordinates": coordinates, "gene_ix": gene_ix, "weight1": weight1}


def reference(coordinates, gene_ix, weight1):
    freqs, shifts = _freqs_shifts()
    # SineEncoding: [N,2,1]*[2*nf] + [2*nf] -> [N,2,2*nf] -> flatten(-2) -> [N,4*nf]
    emb = jnp.sin(coordinates[..., None] * freqs + shifts)
    emb = emb.reshape(emb.shape[:-2] + (-1,))
    # gather per-gene weight: [N, 4*nf, n_emb]
    w = jnp.take(weight1, gene_ix, axis=0)
    out = jnp.sum(emb[..., None] * w, axis=-2)
    return jax.nn.relu(out)

if __name__ == "__main__":
    import jax
    _d = setup_inputs()
    print(jax.jit(kernel)(*tuple(_d.values())))

</pallas_src>

<mosaic_0001>
#map = affine_map<(d0, d1) -> (0, 0)>
#map1 = affine_map<(d0, d1) -> (0)>
module attributes {stable_mosaic.version = 14 : i64} {
  func.func @_sc_embed(%arg0: i32, %arg1: i32, %arg2: memref<100000x640xf32, #tpu.memory_space<hbm>>, %arg3: memref<200000xi32, #tpu.memory_space<hbm>>, %arg4: memref<400000xf32, #tpu.memory_space<hbm>>, %arg5: memref<200000x16xf32, #tpu.memory_space<hbm>>, %arg6: memref<6272xi32, #tpu.memory_space<vmem>>, %arg7: memref<6272xf32, #tpu.memory_space<vmem>>, %arg8: memref<6272xf32, #tpu.memory_space<vmem>>, %arg9: memref<64x640xf32, #tpu.memory_space<vmem>>, %arg10: memref<64x640xf32, #tpu.memory_space<vmem>>, %arg11: memref<64x16xf32, #tpu.memory_space<vmem>>, %arg12: memref<64x16xf32, #tpu.memory_space<vmem>>, %arg13: memref<64x40xf32, #tpu.memory_space<vmem>>, %arg14: memref<!tpu.dma_semaphore, #tpu.memory_space<semaphore_mem>>, %arg15: memref<!tpu.dma_semaphore, #tpu.memory_space<semaphore_mem>>, %arg16: memref<!tpu.dma_semaphore, #tpu.memory_space<semaphore_mem>>, %arg17: memref<!tpu.dma_semaphore, #tpu.memory_space<semaphore_mem>>) attributes {dimension_semantics = [#tpu.dimension_semantics<core_parallel>, #tpu.dimension_semantics<subcore_parallel>], iteration_bounds = array<i64: 2, 16>, scalar_prefetch = 0 : i64, scratch_operands = 12 : i64, tpu.core_type = #tpu.core_type<sc_vector_subcore>, window_params = [{transform_indices = #map}, {transform_indices = #map1}, {transform_indices = #map1}, {transform_indices = #map}]} {
    %mul3A = arith.constant 2 : i32
    %mul3A_0 = arith.muli %arg1, %mul3A : i32
    %add3A = arith.addi %mul3A_0, %arg0 : i32
    %mul3A_1 = arith.constant 6272 : i32
    %mul3A_2 = arith.muli %add3A, %mul3A_1 : i32
    %lt3A = arith.constant 31 : i32
    %lt3A_3 = arith.cmpi slt, %add3A, %lt3A : i32
    %jit3A = arith.constant 98 : i32
    %jit3A_4 = arith.constant 87 : i32
    %select_n3A = arith.select %lt3A_3, %jit3A, %jit3A_4 : i32
    %convert_element_type3A = arith.extui %lt3A_3 : i1 to i32
    %cond3A = arith.constant 0 : i32
    %cond3A_5 = arith.cmpi ne, %convert_element_type3A, %cond3A : i32
    scf.if %cond3A_5 {
      "tpu.region"() ({
        %run_scoped3A = tpu.sem_alloc : memref<!tpu.dma_semaphore, #tpu.memory_space<semaphore_mem>>
        %dma_start3A_28 = tpu.memref_slice %arg3[%mul3A_2] : memref<200000xi32, #tpu.memory_space<hbm>> -> memref<6272xi32, #tpu.memory_space<hbm>>
        %dma_start3A_29 = tpu.memref_slice %arg3[%mul3A_2] : memref<200000xi32, #tpu.memory_space<hbm>> -> memref<6272xi32, #tpu.memory_space<hbm>>
        tpu.enqueue_dma source(%dma_start3A_29 : memref<6272xi32, #tpu.memory_space<hbm>>) target(%arg6 : memref<6272xi32, #tpu.memory_space<vmem>>) target_semaphore(%run_scoped3A : memref<!tpu.dma_semaphore, #tpu.memory_space<semaphore_mem>>)
        %dma_wait3A_30 = tpu.memref_slice %arg3[%mul3A_2] : memref<200000xi32, #tpu.memory_space<hbm>> -> memref<6272xi32, #tpu.memory_space<hbm>>
        %dma_wait3A_31 = tpu.memref_slice %arg3[%mul3A_2] : memref<200000xi32, #tpu.memory_space<hbm>> -> memref<6272xi32, #tpu.memory_space<hbm>>
        tpu.wait_dma2 semaphore(%run_scoped3A : memref<!tpu.dma_semaphore, #tpu.memory_space<semaphore_mem>>) src(%dma_wait3A_31 : memref<6272xi32, #tpu.memory_space<hbm>>) dst(%arg6 : memref<6272xi32, #tpu.memory_space<vmem>>)
        tpu.yield
      }) : () -> ()
      "tpu.region"() ({
        %run_scoped3A = tpu.sem_alloc : memref<!tpu.dma_semaphore, #tpu.memory_space<semaphore_mem>>
        %dma_start3A_28 = tpu.memref_slice %arg4[%mul3A_2] : memref<400000xf32, #tpu.memory_space<hbm>> -> memref<6272xf32, #tpu.memory_space<hbm>>
        %dma_start3A_29 = tpu.memref_slice %arg4[%mul3A_2] : memref<400000xf32, #tpu.memory_space<hbm>> -> memref<6272xf32, #tpu.memory_space<hbm>>
        tpu.enqueue_dma source(%dma_start3A_29 : memref<6272xf32, #tpu.memory_space<hbm>>) target(%arg7 : memref<6272xf32, #tpu.memory_space<vmem>>) target_semaphore(%run_scoped3A : memref<!tpu.dma_semaphore, #tpu.memory_space<semaphore_mem>>)
        %dma_wait3A_30 = tpu.memref_slice %arg4[%mul3A_2] : memref<400000xf32, #tpu.memory_space<hbm>> -> memref<6272xf32, #tpu.memory_space<hbm>>
        %dma_wait3A_31 = tpu.memref_slice %arg4[%mul3A_2] : memref<400000xf32, #tpu.memory_space<hbm>> -> memref<6272xf32, #tpu.memory_space<hbm>>
        tpu.wait_dma2 semaphore(%run_scoped3A : memref<!tpu.dma_semaphore, #tpu.memory_space<semaphore_mem>>) src(%dma_wait3A_31 : memref<6272xf32, #tpu.memory_space<hbm>>) dst(%arg7 : memref<6272xf32, #tpu.memory_space<vmem>>)
        tpu.yield
      }) : () -> ()
      %add3A_26 = arith.constant 200000 : i32
      %add3A_27 = arith.addi %add3A_26, %mul3A_2 : i32
      "tpu.region"() ({
        %run_scoped3A = tpu.sem_alloc : memref<!tpu.dma_semaphore, #tpu.memory_space<semaphore_mem>>
        %dma_start3A_28 = tpu.memref_slice %arg4[%add3A_27] : memref<400000xf32, #tpu.memory_space<hbm>> -> memref<6272xf32, #tpu.memory_space<hbm>>
        %dma_start3A_29 = tpu.memref_slice %arg4[%add3A_27] : memref<400000xf32, #tpu.memory_space<hbm>> -> memref<6272xf32, #tpu.memory_space<hbm>>
        tpu.enqueue_dma source(%dma_start3A_29 : memref<6272xf32, #tpu.memory_space<hbm>>) target(%arg8 : memref<6272xf32, #tpu.memory_space<vmem>>) target_semaphore(%run_scoped3A : memref<!tpu.dma_semaphore, #tpu.memory_space<semaphore_mem>>)
        %dma_wait3A_30 = tpu.memref_slice %arg4[%add3A_27] : memref<400000xf32, #tpu.memory_space<hbm>> -> memref<6272xf32, #tpu.memory_space<hbm>>
        %dma_wait3A_31 = tpu.memref_slice %arg4[%add3A_27] : memref<400000xf32, #tpu.memory_space<hbm>> -> memref<6272xf32, #tpu.memory_space<hbm>>
        tpu.wait_dma2 semaphore(%run_scoped3A : memref<!tpu.dma_semaphore, #tpu.memory_space<semaphore_mem>>) src(%dma_wait3A_31 : memref<6272xf32, #tpu.memory_space<hbm>>) dst(%arg8 : memref<6272xf32, #tpu.memory_space<vmem>>)
        tpu.yield
      }) : () -> ()
    } else {
    }
    %not3A = arith.constant true
    %not3A_6 = arith.xori %lt3A_3, %not3A : i1
    %convert_element_type3A_7 = arith.extui %not3A_6 : i1 to i32
    %cond3A_8 = arith.constant 0 : i32
    %cond3A_9 = arith.cmpi ne, %convert_element_type3A_7, %cond3A_8 : i32
    scf.if %cond3A_9 {
      "tpu.region"() ({
        %run_scoped3A = tpu.sem_alloc : memref<!tpu.dma_semaphore, #tpu.memory_space<semaphore_mem>>
        %dma_start3A_28 = arith.constant 0 : i32
        %dma_start3A_29 = tpu.memref_slice %arg6[%dma_start3A_28] : memref<6272xi32, #tpu.memory_space<vmem>> -> memref<5568xi32, #tpu.memory_space<vmem>>
        %dma_start3A_30 = tpu.memref_slice %arg3[%mul3A_2] : memref<200000xi32, #tpu.memory_space<hbm>> -> memref<5568xi32, #tpu.memory_space<hbm>>
        %dma_start3A_31 = arith.constant 0 : i32
        %dma_start3A_32 = tpu.memref_slice %arg6[%dma_start3A_31] : memref<6272xi32, #tpu.memory_space<vmem>> -> memref<5568xi32, #tpu.memory_space<vmem>>
        %dma_start3A_33 = tpu.memref_slice %arg3[%mul3A_2] : memref<200000xi32, #tpu.memory_space<hbm>> -> memref<5568xi32, #tpu.memory_space<hbm>>
        tpu.enqueue_dma source(%dma_start3A_33 : memref<5568xi32, #tpu.memory_space<hbm>>) target(%dma_start3A_32 : memref<5568xi32, #tpu.memory_space<vmem>>) target_semaphore(%run_scoped3A : memref<!tpu.dma_semaphore, #tpu.memory_space<semaphore_mem>>)
        %dma_wait3A_34 = arith.constant 0 : i32
        %dma_wait3A_35 = tpu.memref_slice %arg6[%dma_wait3A_34] : memref<6272xi32, #tpu.memory_space<vmem>> -> memref<5568xi32, #tpu.memory_space<vmem>>
        %dma_wait3A_36 = tpu.memref_slice %arg3[%mul3A_2] : memref<200000xi32, #tpu.memory_space<hbm>> -> memref<5568xi32, #tpu.memory_space<hbm>>
        %dma_wait3A_37 = arith.constant 0 : i32
        %dma_wait3A_38 = tpu.memref_slice %arg6[%dma_wait3A_37] : memref<6272xi32, #tpu.memory_space<vmem>> -> memref<5568xi32, #tpu.memory_space<vmem>>
        %dma_wait3A_39 = tpu.memref_slice %arg3[%mul3A_2] : memref<200000xi32, #tpu.memory_space<hbm>> -> memref<5568xi32, #tpu.memory_space<hbm>>
        tpu.wait_dma2 semaphore(%run_scoped3A : memref<!tpu.dma_semaphore, #tpu.memory_space<semaphore_mem>>) src(%dma_wait3A_39 : memref<5568xi32, #tpu.memory_space<hbm>>) dst(%dma_wait3A_38 : memref<5568xi32, #tpu.memory_space<vmem>>)
        tpu.yield
      }) : () -> ()
      "tpu.region"() ({
        %run_scoped3A = tpu.sem_alloc : memref<!tpu.dma_semaphore, #tpu.memory_space<semaphore_mem>>
        %dma_start3A_28 = arith.constant 0 : i32
        %dma_start3A_29 = tpu.memref_slice %arg7[%dma_start3A_28] : memref<6272xf32, #tpu.memory_space<vmem>> -> memref<5568xf32, #tpu.memory_space<vmem>>
        %dma_start3A_30 = tpu.memref_slice %arg4[%mul3A_2] : memref<400000xf32, #tpu.memory_space<hbm>> -> memref<5568xf32, #tpu.memory_space<hbm>>
        %dma_start3A_31 = arith.constant 0 : i32
        %dma_start3A_32 = tpu.memref_slice %arg7[%dma_start3A_31] : memref<6272xf32, #tpu.memory_space<vmem>> -> memref<5568xf32, #tpu.memory_space<vmem>>
        %dma_start3A_33 = tpu.memref_slice %arg4[%mul3A_2] : memref<400000xf32, #tpu.memory_space<hbm>> -> memref<5568xf32, #tpu.memory_space<hbm>>
        tpu.enqueue_dma source(%dma_start3A_33 : memref<5568xf32, #tpu.memory_space<hbm>>) target(%dma_start3A_32 : memref<5568xf32, #tpu.memory_space<vmem>>) target_semaphore(%run_scoped3A : memref<!tpu.dma_semaphore, #tpu.memory_space<semaphore_mem>>)
        %dma_wait3A_34 = arith.constant 0 : i32
        %dma_wait3A_35 = tpu.memref_slice %arg7[%dma_wait3A_34] : memref<6272xf32, #tpu.memory_space<vmem>> -> memref<5568xf32, #tpu.memory_space<vmem>>
        %dma_wait3A_36 = tpu.memref_slice %arg4[%mul3A_2] : memref<400000xf32, #tpu.memory_space<hbm>> -> memref<5568xf32, #tpu.memory_space<hbm>>
        %dma_wait3A_37 = arith.constant 0 : i32
        %dma_wait3A_38 = tpu.memref_slice %arg7[%dma_wait3A_37] : memref<6272xf32, #tpu.memory_space<vmem>> -> memref<5568xf32, #tpu.memory_space<vmem>>
        %dma_wait3A_39 = tpu.memref_slice %arg4[%mul3A_2] : memref<400000xf32, #tpu.memory_space<hbm>> -> memref<5568xf32, #tpu.memory_space<hbm>>
        tpu.wait_dma2 semaphore(%run_scoped3A : memref<!tpu.dma_semaphore, #tpu.memory_space<semaphore_mem>>) src(%dma_wait3A_39 : memref<5568xf32, #tpu.memory_space<hbm>>) dst(%dma_wait3A_38 : memref<5568xf32, #tpu.memory_space<vmem>>)
        tpu.yield
      }) : () -> ()
      %add3A_26 = arith.constant 200000 : i32
      %add3A_27 = arith.addi %add3A_26, %mul3A_2 : i32
      "tpu.region"() ({
        %run_scoped3A = tpu.sem_alloc : memref<!tpu.dma_semaphore, #tpu.memory_space<semaphore_mem>>
        %dma_start3A_28 = arith.constant 0 : i32
        %dma_start3A_29 = tpu.memref_slice %arg8[%dma_start3A_28] : memref<6272xf32, #tpu.memory_space<vmem>> -> memref<5568xf32, #tpu.memory_space<vmem>>
        %dma_start3A_30 = tpu.memref_slice %arg4[%add3A_27] : memref<400000xf32, #tpu.memory_space<hbm>> -> memref<5568xf32, #tpu.memory_space<hbm>>
        %dma_start3A_31 = arith.constant 0 : i32
        %dma_start3A_32 = tpu.memref_slice %arg8[%dma_start3A_31] : memref<6272xf32, #tpu.memory_space<vmem>> -> memref<5568xf32, #tpu.memory_space<vmem>>
        %dma_start3A_33 = tpu.memref_slice %arg4[%add3A_27] : memref<400000xf32, #tpu.memory_space<hbm>> -> memref<5568xf32, #tpu.memory_space<hbm>>
        tpu.enqueue_dma source(%dma_start3A_33 : memref<5568xf32, #tpu.memory_space<hbm>>) target(%dma_start3A_32 : memref<5568xf32, #tpu.memory_space<vmem>>) target_semaphore(%run_scoped3A : memref<!tpu.dma_semaphore, #tpu.memory_space<semaphore_mem>>)
        %dma_wait3A_34 = arith.constant 0 : i32
        %dma_wait3A_35 = tpu.memref_slice %arg8[%dma_wait3A_34] : memref<6272xf32, #tpu.memory_space<vmem>> -> memref<5568xf32, #tpu.memory_space<vmem>>
        %dma_wait3A_36 = tpu.memref_slice %arg4[%add3A_27] : memref<400000xf32, #tpu.memory_space<hbm>> -> memref<5568xf32, #tpu.memory_space<hbm>>
        %dma_wait3A_37 = arith.constant 0 : i32
        %dma_wait3A_38 = tpu.memref_slice %arg8[%dma_wait3A_37] : memref<6272xf32, #tpu.memory_space<vmem>> -> memref<5568xf32, #tpu.memory_space<vmem>>
        %dma_wait3A_39 = tpu.memref_slice %arg4[%add3A_27] : memref<400000xf32, #tpu.memory_space<hbm>> -> memref<5568xf32, #tpu.memory_space<hbm>>
        tpu.wait_dma2 semaphore(%run_scoped3A : memref<!tpu.dma_semaphore, #tpu.memory_space<semaphore_mem>>) src(%dma_wait3A_39 : memref<5568xf32, #tpu.memory_space<hbm>>) dst(%dma_wait3A_38 : memref<5568xf32, #tpu.memory_space<vmem>>)
        tpu.yield
      }) : () -> ()
    } else {
    }
    %iota3A = tpu.iota {dimensions = array<i32: 0>} : vector<16xi32>
    %dma_start3A = arith.constant 0 : i32
    %dma_start3A_10 = tpu.memref_slice %arg6[%dma_start3A] : memref<6272xi32, #tpu.memory_space<vmem>> -> memref<64xi32, #tpu.memory_space<vmem>>
    %dma_start3A_11 = arith.constant 0 : i32
    %dma_start3A_12 = arith.constant 0 : i32
    %dma_start3A_13 = tpu.memref_slice %arg2[%dma_start3A_11, %dma_start3A_12] : memref<100000x640xf32, #tpu.memory_space<hbm>> -> memref<100000x640xf32, #tpu.memory_space<hbm>>
    tpu.enqueue_indirect_dma source(%dma_start3A_13 : memref<100000x640xf32, #tpu.memory_space<hbm>>) target(%arg9 : memref<64x640xf32, #tpu.memory_space<vmem>>) offsets(%dma_start3A_10 : memref<64xi32, #tpu.memory_space<vmem>>) semaphore(%arg14 : memref<!tpu.dma_semaphore, #tpu.memory_space<semaphore_mem>>)
    %scan3A = arith.constant 0 : i32
    %scan3A_14 = arith.constant 0 : i32
    %scan3A_15 = arith.constant 49 : i32
    %scan3A_16 = arith.addi %scan3A_14, %scan3A_15 : i32
    %scan3A_17 = arith.constant 1 : i32
    scf.for %scan3A_26 = %scan3A_14 to %scan3A_16 step %scan3A_17  : i32 {
      %mul3A_27 = arith.constant 2 : i32
      %mul3A_28 = arith.muli %mul3A_27, %scan3A_26 : i32
      %add3A_29 = arith.constant 1 : i32
      %add3A_30 = arith.addi %mul3A_28, %add3A_29 : i32
      %lt3A_31 = arith.cmpi slt, %add3A_30, %select_n3A : i32
      %convert_element_type3A_32 = arith.extui %lt3A_31 : i1 to i32
      %cond3A_33 = arith.constant 0 : i32
      %cond3A_34 = arith.cmpi ne, %convert_element_type3A_32, %cond3A_33 : i32
      scf.if %cond3A_34 {
        %add3A_51 = arith.constant 1 : i32
        %add3A_52 = arith.addi %mul3A_28, %add3A_51 : i32
        %mul3A_53 = arith.constant 64 : i32
        %mul3A_54 = arith.muli %add3A_52, %mul3A_53 : i32
        %dma_start3A_55 = tpu.memref_slice %arg6[%mul3A_54] : memref<6272xi32, #tpu.memory_space<vmem>> -> memref<64xi32, #tpu.memory_space<vmem>>
        %dma_start3A_56 = arith.constant 0 : i32
        %dma_start3A_57 = arith.constant 0 : i32
        %dma_start3A_58 = tpu.memref_slice %arg2[%dma_start3A_56, %dma_start3A_57] : memref<100000x640xf32, #tpu.memory_space<hbm>> -> memref<100000x640xf32, #tpu.memory_space<hbm>>
        tpu.enqueue_indirect_dma source(%dma_start3A_58 : memref<100000x640xf32, #tpu.memory_space<hbm>>) target(%arg10 : memref<64x640xf32, #tpu.memory_space<vmem>>) offsets(%dma_start3A_55 : memref<64xi32, #tpu.memory_space<vmem>>) semaphore(%arg15 : memref<!tpu.dma_semaphore, #tpu.memory_space<semaphore_mem>>)
      } else {
      }
      %lt3A_35 = arith.cmpi slt, %mul3A_28, %select_n3A : i32
      %convert_element_type3A_36 = arith.extui %lt3A_35 : i1 to i32
      %cond3A_37 = arith.constant 0 : i32
      %cond3A_38 = arith.cmpi ne, %convert_element_type3A_36, %cond3A_37 : i32
      scf.if %cond3A_38 {
        %gt3A = arith.constant 0 : i32
        %gt3A_51 = arith.cmpi sgt, %scan3A_26, %gt3A : i32
        %scan3A_52 = arith.constant 0 : i32
        %scan3A_53 = arith.constant 0 : i32
        %scan3A_54 = arith.constant 4 : i32
        %scan3A_55 = arith.addi %scan3A_53, %scan3A_54 : i32
        %scan3A_56 = arith.constant 1 : i32
        scf.for %scan3A_80 = %scan3A_53 to %scan3A_55 step %scan3A_56  : i32 {
          %mul3A_81 = arith.constant 16 : i32
          %mul3A_82 = arith.muli %scan3A_80, %mul3A_81 : i32
          %add3A_83 = vector.broadcast %mul3A_82 : i32 to vector<16xi32>
          %add3A_84 = arith.addi %add3A_83, %iota3A : vector<16xi32>
          %mul3A_85 = arith.constant 64 : i32
          %mul3A_86 = arith.muli %mul3A_28, %mul3A_85 : i32
          %add3A_87 = vector.broadcast %mul3A_86 : i32 to vector<16xi32>
          %add3A_88 = arith.addi %add3A_87, %add3A_84 : vector<16xi32>
          %gather3A = tpu.vector_load_idx %arg7[%add3A_88] : memref<6272xf32, #tpu.memory_space<vmem>>[vector<16xi32>], vector<16xf32>,
          %gather3A_89 = tpu.vector_load_idx %arg8[%add3A_88] : memref<6272xf32, #tpu.memory_space<vmem>>[vector<16xi32>], vector<16xf32>,
          %mul3A_90 = arith.constant 0.251188636 : f32
          %mul3A_91 = vector.broadcast %mul3A_90 : f32 to vector<16xf32>
          %mul3A_92 = arith.mulf %gather3A, %mul3A_91 : vector<16xf32>
          %mul3A_93 = arith.mulf %mul3A_92, %mul3A_92 : vector<16xf32>
          %mul3A_94 = arith.mulf %mul3A_92, %mul3A_93 : vector<16xf32>
          %mul3A_95 = arith.constant -1.98412701E-4 : f32
          %mul3A_96 = vector.broadcast %mul3A_95 : f32 to vector<16xf32>
          %mul3A_97 = arith.mulf %mul3A_93, %mul3A_96 : vector<16xf32>
          %add3A_98 = arith.constant 0.00833333377 : f32
          %add3A_99 = vector.broadcast %add3A_98 : f32 to vector<16xf32>
          %add3A_100 = arith.addf %add3A_99, %mul3A_97 : vector<16xf32>
          %mul3A_101 = arith.mulf %mul3A_93, %add3A_100 : vector<16xf32>
          %add3A_102 = arith.constant -0.166666672 : f32
          %add3A_103 = vector.broadcast %add3A_102 : f32 to vector<16xf32>
          %add3A_104 = arith.addf %add3A_103, %mul3A_101 : vector<16xf32>
          %mul3A_105 = arith.mulf %mul3A_94, %add3A_104 : vector<16xf32>
          %add3A_106 = arith.addf %mul3A_92, %mul3A_105 : vector<16xf32>
          %mul3A_107 = arith.constant -0.00138888892 : f32
          %mul3A_108 = vector.broadcast %mul3A_107 : f32 to vector<16xf32>
          %mul3A_109 = arith.mulf %mul3A_93, %mul3A_108 : vector<16xf32>
          %add3A_110 = arith.constant 0.0416666679 : f32
          %add3A_111 = vector.broadcast %add3A_110 : f32 to vector<16xf32>
          %add3A_112 = arith.addf %add3A_111, %mul3A_109 : vector<16xf32>
          %mul3A_113 = arith.mulf %mul3A_93, %add3A_112 : vector<16xf32>
          %add3A_114 = arith.constant -5.000000e-01 : f32
          %add3A_115 = vector.broadcast %add3A_114 : f32 to vector<16xf32>
          %add3A_116 = arith.addf %add3A_115, %mul3A_113 : vector<16xf32>
          %mul3A_117 = arith.mulf %mul3A_93, %add3A_116 : vector<16xf32>
          %add3A_118 = arith.constant 1.000000e+00 : f32
          %add3A_119 = vector.broadcast %add3A_118 : f32 to vector<16xf32>
          %add3A_120 = arith.addf %add3A_119, %mul3A_117 : vector<16xf32>
          %broadcast_in_dim3A = arith.constant 0 : i32
          %broadcast_in_dim3A_121 = vector.broadcast %broadcast_in_dim3A : i32 to vector<16xi32>
          tpu.vector_store_idx %arg13[%add3A_84, %broadcast_in_dim3A_121], %add3A_106 : memref<64x40xf32, #tpu.memory_space<vmem>>[vector<16xi32>, vector<16xi32>], vector<16xf32>,
          %broadcast_in_dim3A_122 = arith.constant 1 : i32
          %broadcast_in_dim3A_123 = vector.broadcast %broadcast_in_dim3A_122 : i32 to vector<16xi32>
          tpu.vector_store_idx %arg13[%add3A_84, %broadcast_in_dim3A_123], %add3A_120 : memref<64x40xf32, #tpu.memory_space<vmem>>[vector<16xi32>, vector<16xi32>], vector<16xf32>,
          %mul3A_124 = arith.constant 0.0630957335 : f32
          %mul3A_125 = vector.broadcast %mul3A_124 : f32 to vector<16xf32>
          %mul3A_126 = arith.mulf %gather3A, %mul3A_125 : vector<16xf32>
          %mul3A_127 = arith.mulf %mul3A_126, %mul3A_126 : vector<16xf32>
          %mul3A_128 = arith.mulf %mul3A_126, %mul3A_127 : vector<16xf32>
          %mul3A_129 = arith.constant -1.98412701E-4 : f32
          %mul3A_130 = vector.broadcast %mul3A_129 : f32 to vector<16xf32>
          %mul3A_131 = arith.mulf %mul3A_127, %mul3A_130 : vector<16xf32>
          %add3A_132 = arith.constant 0.00833333377 : f32
          %add3A_133 = vector.broadcast %add3A_132 : f32 to vector<16xf32>
          %add3A_134 = arith.addf %add3A_133, %mul3A_131 : vector<16xf32>
          %mul3A_135 = arith.mulf %mul3A_127, %add3A_134 : vector<16xf32>
          %add3A_136 = arith.constant -0.166666672 : f32
          %add3A_137 = vector.broadcast %add3A_136 : f32 to vector<16xf32>
          %add3A_138 = arith.addf %add3A_137, %mul3A_135 : vector<16xf32>
          %mul3A_139 = arith.mulf %mul3A_128, %add3A_138 : vector<16xf32>
          %add3A_140 = arith.addf %mul3A_126, %mul3A_139 : vector<16xf32>
          %mul3A_141 = arith.constant -0.00138888892 : f32
          %mul3A_142 = vector.broadcast %mul3A_141 : f32 to vector<16xf32>
          %mul3A_143 = arith.mulf %mul3A_127, %mul3A_142 : vector<16xf32>
          %add3A_144 = arith.constant 0.0416666679 : f32
          %add3A_145 = vector.broadcast %add3A_144 : f32 to vector<16xf32>
          %add3A_146 = arith.addf %add3A_145, %mul3A_143 : vector<16xf32>
          %mul3A_147 = arith.mulf %mul3A_127, %add3A_146 : vector<16xf32>
          %add3A_148 = arith.constant -5.000000e-01 : f32
          %add3A_149 = vector.broadcast %add3A_148 : f32 to vector<16xf32>
          %add3A_150 = arith.addf %add3A_149, %mul3A_147 : vector<16xf32>
          %mul3A_151 = arith.mulf %mul3A_127, %add3A_150 : vector<16xf32>
          %add3A_152 = arith.constant 1.000000e+00 : f32
          %add3A_153 = vector.broadcast %add3A_152 : f32 to vector<16xf32>
          %add3A_154 = arith.addf %add3A_153, %mul3A_151 : vector<16xf32>
          %broadcast_in_dim3A_155 = arith.constant 2 : i32
          %broadcast_in_dim3A_156 = vector.broadcast %broadcast_in_dim3A_155 : i32 to vector<16xi32>
          tpu.vector_store_idx %arg13[%add3A_84, %broadcast_in_dim3A_156], %add3A_140 : memref<64x40xf32, #tpu.memory_space<vmem>>[vector<16xi32>, vector<16xi32>], vector<16xf32>,
          %broadcast_in_dim3A_157 = arith.constant 3 : i32
          %broadcast_in_dim3A_158 = vector.broadcast %broadcast_in_dim3A_157 : i32 to vector<16xi32>
          tpu.vector_store_idx %arg13[%add3A_84, %broadcast_in_dim3A_158], %add3A_154 : memref<64x40xf32, #tpu.memory_space<vmem>>[vector<16xi32>, vector<16xi32>], vector<16xf32>,
          %mul3A_159 = arith.constant 0.0158489328 : f32
          %mul3A_160 = vector.broadcast %mul3A_159 : f32 to vector<16xf32>
          %mul3A_161 = arith.mulf %gather3A, %mul3A_160 : vector<16xf32>
          %mul3A_162 = arith.mulf %mul3A_161, %mul3A_161 : vector<16xf32>
          %mul3A_163 = arith.mulf %mul3A_161, %mul3A_162 : vector<16xf32>
          %mul3A_164 = arith.constant -1.98412701E-4 : f32
          %mul3A_165 = vector.broadcast %mul3A_164 : f32 to vector<16xf32>
          %mul3A_166 = arith.mulf %mul3A_162, %mul3A_165 : vector<16xf32>
          %add3A_167 = arith.constant 0.00833333377 : f32
          %add3A_168 = vector.broadcast %add3A_167 : f32 to vector<16xf32>
          %add3A_169 = arith.addf %add3A_168, %mul3A_166 : vector<16xf32>
          %mul3A_170 = arith.mulf %mul3A_162, %add3A_169 : vector<16xf32>
          %add3A_171 = arith.constant -0.166666672 : f32
          %add3A_172 = vector.broadcast %add3A_171 : f32 to vector<16xf32>
          %add3A_173 = arith.addf %add3A_172, %mul3A_170 : vector<16xf32>
          %mul3A_174 = arith.mulf %mul3A_163, %add3A_173 : vector<16xf32>
          %add3A_175 = arith.addf %mul3A_161, %mul3A_174 : vector<16xf32>
          %mul3A_176 = arith.constant -0.00138888892 : f32
          %mul3A_177 = vector.broadcast %mul3A_176 : f32 to vector<16xf32>
          %mul3A_178 = arith.mulf %mul3A_162, %mul3A_177 : vector<16xf32>
          %add3A_179 = arith.constant 0.0416666679 : f32
          %add3A_180 = vector.broadcast %add3A_179 : f32 to vector<16xf32>
          %add3A_181 = arith.addf %add3A_180, %mul3A_178 : vector<16xf32>
          %mul3A_182 = arith.mulf %mul3A_162, %add3A_181 : vector<16xf32>
          %add3A_183 = arith.constant -5.000000e-01 : f32
          %add3A_184 = vector.broadcast %add3A_183 : f32 to vector<16xf32>
          %add3A_185 = arith.addf %add3A_184, %mul3A_182 : vector<16xf32>
          %mul3A_186 = arith.mulf %mul3A_162, %add3A_185 : vector<16xf32>
          %add3A_187 = arith.constant 1.000000e+00 : f32
          %add3A_188 = vector.broadcast %add3A_187 : f32 to vector<16xf32>
          %add3A_189 = arith.addf %add3A_188, %mul3A_186 : vector<16xf32>
          %broadcast_in_dim3A_190 = arith.constant 4 : i32
          %broadcast_in_dim3A_191 = vector.broadcast %broadcast_in_dim3A_190 : i32 to vector<16xi32>
          tpu.vector_store_idx %arg13[%add3A_84, %broadcast_in_dim3A_191], %add3A_175 : memref<64x40xf32, #tpu.memory_space<vmem>>[vector<16xi32>, vector<16xi32>], vector<16xf32>,
          %broadcast_in_dim3A_192 = arith.constant 5 : i32
          %broadcast_in_dim3A_193 = vector.broadcast %broadcast_in_dim3A_192 : i32 to vector<16xi32>
          tpu.vector_store_idx %arg13[%add3A_84, %broadcast_in_dim3A_193], %add3A_189 : memref<64x40xf32, #tpu.memory_space<vmem>>[vector<16xi32>, vector<16xi32>], vector<16xf32>,
          %mul3A_194 = arith.constant 0.00398107152 : f32
          %mul3A_195 = vector.broadcast %mul3A_194 : f32 to vector<16xf32>
          %mul3A_196 = arith.mulf %gather3A, %mul3A_195 : vector<16xf32>
          %mul3A_197 = arith.mulf %mul3A_196, %mul3A_196 : vector<16xf32>
          %mul3A_198 = arith.mulf %mul3A_196, %mul3A_197 : vector<16xf32>
          %mul3A_199 = arith.constant -1.98412701E-4 : f32
          %mul3A_200 = vector.broadcast %mul3A_199 : f32 to vector<16xf32>
          %mul3A_201 = arith.mulf %mul3A_197, %mul3A_200 : vector<16xf32>
          %add3A_202 = arith.constant 0.00833333377 : f32
          %add3A_203 = vector.broadcast %add3A_202 : f32 to vector<16xf32>
          %add3A_204 = arith.addf %add3A_203, %mul3A_201 : vector<16xf32>
          %mul3A_205 = arith.mulf %mul3A_197, %add3A_204 : vector<16xf32>
          %add3A_206 = arith.constant -0.166666672 : f32
          %add3A_207 = vector.broadcast %add3A_206 : f32 to vector<16xf32>
          %add3A_208 = arith.addf %add3A_207, %mul3A_205 : vector<16xf32>
          %mul3A_209 = arith.mulf %mul3A_198, %add3A_208 : vector<16xf32>
          %add3A_210 = arith.addf %mul3A_196, %mul3A_209 : vector<16xf32>
          %mul3A_211 = arith.constant -0.00138888892 : f32
          %mul3A_212 = vector.broadcast %mul3A_211 : f32 to vector<16xf32>
          %mul3A_213 = arith.mulf %mul3A_197, %mul3A_212 : vector<16xf32>
          %add3A_214 = arith.constant 0.0416666679 : f32
          %add3A_215 = vector.broadcast %add3A_214 : f32 to vector<16xf32>
          %add3A_216 = arith.addf %add3A_215, %mul3A_213 : vector<16xf32>
          %mul3A_217 = arith.mulf %mul3A_197, %add3A_216 : vector<16xf32>
          %add3A_218 = arith.constant -5.000000e-01 : f32
          %add3A_219 = vector.broadcast %add3A_218 : f32 to vector<16xf32>
          %add3A_220 = arith.addf %add3A_219, %mul3A_217 : vector<16xf32>
          %mul3A_221 = arith.mulf %mul3A_197, %add3A_220 : vector<16xf32>
          %add3A_222 = arith.constant 1.000000e+00 : f32
          %add3A_223 = vector.broadcast %add3A_222 : f32 to vector<16xf32>
          %add3A_224 = arith.addf %add3A_223, %mul3A_221 : vector<16xf32>
          %broadcast_in_dim3A_225 = arith.constant 6 : i32
          %broadcast_in_dim3A_226 = vector.broadcast %broadcast_in_dim3A_225 : i32 to vector<16xi32>
          tpu.vector_store_idx %arg13[%add3A_84, %broadcast_in_dim3A_226], %add3A_210 : memref<64x40xf32, #tpu.memory_space<vmem>>[vector<16xi32>, vector<16xi32>], vector<16xf32>,
          %broadcast_in_dim3A_227 = arith.constant 7 : i32
          %broadcast_in_dim3A_228 = vector.broadcast %broadcast_in_dim3A_227 : i32 to vector<16xi32>
          tpu.vector_store_idx %arg13[%add3A_84, %broadcast_in_dim3A_228], %add3A_224 : memref<64x40xf32, #tpu.memory_space<vmem>>[vector<16xi32>, vector<16xi32>], vector<16xf32>,
          %mul3A_229 = arith.constant 1.000000e-03 : f32
          %mul3A_230 = vector.broadcast %mul3A_229 : f32 to vector<16xf32>
          %mul3A_231 = arith.mulf %gather3A, %mul3A_230 : vector<16xf32>
          %mul3A_232 = arith.mulf %mul3A_231, %mul3A_231 : vector<16xf32>
          %mul3A_233 = arith.mulf %mul3A_231, %mul3A_232 : vector<16xf32>
          %mul3A_234 = arith.constant -1.98412701E-4 : f32
          %mul3A_235 = vector.broadcast %mul3A_234 : f32 to vector<16xf32>
          %mul3A_236 = arith.mulf %mul3A_232, %mul3A_235 : vector<16xf32>
          %add3A_237 = arith.constant 0.00833333377 : f32
          %add3A_238 = vector.broadcast %add3A_237 : f32 to vector<16xf32>
          %add3A_239 = arith.addf %add3A_238, %mul3A_236 : vector<16xf32>
          %mul3A_240 = arith.mulf %mul3A_232, %add3A_239 : vector<16xf32>
          %add3A_241 = arith.constant -0.166666672 : f32
          %add3A_242 = vector.broadcast %add3A_241 : f32 to vector<16xf32>
          %add3A_243 = arith.addf %add3A_242, %mul3A_240 : vector<16xf32>
          %mul3A_244 = arith.mulf %mul3A_233, %add3A_243 : vector<16xf32>
          %add3A_245 = arith.addf %mul3A_231, %mul3A_244 : vector<16xf32>
          %mul3A_246 = arith.constant -0.00138888892 : f32
          %mul3A_247 = vector.broadcast %mul3A_246 : f32 to vector<16xf32>
          %mul3A_248 = arith.mulf %mul3A_232, %mul3A_247 : vector<16xf32>
          %add3A_249 = arith.constant 0.0416666679 : f32
          %add3A_250 = vector.broadcast %add3A_249 : f32 to vector<16xf32>
          %add3A_251 = arith.addf %add3A_250, %mul3A_248 : vector<16xf32>
          %mul3A_252 = arith.mulf %mul3A_232, %add3A_251 : vector<16xf32>
          %add3A_253 = arith.constant -5.000000e-01 : f32
          %add3A_254 = vector.broadcast %add3A_253 : f32 to vector<16xf32>
          %add3A_255 = arith.addf %add3A_254, %mul3A_252 : vector<16xf32>
          %mul3A_256 = arith.mulf %mul3A_232, %add3A_255 : vector<16xf32>
          %add3A_257 = arith.constant 1.000000e+00 : f32
          %add3A_258 = vector.broadcast %add3A_257 : f32 to vector<16xf32>
          %add3A_259 = arith.addf %add3A_258, %mul3A_256 : vector<16xf32>
          %broadcast_in_dim3A_260 = arith.constant 8 : i32
          %broadcast_in_dim3A_261 = vector.broadcast %broadcast_in_dim3A_260 : i32 to vector<16xi32>
          tpu.vector_store_idx %arg13[%add3A_84, %broadcast_in_dim3A_261], %add3A_245 : memref<64x40xf32, #tpu.memory_space<vmem>>[vector<16xi32>, vector<16xi32>], vector<16xf32>,
          %broadcast_in_dim3A_262 = arith.constant 9 : i32
          %broadcast_in_dim3A_263 = vector.broadcast %broadcast_in_dim3A_262 : i32 to vector<16xi32>
          tpu.vector_store_idx %arg13[%add3A_84, %broadcast_in_dim3A_263], %add3A_259 : memref<64x40xf32, #tpu.memory_space<vmem>>[vector<16xi32>, vector<16xi32>], vector<16xf32>,
          %mul3A_264 = arith.constant 2.51188641E-4 : f32
          %mul3A_265 = vector.broadcast %mul3A_264 : f32 to vector<16xf32>
          %mul3A_266 = arith.mulf %gather3A, %mul3A_265 : vector<16xf32>
          %mul3A_267 = arith.mulf %mul3A_266, %mul3A_266 : vector<16xf32>
          %mul3A_268 = arith.mulf %mul3A_266, %mul3A_267 : vector<16xf32>
          %mul3A_269 = arith.constant -1.98412701E-4 : f32
          %mul3A_270 = vector.broadcast %mul3A_269 : f32 to vector<16xf32>
          %mul3A_271 = arith.mulf %mul3A_267, %mul3A_270 : vector<16xf32>
          %add3A_272 = arith.constant 0.00833333377 : f32
          %add3A_273 = vector.broadcast %add3A_272 : f32 to vector<16xf32>
          %add3A_274 = arith.addf %add3A_273, %mul3A_271 : vector<16xf32>
          %mul3A_275 = arith.mulf %mul3A_267, %add3A_274 : vector<16xf32>
          %add3A_276 = arith.constant -0.166666672 : f32
          %add3A_277 = vector.broadcast %add3A_276 : f32 to vector<16xf32>
          %add3A_278 = arith.addf %add3A_277, %mul3A_275 : vector<16xf32>
          %mul3A_279 = arith.mulf %mul3A_268, %add3A_278 : vector<16xf32>
          %add3A_280 = arith.addf %mul3A_266, %mul3A_279 : vector<16xf32>
          %mul3A_281 = arith.constant -0.00138888892 : f32
          %mul3A_282 = vector.broadcast %mul3A_281 : f32 to vector<16xf32>
          %mul3A_283 = arith.mulf %mul3A_267, %mul3A_282 : vector<16xf32>
          %add3A_284 = arith.constant 0.0416666679 : f32
          %add3A_285 = vector.broadcast %add3A_284 : f32 to vector<16xf32>
          %add3A_286 = arith.addf %add3A_285, %mul3A_283 : vector<16xf32>
          %mul3A_287 = arith.mulf %mul3A_267, %add3A_286 : vector<16xf32>
          %add3A_288 = arith.constant -5.000000e-01 : f32
          %add3A_289 = vector.broadcast %add3A_288 : f32 to vector<16xf32>
          %add3A_290 = arith.addf %add3A_289, %mul3A_287 : vector<16xf32>
          %mul3A_291 = arith.mulf %mul3A_267, %add3A_290 : vector<16xf32>
          %add3A_292 = arith.constant 1.000000e+00 : f32
          %add3A_293 = vector.broadcast %add3A_292 : f32 to vector<16xf32>
          %add3A_294 = arith.addf %add3A_293, %mul3A_291 : vector<16xf32>
          %broadcast_in_dim3A_295 = arith.constant 10 : i32
          %broadcast_in_dim3A_296 = vector.broadcast %broadcast_in_dim3A_295 : i32 to vector<16xi32>
          tpu.vector_store_idx %arg13[%add3A_84, %broadcast_in_dim3A_296], %add3A_280 : memref<64x40xf32, #tpu.memory_space<vmem>>[vector<16xi32>, vector<16xi32>], vector<16xf32>,
          %broadcast_in_dim3A_297 = arith.constant 11 : i32
          %broadcast_in_dim3A_298 = vector.broadcast %broadcast_in_dim3A_297 : i32 to vector<16xi32>
          tpu.vector_store_idx %arg13[%add3A_84, %broadcast_in_dim3A_298], %add3A_294 : memref<64x40xf32, #tpu.memory_space<vmem>>[vector<16xi32>, vector<16xi32>], vector<16xf32>,
          %mul3A_299 = arith.constant 6.30957366E-5 : f32
          %mul3A_300 = vector.broadcast %mul3A_299 : f32 to vector<16xf32>
          %mul3A_301 = arith.mulf %gather3A, %mul3A_300 : vector<16xf32>
          %mul3A_302 = arith.mulf %mul3A_301, %mul3A_301 : vector<16xf32>
          %mul3A_303 = arith.mulf %mul3A_301, %mul3A_302 : vector<16xf32>
          %mul3A_304 = arith.constant -1.98412701E-4 : f32
          %mul3A_305 = vector.broadcast %mul3A_304 : f32 to vector<16xf32>
          %mul3A_306 = arith.mulf %mul3A_302, %mul3A_305 : vector<16xf32>
          %add3A_307 = arith.constant 0.00833333377 : f32
          %add3A_308 = vector.broadcast %add3A_307 : f32 to vector<16xf32>
          %add3A_309 = arith.addf %add3A_308, %mul3A_306 : vector<16xf32>
          %mul3A_310 = arith.mulf %mul3A_302, %add3A_309 : vector<16xf32>
          %add3A_311 = arith.constant -0.166666672 : f32
          %add3A_312 = vector.broadcast %add3A_311 : f32 to vector<16xf32>
          %add3A_313 = arith.addf %add3A_312, %mul3A_310 : vector<16xf32>
          %mul3A_314 = arith.mulf %mul3A_303, %add3A_313 : vector<16xf32>
          %add3A_315 = arith.addf %mul3A_301, %mul3A_314 : vector<16xf32>
          %mul3A_316 = arith.constant -0.00138888892 : f32
          %mul3A_317 = vector.broadcast %mul3A_316 : f32 to vector<16xf32>
          %mul3A_318 = arith.mulf %mul3A_302, %mul3A_317 : vector<16xf32>
          %add3A_319 = arith.constant 0.0416666679 : f32
          %add3A_320 = vector.broadcast %add3A_319 : f32 to vector<16xf32>
          %add3A_321 = arith.addf %add3A_320, %mul3A_318 : vector<16xf32>
          %mul3A_322 = arith.mulf %mul3A_302, %add3A_321 : vector<16xf32>
          %add3A_323 = arith.constant -5.000000e-01 : f32
          %add3A_324 = vector.broadcast %add3A_323 : f32 to vector<16xf32>
          %add3A_325 = arith.addf %add3A_324, %mul3A_322 : vector<16xf32>
          %mul3A_326 = arith.mulf %mul3A_302, %add3A_325 : vector<16xf32>
          %add3A_327 = arith.constant 1.000000e+00 : f32
          %add3A_328 = vector.broadcast %add3A_327 : f32 to vector<16xf32>
          %add3A_329 = arith.addf %add3A_328, %mul3A_326 : vector<16xf32>
          %broadcast_in_dim3A_330 = arith.constant 12 : i32
          %broadcast_in_dim3A_331 = vector.broadcast %broadcast_in_dim3A_330 : i32 to vector<16xi32>
          tpu.vector_store_idx %arg13[%add3A_84, %broadcast_in_dim3A_331], %add3A_315 : memref<64x40xf32, #tpu.memory_space<vmem>>[vector<16xi32>, vector<16xi32>], vector<16xf32>,
          %broadcast_in_dim3A_332 = arith.constant 13 : i32
          %broadcast_in_dim3A_333 = vector.broadcast %broadcast_in_dim3A_332 : i32 to vector<16xi32>
          tpu.vector_store_idx %arg13[%add3A_84, %broadcast_in_dim3A_333], %add3A_329 : memref<64x40xf32, #tpu.memory_space<vmem>>[vector<16xi32>, vector<16xi32>], vector<16xf32>,
          %mul3A_334 = arith.constant 1.58489311E-5 : f32
          %mul3A_335 = vector.broadcast %mul3A_334 : f32 to vector<16xf32>
          %mul3A_336 = arith.mulf %gather3A, %mul3A_335 : vector<16xf32>
          %mul3A_337 = arith.mulf %mul3A_336, %mul3A_336 : vector<16xf32>
          %mul3A_338 = arith.mulf %mul3A_336, %mul3A_337 : vector<16xf32>
          %mul3A_339 = arith.constant -1.98412701E-4 : f32
          %mul3A_340 = vector.broadcast %mul3A_339 : f32 to vector<16xf32>
          %mul3A_341 = arith.mulf %mul3A_337, %mul3A_340 : vector<16xf32>
          %add3A_342 = arith.constant 0.00833333377 : f32
          %add3A_343 = vector.broadcast %add3A_342 : f32 to vector<16xf32>
          %add3A_344 = arith.addf %add3A_343, %mul3A_341 : vector<16xf32>
          %mul3A_345 = arith.mulf %mul3A_337, %add3A_344 : vector<16xf32>
          %add3A_346 = arith.constant -0.166666672 : f32
          %add3A_347 = vector.broadcast %add3A_346 : f32 to vector<16xf32>
          %add3A_348 = arith.addf %add3A_347, %mul3A_345 : vector<16xf32>
          %mul3A_349 = arith.mulf %mul3A_338, %add3A_348 : vector<16xf32>
          %add3A_350 = arith.addf %mul3A_336, %mul3A_349 : vector<16xf32>
          %mul3A_351 = arith.constant -0.00138888892 : f32
          %mul3A_352 = vector.broadcast %mul3A_351 : f32 to vector<16xf32>
          %mul3A_353 = arith.mulf %mul3A_337, %mul3A_352 : vector<16xf32>
          %add3A_354 = arith.constant 0.0416666679 : f32
          %add3A_355 = vector.broadcast %add3A_354 : f32 to vector<16xf32>
          %add3A_356 = arith.addf %add3A_355, %mul3A_353 : vector<16xf32>
          %mul3A_357 = arith.mulf %mul3A_337, %add3A_356 : vector<16xf32>
          %add3A_358 = arith.constant -5.000000e-01 : f32
          %add3A_359 = vector.broadcast %add3A_358 : f32 to vector<16xf32>
          %add3A_360 = arith.addf %add3A_359, %mul3A_357 : vector<16xf32>
          %mul3A_361 = arith.mulf %mul3A_337, %add3A_360 : vector<16xf32>
          %add3A_362 = arith.constant 1.000000e+00 : f32
          %add3A_363 = vector.broadcast %add3A_362 : f32 to vector<16xf32>
          %add3A_364 = arith.addf %add3A_363, %mul3A_361 : vector<16xf32>
          %broadcast_in_dim3A_365 = arith.constant 14 : i32
          %broadcast_in_dim3A_366 = vector.broadcast %broadcast_in_dim3A_365 : i32 to vector<16xi32>
          tpu.vector_store_idx %arg13[%add3A_84, %broadcast_in_dim3A_366], %add3A_350 : memref<64x40xf32, #tpu.memory_space<vmem>>[vector<16xi32>, vector<16xi32>], vector<16xf32>,
          %broadcast_in_dim3A_367 = arith.constant 15 : i32
          %broadcast_in_dim3A_368 = vector.broadcast %broadcast_in_dim3A_367 : i32 to vector<16xi32>
          tpu.vector_store_idx %arg13[%add3A_84, %broadcast_in_dim3A_368], %add3A_364 : memref<64x40xf32, #tpu.memory_space<vmem>>[vector<16xi32>, vector<16xi32>], vector<16xf32>,
          %mul3A_369 = arith.constant 3.98107159E-6 : f32
          %mul3A_370 = vector.broadcast %mul3A_369 : f32 to vector<16xf32>
          %mul3A_371 = arith.mulf %gather3A, %mul3A_370 : vector<16xf32>
          %mul3A_372 = arith.mulf %mul3A_371, %mul3A_371 : vector<16xf32>
          %mul3A_373 = arith.mulf %mul3A_371, %mul3A_372 : vector<16xf32>
          %mul3A_374 = arith.constant -1.98412701E-4 : f32
          %mul3A_375 = vector.broadcast %mul3A_374 : f32 to vector<16xf32>
          %mul3A_376 = arith.mulf %mul3A_372, %mul3A_375 : vector<16xf32>
          %add3A_377 = arith.constant 0.00833333377 : f32
          %add3A_378 = vector.broadcast %add3A_377 : f32 to vector<16xf32>
          %add3A_379 = arith.addf %add3A_378, %mul3A_376 : vector<16xf32>
          %mul3A_380 = arith.mulf %mul3A_372, %add3A_379 : vector<16xf32>
          %add3A_381 = arith.constant -0.166666672 : f32
          %add3A_382 = vector.broadcast %add3A_381 : f32 to vector<16xf32>
          %add3A_383 = arith.addf %add3A_382, %mul3A_380 : vector<16xf32>
          %mul3A_384 = arith.mulf %mul3A_373, %add3A_383 : vector<16xf32>
          %add3A_385 = arith.addf %mul3A_371, %mul3A_384 : vector<16xf32>
          %mul3A_386 = arith.constant -0.00138888892 : f32
          %mul3A_387 = vector.broadcast %mul3A_386 : f32 to vector<16xf32>
          %mul3A_388 = arith.mulf %mul3A_372, %mul3A_387 : vector<16xf32>
          %add3A_389 = arith.constant 0.0416666679 : f32
          %add3A_390 = vector.broadcast %add3A_389 : f32 to vector<16xf32>
          %add3A_391 = arith.addf %add3A_390, %mul3A_388 : vector<16xf32>
          %mul3A_392 = arith.mulf %mul3A_372, %add3A_391 : vector<16xf32>
          %add3A_393 = arith.constant -5.000000e-01 : f32
          %add3A_394 = vector.broadcast %add3A_393 : f32 to vector<16xf32>
          %add3A_395 = arith.addf %add3A_394, %mul3A_392 : vector<16xf32>
          %mul3A_396 = arith.mulf %mul3A_372, %add3A_395 : vector<16xf32>
          %add3A_397 = arith.constant 1.000000e+00 : f32
          %add3A_398 = vector.broadcast %add3A_397 : f32 to vector<16xf32>
          %add3A_399 = arith.addf %add3A_398, %mul3A_396 : vector<16xf32>
          %broadcast_in_dim3A_400 = arith.constant 16 : i32
          %broadcast_in_dim3A_401 = vector.broadcast %broadcast_in_dim3A_400 : i32 to vector<16xi32>
          tpu.vector_store_idx %arg13[%add3A_84, %broadcast_in_dim3A_401], %add3A_385 : memref<64x40xf32, #tpu.memory_space<vmem>>[vector<16xi32>, vector<16xi32>], vector<16xf32>,
          %broadcast_in_dim3A_402 = arith.constant 17 : i32
          %broadcast_in_dim3A_403 = vector.broadcast %broadcast_in_dim3A_402 : i32 to vector<16xi32>
          tpu.vector_store_idx %arg13[%add3A_84, %broadcast_in_dim3A_403], %add3A_399 : memref<64x40xf32, #tpu.memory_space<vmem>>[vector<16xi32>, vector<16xi32>], vector<16xf32>,
          %mul3A_404 = arith.constant 9.99999997E-7 : f32
          %mul3A_405 = vector.broadcast %mul3A_404 : f32 to vector<16xf32>
          %mul3A_406 = arith.mulf %gather3A, %mul3A_405 : vector<16xf32>
          %mul3A_407 = arith.mulf %mul3A_406, %mul3A_406 : vector<16xf32>
          %mul3A_408 = arith.mulf %mul3A_406, %mul3A_407 : vector<16xf32>
          %mul3A_409 = arith.constant -1.98412701E-4 : f32
          %mul3A_410 = vector.broadcast %mul3A_409 : f32 to vector<16xf32>
          %mul3A_411 = arith.mulf %mul3A_407, %mul3A_410 : vector<16xf32>
          %add3A_412 = arith.constant 0.00833333377 : f32
          %add3A_413 = vector.broadcast %add3A_412 : f32 to vector<16xf32>
          %add3A_414 = arith.addf %add3A_413, %mul3A_411 : vector<16xf32>
          %mul3A_415 = arith.mulf %mul3A_407, %add3A_414 : vector<16xf32>
          %add3A_416 = arith.constant -0.166666672 : f32
          %add3A_417 = vector.broadcast %add3A_416 : f32 to vector<16xf32>
          %add3A_418 = arith.addf %add3A_417, %mul3A_415 : vector<16xf32>
          %mul3A_419 = arith.mulf %mul3A_408, %add3A_418 : vector<16xf32>
          %add3A_420 = arith.addf %mul3A_406, %mul3A_419 : vector<16xf32>
          %mul3A_421 = arith.constant -0.00138888892 : f32
          %mul3A_422 = vector.broadcast %mul3A_421 : f32 to vector<16xf32>
          %mul3A_423 = arith.mulf %mul3A_407, %mul3A_422 : vector<16xf32>
          %add3A_424 = arith.constant 0.0416666679 : f32
          %add3A_425 = vector.broadcast %add3A_424 : f32 to vector<16xf32>
          %add3A_426 = arith.addf %add3A_425, %mul3A_423 : vector<16xf32>
          %mul3A_427 = arith.mulf %mul3A_407, %add3A_426 : vector<16xf32>
          %add3A_428 = arith.constant -5.000000e-01 : f32
          %add3A_429 = vector.broadcast %add3A_428 : f32 to vector<16xf32>
          %add3A_430 = arith.addf %add3A_429, %mul3A_427 : vector<16xf32>
          %mul3A_431 = arith.mulf %mul3A_407, %add3A_430 : vector<16xf32>
          %add3A_432 = arith.constant 1.000000e+00 : f32
          %add3A_433 = vector.broadcast %add3A_432 : f32 to vector<16xf32>
          %add3A_434 = arith.addf %add3A_433, %mul3A_431 : vector<16xf32>
          %broadcast_in_dim3A_435 = arith.constant 18 : i32
          %broadcast_in_dim3A_436 = vector.broadcast %broadcast_in_dim3A_435 : i32 to vector<16xi32>
          tpu.vector_store_idx %arg13[%add3A_84, %broadcast_in_dim3A_436], %add3A_420 : memref<64x40xf32, #tpu.memory_space<vmem>>[vector<16xi32>, vector<16xi32>], vector<16xf32>,
          %broadcast_in_dim3A_437 = arith.constant 19 : i32
          %broadcast_in_dim3A_438 = vector.broadcast %broadcast_in_dim3A_437 : i32 to vector<16xi32>
          tpu.vector_store_idx %arg13[%add3A_84, %broadcast_in_dim3A_438], %add3A_434 : memref<64x40xf32, #tpu.memory_space<vmem>>[vector<16xi32>, vector<16xi32>], vector<16xf32>,
          %mul3A_439 = arith.constant 0.251188636 : f32
          %mul3A_440 = vector.broadcast %mul3A_439 : f32 to vector<16xf32>
          %mul3A_441 = arith.mulf %gather3A_89, %mul3A_440 : vector<16xf32>
          %mul3A_442 = arith.mulf %mul3A_441, %mul3A_441 : vector<16xf32>
          %mul3A_443 = arith.mulf %mul3A_441, %mul3A_442 : vector<16xf32>
          %mul3A_444 = arith.constant -1.98412701E-4 : f32
          %mul3A_445 = vector.broadcast %mul3A_444 : f32 to vector<16xf32>
          %mul3A_446 = arith.mulf %mul3A_442, %mul3A_445 : vector<16xf32>
          %add3A_447 = arith.constant 0.00833333377 : f32
          %add3A_448 = vector.broadcast %add3A_447 : f32 to vector<16xf32>
          %add3A_449 = arith.addf %add3A_448, %mul3A_446 : vector<16xf32>
          %mul3A_450 = arith.mulf %mul3A_442, %add3A_449 : vector<16xf32>
          %add3A_451 = arith.constant -0.166666672 : f32
          %add3A_452 = vector.broadcast %add3A_451 : f32 to vector<16xf32>
          %add3A_453 = arith.addf %add3A_452, %mul3A_450 : vector<16xf32>
          %mul3A_454 = arith.mulf %mul3A_443, %add3A_453 : vector<16xf32>
          %add3A_455 = arith.addf %mul3A_441, %mul3A_454 : vector<16xf32>
          %mul3A_456 = arith.constant -0.00138888892 : f32
          %mul3A_457 = vector.broadcast %mul3A_456 : f32 to vector<16xf32>
          %mul3A_458 = arith.mulf %mul3A_442, %mul3A_457 : vector<16xf32>
          %add3A_459 = arith.constant 0.0416666679 : f32
          %add3A_460 = vector.broadcast %add3A_459 : f32 to vector<16xf32>
          %add3A_461 = arith.addf %add3A_460, %mul3A_458 : vector<16xf32>
          %mul3A_462 = arith.mulf %mul3A_442, %add3A_461 : vector<16xf32>
          %add3A_463 = arith.constant -5.000000e-01 : f32
          %add3A_464 = vector.broadcast %add3A_463 : f32 to vector<16xf32>
          %add3A_465 = arith.addf %add3A_464, %mul3A_462 : vector<16xf32>
          %mul3A_466 = arith.mulf %mul3A_442, %add3A_465 : vector<16xf32>
          %add3A_467 = arith.constant 1.000000e+00 : f32
          %add3A_468 = vector.broadcast %add3A_467 : f32 to vector<16xf32>
          %add3A_469 = arith.addf %add3A_468, %mul3A_466 : vector<16xf32>
          %broadcast_in_dim3A_470 = arith.constant 20 : i32
          %broadcast_in_dim3A_471 = vector.broadcast %broadcast_in_dim3A_470 : i32 to vector<16xi32>
          tpu.vector_store_idx %arg13[%add3A_84, %broadcast_in_dim3A_471], %add3A_455 : memref<64x40xf32, #tpu.memory_space<vmem>>[vector<16xi32>, vector<16xi32>], vector<16xf32>,
          %broadcast_in_dim3A_472 = arith.constant 21 : i32
          %broadcast_in_dim3A_473 = vector.broadcast %broadcast_in_dim3A_472 : i32 to vector<16xi32>
          tpu.vector_store_idx %arg13[%add3A_84, %broadcast_in_dim3A_473], %add3A_469 : memref<64x40xf32, #tpu.memory_space<vmem>>[vector<16xi32>, vector<16xi32>], vector<16xf32>,
          %mul3A_474 = arith.constant 0.0630957335 : f32
          %mul3A_475 = vector.broadcast %mul3A_474 : f32 to vector<16xf32>
          %mul3A_476 = arith.mulf %gather3A_89, %mul3A_475 : vector<16xf32>
          %mul3A_477 = arith.mulf %mul3A_476, %mul3A_476 : vector<16xf32>
          %mul3A_478 = arith.mulf %mul3A_476, %mul3A_477 : vector<16xf32>
          %mul3A_479 = arith.constant -1.98412701E-4 : f32
          %mul3A_480 = vector.broadcast %mul3A_479 : f32 to vector<16xf32>
          %mul3A_481 = arith.mulf %mul3A_477, %mul3A_480 : vector<16xf32>
          %add3A_482 = arith.constant 0.00833333377 : f32
          %add3A_483 = vector.broadcast %add3A_482 : f32 to vector<16xf32>
          %add3A_484 = arith.addf %add3A_483, %mul3A_481 : vector<16xf32>
          %mul3A_485 = arith.mulf %mul3A_477, %add3A_484 : vector<16xf32>
          %add3A_486 = arith.constant -0.166666672 : f32
          %add3A_487 = vector.broadcast %add3A_486 : f32 to vector<16xf32>
          %add3A_488 = arith.addf %add3A_487, %mul3A_485 : vector<16xf32>
          %mul3A_489 = arith.mulf %mul3A_478, %add3A_488 : vector<16xf32>
          %add3A_490 = arith.addf %mul3A_476, %mul3A_489 : vector<16xf32>
          %mul3A_491 = arith.constant -0.00138888892 : f32
          %mul3A_492 = vector.broadcast %mul3A_491 : f32 to vector<16xf32>
          %mul3A_493 = arith.mulf %mul3A_477, %mul3A_492 : vector<16xf32>
          %add3A_494 = arith.constant 0.0416666679 : f32
          %add3A_495 = vector.broadcast %add3A_494 : f32 to vector<16xf32>
          %add3A_496 = arith.addf %add3A_495, %mul3A_493 : vector<16xf32>
          %mul3A_497 = arith.mulf %mul3A_477, %add3A_496 : vector<16xf32>
          %add3A_498 = arith.constant -5.000000e-01 : f32
          %add3A_499 = vector.broadcast %add3A_498 : f32 to vector<16xf32>
          %add3A_500 = arith.addf %add3A_499, %mul3A_497 : vector<16xf32>
          %mul3A_501 = arith.mulf %mul3A_477, %add3A_500 : vector<16xf32>
          %add3A_502 = arith.constant 1.000000e+00 : f32
          %add3A_503 = vector.broadcast %add3A_502 : f32 to vector<16xf32>
          %add3A_504 = arith.addf %add3A_503, %mul3A_501 : vector<16xf32>
          %broadcast_in_dim3A_505 = arith.constant 22 : i32
          %broadcast_in_dim3A_506 = vector.broadcast %broadcast_in_dim3A_505 : i32 to vector<16xi32>
          tpu.vector_store_idx %arg13[%add3A_84, %broadcast_in_dim3A_506], %add3A_490 : memref<64x40xf32, #tpu.memory_space<vmem>>[vector<16xi32>, vector<16xi32>], vector<16xf32>,
          %broadcast_in_dim3A_507 = arith.constant 23 : i32
          %broadcast_in_dim3A_508 = vector.broadcast %broadcast_in_dim3A_507 : i32 to vector<16xi32>
          tpu.vector_store_idx %arg13[%add3A_84, %broadcast_in_dim3A_508], %add3A_504 : memref<64x40xf32, #tpu.memory_space<vmem>>[vector<16xi32>, vector<16xi32>], vector<16xf32>,
          %mul3A_509 = arith.constant 0.0158489328 : f32
          %mul3A_510 = vector.broadcast %mul3A_509 : f32 to vector<16xf32>
          %mul3A_511 = arith.mulf %gather3A_89, %mul3A_510 : vector<16xf32>
          %mul3A_512 = arith.mulf %mul3A_511, %mul3A_511 : vector<16xf32>
          %mul3A_513 = arith.mulf %mul3A_511, %mul3A_512 : vector<16xf32>
          %mul3A_514 = arith.constant -1.98412701E-4 : f32
          %mul3A_515 = vector.broadcast %mul3A_514 : f32 to vector<16xf32>
          %mul3A_516 = arith.mulf %mul3A_512, %mul3A_515 : vector<16xf32>
          %add3A_517 = arith.constant 0.00833333377 : f32
          %add3A_518 = vector.broadcast %add3A_517 : f32 to vector<16xf32>
          %add3A_519 = arith.addf %add3A_518, %mul3A_516 : vector<16xf32>
          %mul3A_520 = arith.mulf %mul3A_512, %add3A_519 : vector<16xf32>
          %add3A_521 = arith.constant -0.166666672 : f32
          %add3A_522 = vector.broadcast %add3A_521 : f32 to vector<16xf32>
          %add3A_523 = arith.addf %add3A_522, %mul3A_520 : vector<16xf32>
          %mul3A_524 = arith.mulf %mul3A_513, %add3A_523 : vector<16xf32>
          %add3A_525 = arith.addf %mul3A_511, %mul3A_524 : vector<16xf32>
          %mul3A_526 = arith.constant -0.00138888892 : f32
          %mul3A_527 = vector.broadcast %mul3A_526 : f32 to vector<16xf32>
          %mul3A_528 = arith.mulf %mul3A_512, %mul3A_527 : vector<16xf32>
          %add3A_529 = arith.constant 0.0416666679 : f32
          %add3A_530 = vector.broadcast %add3A_529 : f32 to vector<16xf32>
          %add3A_531 = arith.addf %add3A_530, %mul3A_528 : vector<16xf32>
          %mul3A_532 = arith.mulf %mul3A_512, %add3A_531 : vector<16xf32>
          %add3A_533 = arith.constant -5.000000e-01 : f32
          %add3A_534 = vector.broadcast %add3A_533 : f32 to vector<16xf32>
          %add3A_535 = arith.addf %add3A_534, %mul3A_532 : vector<16xf32>
          %mul3A_536 = arith.mulf %mul3A_512, %add3A_535 : vector<16xf32>
          %add3A_537 = arith.constant 1.000000e+00 : f32
          %add3A_538 = vector.broadcast %add3A_537 : f32 to vector<16xf32>
          %add3A_539 = arith.addf %add3A_538, %mul3A_536 : vector<16xf32>
          %broadcast_in_dim3A_540 = arith.constant 24 : i32
          %broadcast_in_dim3A_541 = vector.broadcast %broadcast_in_dim3A_540 : i32 to vector<16xi32>
          tpu.vector_store_idx %arg13[%add3A_84, %broadcast_in_dim3A_541], %add3A_525 : memref<64x40xf32, #tpu.memory_space<vmem>>[vector<16xi32>, vector<16xi32>], vector<16xf32>,
          %broadcast_in_dim3A_542 = arith.constant 25 : i32
          %broadcast_in_dim3A_543 = vector.broadcast %broadcast_in_dim3A_542 : i32 to vector<16xi32>
          tpu.vector_store_idx %arg13[%add3A_84, %broadcast_in_dim3A_543], %add3A_539 : memref<64x40xf32, #tpu.memory_space<vmem>>[vector<16xi32>, vector<16xi32>], vector<16xf32>,
          %mul3A_544 = arith.constant 0.00398107152 : f32
          %mul3A_545 = vector.broadcast %mul3A_544 : f32 to vector<16xf32>
          %mul3A_546 = arith.mulf %gather3A_89, %mul3A_545 : vector<16xf32>
          %mul3A_547 = arith.mulf %mul3A_546, %mul3A_546 : vector<16xf32>
          %mul3A_548 = arith.mulf %mul3A_546, %mul3A_547 : vector<16xf32>
          %mul3A_549 = arith.constant -1.98412701E-4 : f32
          %mul3A_550 = vector.broadcast %mul3A_549 : f32 to vector<16xf32>
          %mul3A_551 = arith.mulf %mul3A_547, %mul3A_550 : vector<16xf32>
          %add3A_552 = arith.constant 0.00833333377 : f32
          %add3A_553 = vector.broadcast %add3A_552 : f32 to vector<16xf32>
          %add3A_554 = arith.addf %add3A_553, %mul3A_551 : vector<16xf32>
          %mul3A_555 = arith.mulf %mul3A_547, %add3A_554 : vector<16xf32>
          %add3A_556 = arith.constant -0.166666672 : f32
          %add3A_557 = vector.broadcast %add3A_556 : f32 to vector<16xf32>
          %add3A_558 = arith.addf %add3A_557, %mul3A_555 : vector<16xf32>
          %mul3A_559 = arith.mulf %mul3A_548, %add3A_558 : vector<16xf32>
          %add3A_560 = arith.addf %mul3A_546, %mul3A_559 : vector<16xf32>
          %mul3A_561 = arith.constant -0.00138888892 : f32
          %mul3A_562 = vector.broadcast %mul3A_561 : f32 to vector<16xf32>
          %mul3A_563 = arith.mulf %mul3A_547, %mul3A_562 : vector<16xf32>
          %add3A_564 = arith.constant 0.0416666679 : f32
          %add3A_565 = vector.broadcast %add3A_564 : f32 to vector<16xf32>
          %add3A_566 = arith.addf %add3A_565, %mul3A_563 : vector<16xf32>
          %mul3A_567 = arith.mulf %mul3A_547, %add3A_566 : vector<16xf32>
          %add3A_568 = arith.constant -5.000000e-01 : f32
          %add3A_569 = vector.broadcast %add3A_568 : f32 to vector<16xf32>
          %add3A_570 = arith.addf %add3A_569, %mul3A_567 : vector<16xf32>
          %mul3A_571 = arith.mulf %mul3A_547, %add3A_570 : vector<16xf32>
          %add3A_572 = arith.constant 1.000000e+00 : f32
          %add3A_573 = vector.broadcast %add3A_572 : f32 to vector<16xf32>
          %add3A_574 = arith.addf %add3A_573, %mul3A_571 : vector<16xf32>
          %broadcast_in_dim3A_575 = arith.constant 26 : i32
          %broadcast_in_dim3A_576 = vector.broadcast %broadcast_in_dim3A_575 : i32 to vector<16xi32>
          tpu.vector_store_idx %arg13[%add3A_84, %broadcast_in_dim3A_576], %add3A_560 : memref<64x40xf32, #tpu.memory_space<vmem>>[vector<16xi32>, vector<16xi32>], vector<16xf32>,
          %broadcast_in_dim3A_577 = arith.constant 27 : i32
          %broadcast_in_dim3A_578 = vector.broadcast %broadcast_in_dim3A_577 : i32 to vector<16xi32>
          tpu.vector_store_idx %arg13[%add3A_84, %broadcast_in_dim3A_578], %add3A_574 : memref<64x40xf32, #tpu.memory_space<vmem>>[vector<16xi32>, vector<16xi32>], vector<16xf32>,
          %mul3A_579 = arith.constant 1.000000e-03 : f32
          %mul3A_580 = vector.broadcast %mul3A_579 : f32 to vector<16xf32>
          %mul3A_581 = arith.mulf %gather3A_89, %mul3A_580 : vector<16xf32>
          %mul3A_582 = arith.mulf %mul3A_581, %mul3A_581 : vector<16xf32>
          %mul3A_583 = arith.mulf %mul3A_581, %mul3A_582 : vector<16xf32>
          %mul3A_584 = arith.constant -1.98412701E-4 : f32
          %mul3A_585 = vector.broadcast %mul3A_584 : f32 to vector<16xf32>
          %mul3A_586 = arith.mulf %mul3A_582, %mul3A_585 : vector<16xf32>
          %add3A_587 = arith.constant 0.00833333377 : f32
          %add3A_588 = vector.broadcast %add3A_587 : f32 to vector<16xf32>
          %add3A_589 = arith.addf %add3A_588, %mul3A_586 : vector<16xf32>
          %mul3A_590 = arith.mulf %mul3A_582, %add3A_589 : vector<16xf32>
          %add3A_591 = arith.constant -0.166666672 : f32
          %add3A_592 = vector.broadcast %add3A_591 : f32 to vector<16xf32>
          %add3A_593 = arith.addf %add3A_592, %mul3A_590 : vector<16xf32>
          %mul3A_594 = arith.mulf %mul3A_583, %add3A_593 : vector<16xf32>
          %add3A_595 = arith.addf %mul3A_581, %mul3A_594 : vector<16xf32>
          %mul3A_596 = arith.constant -0.00138888892 : f32
          %mul3A_597 = vector.broadcast %mul3A_596 : f32 to vector<16xf32>
          %mul3A_598 = arith.mulf %mul3A_582, %mul3A_597 : vector<16xf32>
          %add3A_599 = arith.constant 0.0416666679 : f32
          %add3A_600 = vector.broadcast %add3A_599 : f32 to vector<16xf32>
          %add3A_601 = arith.addf %add3A_600, %mul3A_598 : vector<16xf32>
          %mul3A_602 = arith.mulf %mul3A_582, %add3A_601 : vector<16xf32>
          %add3A_603 = arith.constant -5.000000e-01 : f32
          %add3A_604 = vector.broadcast %add3A_603 : f32 to vector<16xf32>
          %add3A_605 = arith.addf %add3A_604, %mul3A_602 : vector<16xf32>
          %mul3A_606 = arith.mulf %mul3A_582, %add3A_605 : vector<16xf32>
          %add3A_607 = arith.constant 1.000000e+00 : f32
          %add3A_608 = vector.broadcast %add3A_607 : f32 to vector<16xf32>
          %add3A_609 = arith.addf %add3A_608, %mul3A_606 : vector<16xf32>
          %broadcast_in_dim3A_610 = arith.constant 28 : i32
          %broadcast_in_dim3A_611 = vector.broadcast %broadcast_in_dim3A_610 : i32 to vector<16xi32>
          tpu.vector_store_idx %arg13[%add3A_84, %broadcast_in_dim3A_611], %add3A_595 : memref<64x40xf32, #tpu.memory_space<vmem>>[vector<16xi32>, vector<16xi32>], vector<16xf32>,
          %broadcast_in_dim3A_612 = arith.constant 29 : i32
          %broadcast_in_dim3A_613 = vector.broadcast %broadcast_in_dim3A_612 : i32 to vector<16xi32>
          tpu.vector_store_idx %arg13[%add3A_84, %broadcast_in_dim3A_613], %add3A_609 : memref<64x40xf32, #tpu.memory_space<vmem>>[vector<16xi32>, vector<16xi32>], vector<16xf32>,
          %mul3A_614 = arith.constant 2.51188641E-4 : f32
          %mul3A_615 = vector.broadcast %mul3A_614 : f32 to vector<16xf32>
          %mul3A_616 = arith.mulf %gather3A_89, %mul3A_615 : vector<16xf32>
          %mul3A_617 = arith.mulf %mul3A_616, %mul3A_616 : vector<16xf32>
          %mul3A_618 = arith.mulf %mul3A_616, %mul3A_617 : vector<16xf32>
          %mul3A_619 = arith.constant -1.98412701E-4 : f32
          %mul3A_620 = vector.broadcast %mul3A_619 : f32 to vector<16xf32>
          %mul3A_621 = arith.mulf %mul3A_617, %mul3A_620 : vector<16xf32>
          %add3A_622 = arith.constant 0.00833333377 : f32
          %add3A_623 = vector.broadcast %add3A_622 : f32 to vector<16xf32>
          %add3A_624 = arith.addf %add3A_623, %mul3A_621 : vector<16xf32>
          %mul3A_625 = arith.mulf %mul3A_617, %add3A_624 : vector<16xf32>
          %add3A_626 = arith.constant -0.166666672 : f32
          %add3A_627 = vector.broadcast %add3A_626 : f32 to vector<16xf32>
          %add3A_628 = arith.addf %add3A_627, %mul3A_625 : vector<16xf32>
          %mul3A_629 = arith.mulf %mul3A_618, %add3A_628 : vector<16xf32>
          %add3A_630 = arith.addf %mul3A_616, %mul3A_629 : vector<16xf32>
          %mul3A_631 = arith.constant -0.00138888892 : f32
          %mul3A_632 = vector.broadcast %mul3A_631 : f32 to vector<16xf32>
          %mul3A_633 = arith.mulf %mul3A_617, %mul3A_632 : vector<16xf32>
          %add3A_634 = arith.constant 0.0416666679 : f32
          %add3A_635 = vector.broadcast %add3A_634 : f32 to vector<16xf32>
          %add3A_636 = arith.addf %add3A_635, %mul3A_633 : vector<16xf32>
          %mul3A_637 = arith.mulf %mul3A_617, %add3A_636 : vector<16xf32>
          %add3A_638 = arith.constant -5.000000e-01 : f32
          %add3A_639 = vector.broadcast %add3A_638 : f32 to vector<16xf32>
          %add3A_640 = arith.addf %add3A_639, %mul3A_637 : vector<16xf32>
          %mul3A_641 = arith.mulf %mul3A_617, %add3A_640 : vector<16xf32>
          %add3A_642 = arith.constant 1.000000e+00 : f32
          %add3A_643 = vector.broadcast %add3A_642 : f32 to vector<16xf32>
          %add3A_644 = arith.addf %add3A_643, %mul3A_641 : vector<16xf32>
          %broadcast_in_dim3A_645 = arith.constant 30 : i32
          %broadcast_in_dim3A_646 = vector.broadcast %broadcast_in_dim3A_645 : i32 to vector<16xi32>
          tpu.vector_store_idx %arg13[%add3A_84, %broadcast_in_dim3A_646], %add3A_630 : memref<64x40xf32, #tpu.memory_space<vmem>>[vector<16xi32>, vector<16xi32>], vector<16xf32>,
          %broadcast_in_dim3A_647 = arith.constant 31 : i32
          %broadcast_in_dim3A_648 = vector.broadcast %broadcast_in_dim3A_647 : i32 to vector<16xi32>
          tpu.vector_store_idx %arg13[%add3A_84, %broadcast_in_dim3A_648], %add3A_644 : memref<64x40xf32, #tpu.memory_space<vmem>>[vector<16xi32>, vector<16xi32>], vector<16xf32>,
          %mul3A_649 = arith.constant 6.30957366E-5 : f32
          %mul3A_650 = vector.broadcast %mul3A_649 : f32 to vector<16xf32>
          %mul3A_651 = arith.mulf %gather3A_89, %mul3A_650 : vector<16xf32>
          %mul3A_652 = arith.mulf %mul3A_651, %mul3A_651 : vector<16xf32>
          %mul3A_653 = arith.mulf %mul3A_651, %mul3A_652 : vector<16xf32>
          %mul3A_654 = arith.constant -1.98412701E-4 : f32
          %mul3A_655 = vector.broadcast %mul3A_654 : f32 to vector<16xf32>
          %mul3A_656 = arith.mulf %mul3A_652, %mul3A_655 : vector<16xf32>
          %add3A_657 = arith.constant 0.00833333377 : f32
          %add3A_658 = vector.broadcast %add3A_657 : f32 to vector<16xf32>
          %add3A_659 = arith.addf %add3A_658, %mul3A_656 : vector<16xf32>
          %mul3A_660 = arith.mulf %mul3A_652, %add3A_659 : vector<16xf32>
          %add3A_661 = arith.constant -0.166666672 : f32
          %add3A_662 = vector.broadcast %add3A_661 : f32 to vector<16xf32>
          %add3A_663 = arith.addf %add3A_662, %mul3A_660 : vector<16xf32>
          %mul3A_664 = arith.mulf %mul3A_653, %add3A_663 : vector<16xf32>
          %add3A_665 = arith.addf %mul3A_651, %mul3A_664 : vector<16xf32>
          %mul3A_666 = arith.constant -0.00138888892 : f32
          %mul3A_667 = vector.broadcast %mul3A_666 : f32 to vector<16xf32>
          %mul3A_668 = arith.mulf %mul3A_652, %mul3A_667 : vector<16xf32>
          %add3A_669 = arith.constant 0.0416666679 : f32
          %add3A_670 = vector.broadcast %add3A_669 : f32 to vector<16xf32>
          %add3A_671 = arith.addf %add3A_670, %mul3A_668 : vector<16xf32>
          %mul3A_672 = arith.mulf %mul3A_652, %add3A_671 : vector<16xf32>
          %add3A_673 = arith.constant -5.000000e-01 : f32
          %add3A_674 = vector.broadcast %add3A_673 : f32 to vector<16xf32>
          %add3A_675 = arith.addf %add3A_674, %mul3A_672 : vector<16xf32>
          %mul3A_676 = arith.mulf %mul3A_652, %add3A_675 : vector<16xf32>
          %add3A_677 = arith.constant 1.000000e+00 : f32
          %add3A_678 = vector.broadcast %add3A_677 : f32 to vector<16xf32>
          %add3A_679 = arith.addf %add3A_678, %mul3A_676 : vector<16xf32>
          %broadcast_in_dim3A_680 = arith.constant 32 : i32
          %broadcast_in_dim3A_681 = vector.broadcast %broadcast_in_dim3A_680 : i32 to vector<16xi32>
          tpu.vector_store_idx %arg13[%add3A_84, %broadcast_in_dim3A_681], %add3A_665 : memref<64x40xf32, #tpu.memory_space<vmem>>[vector<16xi32>, vector<16xi32>], vector<16xf32>,
          %broadcast_in_dim3A_682 = arith.constant 33 : i32
          %broadcast_in_dim3A_683 = vector.broadcast %broadcast_in_dim3A_682 : i32 to vector<16xi32>
          tpu.vector_store_idx %arg13[%add3A_84, %broadcast_in_dim3A_683], %add3A_679 : memref<64x40xf32, #tpu.memory_space<vmem>>[vector<16xi32>, vector<16xi32>], vector<16xf32>,
          %mul3A_684 = arith.constant 1.58489311E-5 : f32
          %mul3A_685 = vector.broadcast %mul3A_684 : f32 to vector<16xf32>
          %mul3A_686 = arith.mulf %gather3A_89, %mul3A_685 : vector<16xf32>
          %mul3A_687 = arith.mulf %mul3A_686, %mul3A_686 : vector<16xf32>
          %mul3A_688 = arith.mulf %mul3A_686, %mul3A_687 : vector<16xf32>
          %mul3A_689 = arith.constant -1.98412701E-4 : f32
          %mul3A_690 = vector.broadcast %mul3A_689 : f32 to vector<16xf32>
          %mul3A_691 = arith.mulf %mul3A_687, %mul3A_690 : vector<16xf32>
          %add3A_692 = arith.constant 0.00833333377 : f32
          %add3A_693 = vector.broadcast %add3A_692 : f32 to vector<16xf32>
          %add3A_694 = arith.addf %add3A_693, %mul3A_691 : vector<16xf32>
          %mul3A_695 = arith.mulf %mul3A_687, %add3A_694 : vector<16xf32>
          %add3A_696 = arith.constant -0.166666672 : f32
          %add3A_697 = vector.broadcast %add3A_696 : f32 to vector<16xf32>
          %add3A_698 = arith.addf %add3A_697, %mul3A_695 : vector<16xf32>
          %mul3A_699 = arith.mulf %mul3A_688, %add3A_698 : vector<16xf32>
          %add3A_700 = arith.addf %mul3A_686, %mul3A_699 : vector<16xf32>
          %mul3A_701 = arith.constant -0.00138888892 : f32
          %mul3A_702 = vector.broadcast %mul3A_701 : f32 to vector<16xf32>
          %mul3A_703 = arith.mulf %mul3A_687, %mul3A_702 : vector<16xf32>
          %add3A_704 = arith.constant 0.0416666679 : f32
          %add3A_705 = vector.broadcast %add3A_704 : f32 to vector<16xf32>
          %add3A_706 = arith.addf %add3A_705, %mul3A_703 : vector<16xf32>
          %mul3A_707 = arith.mulf %mul3A_687, %add3A_706 : vector<16xf32>
          %add3A_708 = arith.constant -5.000000e-01 : f32
          %add3A_709 = vector.broadcast %add3A_708 : f32 to vector<16xf32>
          %add3A_710 = arith.addf %add3A_709, %mul3A_707 : vector<16xf32>
          %mul3A_711 = arith.mulf %mul3A_687, %add3A_710 : vector<16xf32>
          %add3A_712 = arith.constant 1.000000e+00 : f32
          %add3A_713 = vector.broadcast %add3A_712 : f32 to vector<16xf32>
          %add3A_714 = arith.addf %add3A_713, %mul3A_711 : vector<16xf32>
          %broadcast_in_dim3A_715 = arith.constant 34 : i32
          %broadcast_in_dim3A_716 = vector.broadcast %broadcast_in_dim3A_715 : i32 to vector<16xi32>
          tpu.vector_store_idx %arg13[%add3A_84, %broadcast_in_dim3A_716], %add3A_700 : memref<64x40xf32, #tpu.memory_space<vmem>>[vector<16xi32>, vector<16xi32>], vector<16xf32>,
          %broadcast_in_dim3A_717 = arith.constant 35 : i32
          %broadcast_in_dim3A_718 = vector.broadcast %broadcast_in_dim3A_717 : i32 to vector<16xi32>
          tpu.vector_store_idx %arg13[%add3A_84, %broadcast_in_dim3A_718], %add3A_714 : memref<64x40xf32, #tpu.memory_space<vmem>>[vector<16xi32>, vector<16xi32>], vector<16xf32>,
          %mul3A_719 = arith.constant 3.98107159E-6 : f32
          %mul3A_720 = vector.broadcast %mul3A_719 : f32 to vector<16xf32>
          %mul3A_721 = arith.mulf %gather3A_89, %mul3A_720 : vector<16xf32>
          %mul3A_722 = arith.mulf %mul3A_721, %mul3A_721 : vector<16xf32>
          %mul3A_723 = arith.mulf %mul3A_721, %mul3A_722 : vector<16xf32>
          %mul3A_724 = arith.constant -1.98412701E-4 : f32
          %mul3A_725 = vector.broadcast %mul3A_724 : f32 to vector<16xf32>
          %mul3A_726 = arith.mulf %mul3A_722, %mul3A_725 : vector<16xf32>
          %add3A_727 = arith.constant 0.00833333377 : f32
          %add3A_728 = vector.broadcast %add3A_727 : f32 to vector<16xf32>
          %add3A_729 = arith.addf %add3A_728, %mul3A_726 : vector<16xf32>
          %mul3A_730 = arith.mulf %mul3A_722, %add3A_729 : vector<16xf32>
          %add3A_731 = arith.constant -0.166666672 : f32
          %add3A_732 = vector.broadcast %add3A_731 : f32 to vector<16xf32>
          %add3A_733 = arith.addf %add3A_732, %mul3A_730 : vector<16xf32>
          %mul3A_734 = arith.mulf %mul3A_723, %add3A_733 : vector<16xf32>
          %add3A_735 = arith.addf %mul3A_721, %mul3A_734 : vector<16xf32>
          %mul3A_736 = arith.constant -0.00138888892 : f32
          %mul3A_737 = vector.broadcast %mul3A_736 : f32 to vector<16xf32>
          %mul3A_738 = arith.mulf %mul3A_722, %mul3A_737 : vector<16xf32>
          %add3A_739 = arith.constant 0.0416666679 : f32
          %add3A_740 = vector.broadcast %add3A_739 : f32 to vector<16xf32>
          %add3A_741 = arith.addf %add3A_740, %mul3A_738 : vector<16xf32>
          %mul3A_742 = arith.mulf %mul3A_722, %add3A_741 : vector<16xf32>
          %add3A_743 = arith.constant -5.000000e-01 : f32
          %add3A_744 = vector.broadcast %add3A_743 : f32 to vector<16xf32>
          %add3A_745 = arith.addf %add3A_744, %mul3A_742 : vector<16xf32>
          %mul3A_746 = arith.mulf %mul3A_722, %add3A_745 : vector<16xf32>
          %add3A_747 = arith.constant 1.000000e+00 : f32
          %add3A_748 = vector.broadcast %add3A_747 : f32 to vector<16xf32>
          %add3A_749 = arith.addf %add3A_748, %mul3A_746 : vector<16xf32>
          %broadcast_in_dim3A_750 = arith.constant 36 : i32
          %broadcast_in_dim3A_751 = vector.broadcast %broadcast_in_dim3A_750 : i32 to vector<16xi32>
          tpu.vector_store_idx %arg13[%add3A_84, %broadcast_in_dim3A_751], %add3A_735 : memref<64x40xf32, #tpu.memory_space<vmem>>[vector<16xi32>, vector<16xi32>], vector<16xf32>,
          %broadcast_in_dim3A_752 = arith.constant 37 : i32
          %broadcast_in_dim3A_753 = vector.broadcast %broadcast_in_dim3A_752 : i32 to vector<16xi32>
          tpu.vector_store_idx %arg13[%add3A_84, %broadcast_in_dim3A_753], %add3A_749 : memref<64x40xf32, #tpu.memory_space<vmem>>[vector<16xi32>, vector<16xi32>], vector<16xf32>,
          %mul3A_754 = arith.constant 9.99999997E-7 : f32
          %mul3A_755 = vector.broadcast %mul3A_754 : f32 to vector<16xf32>
          %mul3A_756 = arith.mulf %gather3A_89, %mul3A_755 : vector<16xf32>
          %mul3A_757 = arith.mulf %mul3A_756, %mul3A_756 : vector<16xf32>
          %mul3A_758 = arith.mulf %mul3A_756, %mul3A_757 : vector<16xf32>
          %mul3A_759 = arith.constant -1.98412701E-4 : f32
          %mul3A_760 = vector.broadcast %mul3A_759 : f32 to vector<16xf32>
          %mul3A_761 = arith.mulf %mul3A_757, %mul3A_760 : vector<16xf32>
          %add3A_762 = arith.constant 0.00833333377 : f32
          %add3A_763 = vector.broadcast %add3A_762 : f32 to vector<16xf32>
          %add3A_764 = arith.addf %add3A_763, %mul3A_761 : vector<16xf32>
          %mul3A_765 = arith.mulf %mul3A_757, %add3A_764 : vector<16xf32>
          %add3A_766 = arith.constant -0.166666672 : f32
          %add3A_767 = vector.broadcast %add3A_766 : f32 to vector<16xf32>
          %add3A_768 = arith.addf %add3A_767, %mul3A_765 : vector<16xf32>
          %mul3A_769 = arith.mulf %mul3A_758, %add3A_768 : vector<16xf32>
          %add3A_770 = arith.addf %mul3A_756, %mul3A_769 : vector<16xf32>
          %mul3A_771 = arith.constant -0.00138888892 : f32
          %mul3A_772 = vector.broadcast %mul3A_771 : f32 to vector<16xf32>
          %mul3A_773 = arith.mulf %mul3A_757, %mul3A_772 : vector<16xf32>
          %add3A_774 = arith.constant 0.0416666679 : f32
          %add3A_775 = vector.broadcast %add3A_774 : f32 to vector<16xf32>
          %add3A_776 = arith.addf %add3A_775, %mul3A_773 : vector<16xf32>
          %mul3A_777 = arith.mulf %mul3A_757, %add3A_776 : vector<16xf32>
          %add3A_778 = arith.constant -5.000000e-01 : f32
          %add3A_779 = vector.broadcast %add3A_778 : f32 to vector<16xf32>
          %add3A_780 = arith.addf %add3A_779, %mul3A_777 : vector<16xf32>
          %mul3A_781 = arith.mulf %mul3A_757, %add3A_780 : vector<16xf32>
          %add3A_782 = arith.constant 1.000000e+00 : f32
          %add3A_783 = vector.broadcast %add3A_782 : f32 to vector<16xf32>
          %add3A_784 = arith.addf %add3A_783, %mul3A_781 : vector<16xf32>
          %broadcast_in_dim3A_785 = arith.constant 38 : i32
          %broadcast_in_dim3A_786 = vector.broadcast %broadcast_in_dim3A_785 : i32 to vector<16xi32>
          tpu.vector_store_idx %arg13[%add3A_84, %broadcast_in_dim3A_786], %add3A_770 : memref<64x40xf32, #tpu.memory_space<vmem>>[vector<16xi32>, vector<16xi32>], vector<16xf32>,
          %broadcast_in_dim3A_787 = arith.constant 39 : i32
          %broadcast_in_dim3A_788 = vector.broadcast %broadcast_in_dim3A_787 : i32 to vector<16xi32>
          tpu.vector_store_idx %arg13[%add3A_84, %broadcast_in_dim3A_788], %add3A_784 : memref<64x40xf32, #tpu.memory_space<vmem>>[vector<16xi32>, vector<16xi32>], vector<16xf32>,
        }
        %scan3A_57 = arith.constant 4 : i32
        %mul3A_58 = arith.constant 64 : i32
        %mul3A_59 = arith.muli %mul3A_28, %mul3A_58 : i32
        %dma_wait3A_60 = tpu.memref_slice %arg6[%mul3A_59] : memref<6272xi32, #tpu.memory_space<vmem>> -> memref<64xi32, #tpu.memory_space<vmem>>
        %dma_wait3A_61 = arith.constant 0 : i32
        %dma_wait3A_62 = arith.constant 0 : i32
        %dma_wait3A_63 = tpu.memref_slice %arg2[%dma_wait3A_61, %dma_wait3A_62] : memref<100000x640xf32, #tpu.memory_space<hbm>> -> memref<100000x640xf32, #tpu.memory_space<hbm>>
        tpu.wait_indirect_dma semaphore(%arg14 : memref<!tpu.dma_semaphore, #tpu.memory_space<semaphore_mem>>) src(%dma_wait3A_63 : memref<100000x640xf32, #tpu.memory_space<hbm>>) dst(%arg9 : memref<64x640xf32, #tpu.memory_space<vmem>>)
        %convert_element_type3A_64 = arith.extui %gt3A_51 : i1 to i32
        %cond3A_65 = arith.constant 0 : i32
        %cond3A_66 = arith.cmpi ne, %convert_element_type3A_64, %cond3A_65 : i32
        scf.if %cond3A_66 {
          %mul3A_80 = arith.constant 64 : i32
          %mul3A_81 = arith.muli %mul3A_28, %mul3A_80 : i32
          %add3A_82 = arith.addi %mul3A_2, %mul3A_81 : i32
          %dma_wait3A_83 = arith.constant 0 : i32
          %dma_wait3A_84 = tpu.memref_slice %arg5[%add3A_82, %dma_wait3A_83] : memref<200000x16xf32, #tpu.memory_space<hbm>> -> memref<64x16xf32, #tpu.memory_space<hbm>>
          %dma_wait3A_85 = arith.constant 0 : i32
          %dma_wait3A_86 = tpu.memref_slice %arg5[%add3A_82, %dma_wait3A_85] : memref<200000x16xf32, #tpu.memory_space<hbm>> -> memref<64x16xf32, #tpu.memory_space<hbm>>
          tpu.wait_dma2 semaphore(%arg16 : memref<!tpu.dma_semaphore, #tpu.memory_space<semaphore_mem>>) src(%arg11 : memref<64x16xf32, #tpu.memory_space<vmem>>) dst(%dma_wait3A_86 : memref<64x16xf32, #tpu.memory_space<hbm>>)
        } else {
        }
        %scan3A_67 = arith.constant 0 : i32
        %scan3A_68 = arith.constant 0 : i32
        %scan3A_69 = arith.constant 64 : i32
        %scan3A_70 = arith.addi %scan3A_68, %scan3A_69 : i32
        %scan3A_71 = arith.constant 1 : i32
        scf.for %scan3A_80 = %scan3A_68 to %scan3A_70 step %scan3A_71  : i32 {
          %get3A = arith.index_cast %scan3A_80 : i32 to index
          %get3A_81 = arith.constant 0 : index
          %get3A_82 = tpu.vector_load %arg13[%get3A, %get3A_81] {strides = array<i32>} : memref<64x40xf32, #tpu.memory_space<vmem>>, vector<16xf32>,
          %get3A_83 = arith.index_cast %scan3A_80 : i32 to index
          %get3A_84 = arith.constant 16 : index
          %get3A_85 = tpu.vector_load %arg13[%get3A_83, %get3A_84] {strides = array<i32>} : memref<64x40xf32, #tpu.memory_space<vmem>>, vector<16xf32>,
          %get3A_86 = arith.index_cast %scan3A_80 : i32 to index
          %get3A_87 = arith.constant 24 : index
          %get3A_88 = tpu.vector_load %arg13[%get3A_86, %get3A_87] {strides = array<i32>} : memref<64x40xf32, #tpu.memory_space<vmem>>, vector<16xf32>,
          %slice3A = vector.extract_strided_slice %get3A_82 {offsets = [0], sizes = [1], strides = [1]} : vector<16xf32> to vector<1xf32>
          %squeeze3A = vector.extract %slice3A[0] : f32 from vector<1xf32>
          %get3A_89 = arith.index_cast %scan3A_80 : i32 to index
          %get3A_90 = arith.constant 0 : index
          %get3A_91 = tpu.vector_load %arg9[%get3A_89, %get3A_90] {strides = array<i32>} : memref<64x640xf32, #tpu.memory_space<vmem>>, vector<16xf32>,
          %mul3A_92 = vector.broadcast %squeeze3A : f32 to vector<16xf32>
          %mul3A_93 = arith.mulf %mul3A_92, %get3A_91 : vector<16xf32>
          %slice3A_94 = vector.extract_strided_slice %get3A_82 {offsets = [1], sizes = [1], strides = [1]} : vector<16xf32> to vector<1xf32>
          %squeeze3A_95 = vector.extract %slice3A_94[0] : f32 from vector<1xf32>
          %get3A_96 = arith.index_cast %scan3A_80 : i32 to index
          %get3A_97 = arith.constant 16 : index
          %get3A_98 = tpu.vector_load %arg9[%get3A_96, %get3A_97] {strides = array<i32>} : memref<64x640xf32, #tpu.memory_space<vmem>>, vector<16xf32>,
          %mul3A_99 = vector.broadcast %squeeze3A_95 : f32 to vector<16xf32>
          %mul3A_100 = arith.mulf %mul3A_99, %get3A_98 : vector<16xf32>
          %slice3A_101 = vector.extract_strided_slice %get3A_82 {offsets = [2], sizes = [1], strides = [1]} : vector<16xf32> to vector<1xf32>
          %squeeze3A_102 = vector.extract %slice3A_101[0] : f32 from vector<1xf32>
          %get3A_103 = arith.index_cast %scan3A_80 : i32 to index
          %get3A_104 = arith.constant 32 : index
          %get3A_105 = tpu.vector_load %arg9[%get3A_103, %get3A_104] {strides = array<i32>} : memref<64x640xf32, #tpu.memory_space<vmem>>, vector<16xf32>,
          %mul3A_106 = vector.broadcast %squeeze3A_102 : f32 to vector<16xf32>
          %mul3A_107 = arith.mulf %mul3A_106, %get3A_105 : vector<16xf32>
          %slice3A_108 = vector.extract_strided_slice %get3A_82 {offsets = [3], sizes = [1], strides = [1]} : vector<16xf32> to vector<1xf32>
          %squeeze3A_109 = vector.extract %slice3A_108[0] : f32 from vector<1xf32>
          %get3A_110 = arith.index_cast %scan3A_80 : i32 to index
          %get3A_111 = arith.constant 48 : index
          %get3A_112 = tpu.vector_load %arg9[%get3A_110, %get3A_111] {strides = array<i32>} : memref<64x640xf32, #tpu.memory_space<vmem>>, vector<16xf32>,
          %mul3A_113 = vector.broadcast %squeeze3A_109 : f32 to vector<16xf32>
          %mul3A_114 = arith.mulf %mul3A_113, %get3A_112 : vector<16xf32>
          %slice3A_115 = vector.extract_strided_slice %get3A_82 {offsets = [4], sizes = [1], strides = [1]} : vector<16xf32> to vector<1xf32>
          %squeeze3A_116 = vector.extract %slice3A_115[0] : f32 from vector<1xf32>
          %get3A_117 = arith.index_cast %scan3A_80 : i32 to index
          %get3A_118 = arith.constant 64 : index
          %get3A_119 = tpu.vector_load %arg9[%get3A_117, %get3A_118] {strides = array<i32>} : memref<64x640xf32, #tpu.memory_space<vmem>>, vector<16xf32>,
          %mul3A_120 = vector.broadcast %squeeze3A_116 : f32 to vector<16xf32>
          %mul3A_121 = arith.mulf %mul3A_120, %get3A_119 : vector<16xf32>
          %add3A_122 = arith.addf %mul3A_93, %mul3A_121 : vector<16xf32>
          %slice3A_123 = vector.extract_strided_slice %get3A_82 {offsets = [5], sizes = [1], strides = [1]} : vector<16xf32> to vector<1xf32>
          %squeeze3A_124 = vector.extract %slice3A_123[0] : f32 from vector<1xf32>
          %get3A_125 = arith.index_cast %scan3A_80 : i32 to index
          %get3A_126 = arith.constant 80 : index
          %get3A_127 = tpu.vector_load %arg9[%get3A_125, %get3A_126] {strides = array<i32>} : memref<64x640xf32, #tpu.memory_space<vmem>>, vector<16xf32>,
          %mul3A_128 = vector.broadcast %squeeze3A_124 : f32 to vector<16xf32>
          %mul3A_129 = arith.mulf %mul3A_128, %get3A_127 : vector<16xf32>
          %add3A_130 = arith.addf %mul3A_100, %mul3A_129 : vector<16xf32>
          %slice3A_131 = vector.extract_strided_slice %get3A_82 {offsets = [6], sizes = [1], strides = [1]} : vector<16xf32> to vector<1xf32>
          %squeeze3A_132 = vector.extract %slice3A_131[0] : f32 from vector<1xf32>
          %get3A_133 = arith.index_cast %scan3A_80 : i32 to index
          %get3A_134 = arith.constant 96 : index
          %get3A_135 = tpu.vector_load %arg9[%get3A_133, %get3A_134] {strides = array<i32>} : memref<64x640xf32, #tpu.memory_space<vmem>>, vector<16xf32>,
          %mul3A_136 = vector.broadcast %squeeze3A_132 : f32 to vector<16xf32>
          %mul3A_137 = arith.mulf %mul3A_136, %get3A_135 : vector<16xf32>
          %add3A_138 = arith.addf %mul3A_107, %mul3A_137 : vector<16xf32>
          %slice3A_139 = vector.extract_strided_slice %get3A_82 {offsets = [7], sizes = [1], strides = [1]} : vector<16xf32> to vector<1xf32>
          %squeeze3A_140 = vector.extract %slice3A_139[0] : f32 from vector<1xf32>
          %get3A_141 = arith.index_cast %scan3A_80 : i32 to index
          %get3A_142 = arith.constant 112 : index
          %get3A_143 = tpu.vector_load %arg9[%get3A_141, %get3A_142] {strides = array<i32>} : memref<64x640xf32, #tpu.memory_space<vmem>>, vector<16xf32>,
          %mul3A_144 = vector.broadcast %squeeze3A_140 : f32 to vector<16xf32>
          %mul3A_145 = arith.mulf %mul3A_144, %get3A_143 : vector<16xf32>
          %add3A_146 = arith.addf %mul3A_114, %mul3A_145 : vector<16xf32>
          %slice3A_147 = vector.extract_strided_slice %get3A_82 {offsets = [8], sizes = [1], strides = [1]} : vector<16xf32> to vector<1xf32>
          %squeeze3A_148 = vector.extract %slice3A_147[0] : f32 from vector<1xf32>
          %get3A_149 = arith.index_cast %scan3A_80 : i32 to index
          %get3A_150 = arith.constant 128 : index
          %get3A_151 = tpu.vector_load %arg9[%get3A_149, %get3A_150] {strides = array<i32>} : memref<64x640xf32, #tpu.memory_space<vmem>>, vector<16xf32>,
          %mul3A_152 = vector.broadcast %squeeze3A_148 : f32 to vector<16xf32>
          %mul3A_153 = arith.mulf %mul3A_152, %get3A_151 : vector<16xf32>
          %add3A_154 = arith.addf %add3A_122, %mul3A_153 : vector<16xf32>
          %slice3A_155 = vector.extract_strided_slice %get3A_82 {offsets = [9], sizes = [1], strides = [1]} : vector<16xf32> to vector<1xf32>
          %squeeze3A_156 = vector.extract %slice3A_155[0] : f32 from vector<1xf32>
          %get3A_157 = arith.index_cast %scan3A_80 : i32 to index
          %get3A_158 = arith.constant 144 : index
          %get3A_159 = tpu.vector_load %arg9[%get3A_157, %get3A_158] {strides = array<i32>} : memref<64x640xf32, #tpu.memory_space<vmem>>, vector<16xf32>,
          %mul3A_160 = vector.broadcast %squeeze3A_156 : f32 to vector<16xf32>
          %mul3A_161 = arith.mulf %mul3A_160, %get3A_159 : vector<16xf32>
          %add3A_162 = arith.addf %add3A_130, %mul3A_161 : vector<16xf32>
          %slice3A_163 = vector.extract_strided_slice %get3A_82 {offsets = [10], sizes = [1], strides = [1]} : vector<16xf32> to vector<1xf32>
          %squeeze3A_164 = vector.extract %slice3A_163[0] : f32 from vector<1xf32>
          %get3A_165 = arith.index_cast %scan3A_80 : i32 to index
          %get3A_166 = arith.constant 160 : index
          %get3A_167 = tpu.vector_load %arg9[%get3A_165, %get3A_166] {strides = array<i32>} : memref<64x640xf32, #tpu.memory_space<vmem>>, vector<16xf32>,
          %mul3A_168 = vector.broadcast %squeeze3A_164 : f32 to vector<16xf32>
          %mul3A_169 = arith.mulf %mul3A_168, %get3A_167 : vector<16xf32>
          %add3A_170 = arith.addf %add3A_138, %mul3A_169 : vector<16xf32>
          %slice3A_171 = vector.extract_strided_slice %get3A_82 {offsets = [11], sizes = [1], strides = [1]} : vector<16xf32> to vector<1xf32>
          %squeeze3A_172 = vector.extract %slice3A_171[0] : f32 from vector<1xf32>
          %get3A_173 = arith.index_cast %scan3A_80 : i32 to index
          %get3A_174 = arith.constant 176 : index
          %get3A_175 = tpu.vector_load %arg9[%get3A_173, %get3A_174] {strides = array<i32>} : memref<64x640xf32, #tpu.memory_space<vmem>>, vector<16xf32>,
          %mul3A_176 = vector.broadcast %squeeze3A_172 : f32 to vector<16xf32>
          %mul3A_177 = arith.mulf %mul3A_176, %get3A_175 : vector<16xf32>
          %add3A_178 = arith.addf %add3A_146, %mul3A_177 : vector<16xf32>
          %slice3A_179 = vector.extract_strided_slice %get3A_82 {offsets = [12], sizes = [1], strides = [1]} : vector<16xf32> to vector<1xf32>
          %squeeze3A_180 = vector.extract %slice3A_179[0] : f32 from vector<1xf32>
          %get3A_181 = arith.index_cast %scan3A_80 : i32 to index
          %get3A_182 = arith.constant 192 : index
          %get3A_183 = tpu.vector_load %arg9[%get3A_181, %get3A_182] {strides = array<i32>} : memref<64x640xf32, #tpu.memory_space<vmem>>, vector<16xf32>,
          %mul3A_184 = vector.broadcast %squeeze3A_180 : f32 to vector<16xf32>
          %mul3A_185 = arith.mulf %mul3A_184, %get3A_183 : vector<16xf32>
          %add3A_186 = arith.addf %add3A_154, %mul3A_185 : vector<16xf32>
          %slice3A_187 = vector.extract_strided_slice %get3A_82 {offsets = [13], sizes = [1], strides = [1]} : vector<16xf32> to vector<1xf32>
          %squeeze3A_188 = vector.extract %slice3A_187[0] : f32 from vector<1xf32>
          %get3A_189 = arith.index_cast %scan3A_80 : i32 to index
          %get3A_190 = arith.constant 208 : index
          %get3A_191 = tpu.vector_load %arg9[%get3A_189, %get3A_190] {strides = array<i32>} : memref<64x640xf32, #tpu.memory_space<vmem>>, vector<16xf32>,
          %mul3A_192 = vector.broadcast %squeeze3A_188 : f32 to vector<16xf32>
          %mul3A_193 = arith.mulf %mul3A_192, %get3A_191 : vector<16xf32>
          %add3A_194 = arith.addf %add3A_162, %mul3A_193 : vector<16xf32>
          %slice3A_195 = vector.extract_strided_slice %get3A_82 {offsets = [14], sizes = [1], strides = [1]} : vector<16xf32> to vector<1xf32>
          %squeeze3A_196 = vector.extract %slice3A_195[0] : f32 from vector<1xf32>
          %get3A_197 = arith.index_cast %scan3A_80 : i32 to index
          %get3A_198 = arith.constant 224 : index
          %get3A_199 = tpu.vector_load %arg9[%get3A_197, %get3A_198] {strides = array<i32>} : memref<64x640xf32, #tpu.memory_space<vmem>>, vector<16xf32>,
          %mul3A_200 = vector.broadcast %squeeze3A_196 : f32 to vector<16xf32>
          %mul3A_201 = arith.mulf %mul3A_200, %get3A_199 : vector<16xf32>
          %add3A_202 = arith.addf %add3A_170, %mul3A_201 : vector<16xf32>
          %slice3A_203 = vector.extract_strided_slice %get3A_82 {offsets = [15], sizes = [1], strides = [1]} : vector<16xf32> to vector<1xf32>
          %squeeze3A_204 = vector.extract %slice3A_203[0] : f32 from vector<1xf32>
          %get3A_205 = arith.index_cast %scan3A_80 : i32 to index
          %get3A_206 = arith.constant 240 : index
          %get3A_207 = tpu.vector_load %arg9[%get3A_205, %get3A_206] {strides = array<i32>} : memref<64x640xf32, #tpu.memory_space<vmem>>, vector<16xf32>,
          %mul3A_208 = vector.broadcast %squeeze3A_204 : f32 to vector<16xf32>
          %mul3A_209 = arith.mulf %mul3A_208, %get3A_207 : vector<16xf32>
          %add3A_210 = arith.addf %add3A_178, %mul3A_209 : vector<16xf32>
          %slice3A_211 = vector.extract_strided_slice %get3A_85 {offsets = [0], sizes = [1], strides = [1]} : vector<16xf32> to vector<1xf32>
          %squeeze3A_212 = vector.extract %slice3A_211[0] : f32 from vector<1xf32>
          %get3A_213 = arith.index_cast %scan3A_80 : i32 to index
          %get3A_214 = arith.constant 256 : index
          %get3A_215 = tpu.vector_load %arg9[%get3A_213, %get3A_214] {strides = array<i32>} : memref<64x640xf32, #tpu.memory_space<vmem>>, vector<16xf32>,
          %mul3A_216 = vector.broadcast %squeeze3A_212 : f32 to vector<16xf32>
          %mul3A_217 = arith.mulf %mul3A_216, %get3A_215 : vector<16xf32>
          %add3A_218 = arith.addf %add3A_186, %mul3A_217 : vector<16xf32>
          %slice3A_219 = vector.extract_strided_slice %get3A_85 {offsets = [1], sizes = [1], strides = [1]} : vector<16xf32> to vector<1xf32>
          %squeeze3A_220 = vector.extract %slice3A_219[0] : f32 from vector<1xf32>
          %get3A_221 = arith.index_cast %scan3A_80 : i32 to index
          %get3A_222 = arith.constant 272 : index
          %get3A_223 = tpu.vector_load %arg9[%get3A_221, %get3A_222] {strides = array<i32>} : memref<64x640xf32, #tpu.memory_space<vmem>>, vector<16xf32>,
          %mul3A_224 = vector.broadcast %squeeze3A_220 : f32 to vector<16xf32>
          %mul3A_225 = arith.mulf %mul3A_224, %get3A_223 : vector<16xf32>
          %add3A_226 = arith.addf %add3A_194, %mul3A_225 : vector<16xf32>
          %slice3A_227 = vector.extract_strided_slice %get3A_85 {offsets = [2], sizes = [1], strides = [1]} : vector<16xf32> to vector<1xf32>
          %squeeze3A_228 = vector.extract %slice3A_227[0] : f32 from vector<1xf32>
          %get3A_229 = arith.index_cast %scan3A_80 : i32 to index
          %get3A_230 = arith.constant 288 : index
          %get3A_231 = tpu.vector_load %arg9[%get3A_229, %get3A_230] {strides = array<i32>} : memref<64x640xf32, #tpu.memory_space<vmem>>, vector<16xf32>,
          %mul3A_232 = vector.broadcast %squeeze3A_228 : f32 to vector<16xf32>
          %mul3A_233 = arith.mulf %mul3A_232, %get3A_231 : vector<16xf32>
          %add3A_234 = arith.addf %add3A_202, %mul3A_233 : vector<16xf32>
          %slice3A_235 = vector.extract_strided_slice %get3A_85 {offsets = [3], sizes = [1], strides = [1]} : vector<16xf32> to vector<1xf32>
          %squeeze3A_236 = vector.extract %slice3A_235[0] : f32 from vector<1xf32>
          %get3A_237 = arith.index_cast %scan3A_80 : i32 to index
          %get3A_238 = arith.constant 304 : index
          %get3A_239 = tpu.vector_load %arg9[%get3A_237, %get3A_238] {strides = array<i32>} : memref<64x640xf32, #tpu.memory_space<vmem>>, vector<16xf32>,
          %mul3A_240 = vector.broadcast %squeeze3A_236 : f32 to vector<16xf32>
          %mul3A_241 = arith.mulf %mul3A_240, %get3A_239 : vector<16xf32>
          %add3A_242 = arith.addf %add3A_210, %mul3A_241 : vector<16xf32>
          %slice3A_243 = vector.extract_strided_slice %get3A_85 {offsets = [4], sizes = [1], strides = [1]} : vector<16xf32> to vector<1xf32>
          %squeeze3A_244 = vector.extract %slice3A_243[0] : f32 from vector<1xf32>
          %get3A_245 = arith.index_cast %scan3A_80 : i32 to index
          %get3A_246 = arith.constant 320 : index
          %get3A_247 = tpu.vector_load %arg9[%get3A_245, %get3A_246] {strides = array<i32>} : memref<64x640xf32, #tpu.memory_space<vmem>>, vector<16xf32>,
          %mul3A_248 = vector.broadcast %squeeze3A_244 : f32 to vector<16xf32>
          %mul3A_249 = arith.mulf %mul3A_248, %get3A_247 : vector<16xf32>
          %add3A_250 = arith.addf %add3A_218, %mul3A_249 : vector<16xf32>
          %slice3A_251 = vector.extract_strided_slice %get3A_85 {offsets = [5], sizes = [1], strides = [1]} : vector<16xf32> to vector<1xf32>
          %squeeze3A_252 = vector.extract %slice3A_251[0] : f32 from vector<1xf32>
          %get3A_253 = arith.index_cast %scan3A_80 : i32 to index
          %get3A_254 = arith.constant 336 : index
          %get3A_255 = tpu.vector_load %arg9[%get3A_253, %get3A_254] {strides = array<i32>} : memref<64x640xf32, #tpu.memory_space<vmem>>, vector<16xf32>,
          %mul3A_256 = vector.broadcast %squeeze3A_252 : f32 to vector<16xf32>
          %mul3A_257 = arith.mulf %mul3A_256, %get3A_255 : vector<16xf32>
          %add3A_258 = arith.addf %add3A_226, %mul3A_257 : vector<16xf32>
          %slice3A_259 = vector.extract_strided_slice %get3A_85 {offsets = [6], sizes = [1], strides = [1]} : vector<16xf32> to vector<1xf32>
          %squeeze3A_260 = vector.extract %slice3A_259[0] : f32 from vector<1xf32>
          %get3A_261 = arith.index_cast %scan3A_80 : i32 to index
          %get3A_262 = arith.constant 352 : index
          %get3A_263 = tpu.vector_load %arg9[%get3A_261, %get3A_262] {strides = array<i32>} : memref<64x640xf32, #tpu.memory_space<vmem>>, vector<16xf32>,
          %mul3A_264 = vector.broadcast %squeeze3A_260 : f32 to vector<16xf32>
          %mul3A_265 = arith.mulf %mul3A_264, %get3A_263 : vector<16xf32>
          %add3A_266 = arith.addf %add3A_234, %mul3A_265 : vector<16xf32>
          %slice3A_267 = vector.extract_strided_slice %get3A_85 {offsets = [7], sizes = [1], strides = [1]} : vector<16xf32> to vector<1xf32>
          %squeeze3A_268 = vector.extract %slice3A_267[0] : f32 from vector<1xf32>
          %get3A_269 = arith.index_cast %scan3A_80 : i32 to index
          %get3A_270 = arith.constant 368 : index
          %get3A_271 = tpu.vector_load %arg9[%get3A_269, %get3A_270] {strides = array<i32>} : memref<64x640xf32, #tpu.memory_space<vmem>>, vector<16xf32>,
          %mul3A_272 = vector.broadcast %squeeze3A_268 : f32 to vector<16xf32>
          %mul3A_273 = arith.mulf %mul3A_272, %get3A_271 : vector<16xf32>
          %add3A_274 = arith.addf %add3A_242, %mul3A_273 : vector<16xf32>
          %slice3A_275 = vector.extract_strided_slice %get3A_85 {offsets = [8], sizes = [1], strides = [1]} : vector<16xf32> to vector<1xf32>
          %squeeze3A_276 = vector.extract %slice3A_275[0] : f32 from vector<1xf32>
          %get3A_277 = arith.index_cast %scan3A_80 : i32 to index
          %get3A_278 = arith.constant 384 : index
          %get3A_279 = tpu.vector_load %arg9[%get3A_277, %get3A_278] {strides = array<i32>} : memref<64x640xf32, #tpu.memory_space<vmem>>, vector<16xf32>,
          %mul3A_280 = vector.broadcast %squeeze3A_276 : f32 to vector<16xf32>
          %mul3A_281 = arith.mulf %mul3A_280, %get3A_279 : vector<16xf32>
          %add3A_282 = arith.addf %add3A_250, %mul3A_281 : vector<16xf32>
          %slice3A_283 = vector.extract_strided_slice %get3A_85 {offsets = [9], sizes = [1], strides = [1]} : vector<16xf32> to vector<1xf32>
          %squeeze3A_284 = vector.extract %slice3A_283[0] : f32 from vector<1xf32>
          %get3A_285 = arith.index_cast %scan3A_80 : i32 to index
          %get3A_286 = arith.constant 400 : index
          %get3A_287 = tpu.vector_load %arg9[%get3A_285, %get3A_286] {strides = array<i32>} : memref<64x640xf32, #tpu.memory_space<vmem>>, vector<16xf32>,
          %mul3A_288 = vector.broadcast %squeeze3A_284 : f32 to vector<16xf32>
          %mul3A_289 = arith.mulf %mul3A_288, %get3A_287 : vector<16xf32>
          %add3A_290 = arith.addf %add3A_258, %mul3A_289 : vector<16xf32>
          %slice3A_291 = vector.extract_strided_slice %get3A_85 {offsets = [10], sizes = [1], strides = [1]} : vector<16xf32> to vector<1xf32>
          %squeeze3A_292 = vector.extract %slice3A_291[0] : f32 from vector<1xf32>
          %get3A_293 = arith.index_cast %scan3A_80 : i32 to index
          %get3A_294 = arith.constant 416 : index
          %get3A_295 = tpu.vector_load %arg9[%get3A_293, %get3A_294] {strides = array<i32>} : memref<64x640xf32, #tpu.memory_space<vmem>>, vector<16xf32>,
          %mul3A_296 = vector.broadcast %squeeze3A_292 : f32 to vector<16xf32>
          %mul3A_297 = arith.mulf %mul3A_296, %get3A_295 : vector<16xf32>
          %add3A_298 = arith.addf %add3A_266, %mul3A_297 : vector<16xf32>
          %slice3A_299 = vector.extract_strided_slice %get3A_85 {offsets = [11], sizes = [1], strides = [1]} : vector<16xf32> to vector<1xf32>
          %squeeze3A_300 = vector.extract %slice3A_299[0] : f32 from vector<1xf32>
          %get3A_301 = arith.index_cast %scan3A_80 : i32 to index
          %get3A_302 = arith.constant 432 : index
          %get3A_303 = tpu.vector_load %arg9[%get3A_301, %get3A_302] {strides = array<i32>} : memref<64x640xf32, #tpu.memory_space<vmem>>, vector<16xf32>,
          %mul3A_304 = vector.broadcast %squeeze3A_300 : f32 to vector<16xf32>
          %mul3A_305 = arith.mulf %mul3A_304, %get3A_303 : vector<16xf32>
          %add3A_306 = arith.addf %add3A_274, %mul3A_305 : vector<16xf32>
          %slice3A_307 = vector.extract_strided_slice %get3A_85 {offsets = [12], sizes = [1], strides = [1]} : vector<16xf32> to vector<1xf32>
          %squeeze3A_308 = vector.extract %slice3A_307[0] : f32 from vector<1xf32>
          %get3A_309 = arith.index_cast %scan3A_80 : i32 to index
          %get3A_310 = arith.constant 448 : index
          %get3A_311 = tpu.vector_load %arg9[%get3A_309, %get3A_310] {strides = array<i32>} : memref<64x640xf32, #tpu.memory_space<vmem>>, vector<16xf32>,
          %mul3A_312 = vector.broadcast %squeeze3A_308 : f32 to vector<16xf32>
          %mul3A_313 = arith.mulf %mul3A_312, %get3A_311 : vector<16xf32>
          %add3A_314 = arith.addf %add3A_282, %mul3A_313 : vector<16xf32>
          %slice3A_315 = vector.extract_strided_slice %get3A_85 {offsets = [13], sizes = [1], strides = [1]} : vector<16xf32> to vector<1xf32>
          %squeeze3A_316 = vector.extract %slice3A_315[0] : f32 from vector<1xf32>
          %get3A_317 = arith.index_cast %scan3A_80 : i32 to index
          %get3A_318 = arith.constant 464 : index
          %get3A_319 = tpu.vector_load %arg9[%get3A_317, %get3A_318] {strides = array<i32>} : memref<64x640xf32, #tpu.memory_space<vmem>>, vector<16xf32>,
          %mul3A_320 = vector.broadcast %squeeze3A_316 : f32 to vector<16xf32>
          %mul3A_321 = arith.mulf %mul3A_320, %get3A_319 : vector<16xf32>
          %add3A_322 = arith.addf %add3A_290, %mul3A_321 : vector<16xf32>
          %slice3A_323 = vector.extract_strided_slice %get3A_85 {offsets = [14], sizes = [1], strides = [1]} : vector<16xf32> to vector<1xf32>
          %squeeze3A_324 = vector.extract %slice3A_323[0] : f32 from vector<1xf32>
          %get3A_325 = arith.index_cast %scan3A_80 : i32 to index
          %get3A_326 = arith.constant 480 : index
          %get3A_327 = tpu.vector_load %arg9[%get3A_325, %get3A_326] {strides = array<i32>} : memref<64x640xf32, #tpu.memory_space<vmem>>, vector<16xf32>,
          %mul3A_328 = vector.broadcast %squeeze3A_324 : f32 to vector<16xf32>
          %mul3A_329 = arith.mulf %mul3A_328, %get3A_327 : vector<16xf32>
          %add3A_330 = arith.addf %add3A_298, %mul3A_329 : vector<16xf32>
          %slice3A_331 = vector.extract_strided_slice %get3A_85 {offsets = [15], sizes = [1], strides = [1]} : vector<16xf32> to vector<1xf32>
          %squeeze3A_332 = vector.extract %slice3A_331[0] : f32 from vector<1xf32>
          %get3A_333 = arith.index_cast %scan3A_80 : i32 to index
          %get3A_334 = arith.constant 496 : index
          %get3A_335 = tpu.vector_load %arg9[%get3A_333, %get3A_334] {strides = array<i32>} : memref<64x640xf32, #tpu.memory_space<vmem>>, vector<16xf32>,
          %mul3A_336 = vector.broadcast %squeeze3A_332 : f32 to vector<16xf32>
          %mul3A_337 = arith.mulf %mul3A_336, %get3A_335 : vector<16xf32>
          %add3A_338 = arith.addf %add3A_306, %mul3A_337 : vector<16xf32>
          %slice3A_339 = vector.extract_strided_slice %get3A_88 {offsets = [8], sizes = [1], strides = [1]} : vector<16xf32> to vector<1xf32>
          %squeeze3A_340 = vector.extract %slice3A_339[0] : f32 from vector<1xf32>
          %get3A_341 = arith.index_cast %scan3A_80 : i32 to index
          %get3A_342 = arith.constant 512 : index
          %get3A_343 = tpu.vector_load %arg9[%get3A_341, %get3A_342] {strides = array<i32>} : memref<64x640xf32, #tpu.memory_space<vmem>>, vector<16xf32>,
          %mul3A_344 = vector.broadcast %squeeze3A_340 : f32 to vector<16xf32>
          %mul3A_345 = arith.mulf %mul3A_344, %get3A_343 : vector<16xf32>
          %add3A_346 = arith.addf %add3A_314, %mul3A_345 : vector<16xf32>
          %slice3A_347 = vector.extract_strided_slice %get3A_88 {offsets = [9], sizes = [1], strides = [1]} : vector<16xf32> to vector<1xf32>
          %squeeze3A_348 = vector.extract %slice3A_347[0] : f32 from vector<1xf32>
          %get3A_349 = arith.index_cast %scan3A_80 : i32 to index
          %get3A_350 = arith.constant 528 : index
          %get3A_351 = tpu.vector_load %arg9[%get3A_349, %get3A_350] {strides = array<i32>} : memref<64x640xf32, #tpu.memory_space<vmem>>, vector<16xf32>,
          %mul3A_352 = vector.broadcast %squeeze3A_348 : f32 to vector<16xf32>
          %mul3A_353 = arith.mulf %mul3A_352, %get3A_351 : vector<16xf32>
          %add3A_354 = arith.addf %add3A_322, %mul3A_353 : vector<16xf32>
          %slice3A_355 = vector.extract_strided_slice %get3A_88 {offsets = [10], sizes = [1], strides = [1]} : vector<16xf32> to vector<1xf32>
          %squeeze3A_356 = vector.extract %slice3A_355[0] : f32 from vector<1xf32>
          %get3A_357 = arith.index_cast %scan3A_80 : i32 to index
          %get3A_358 = arith.constant 544 : index
          %get3A_359 = tpu.vector_load %arg9[%get3A_357, %get3A_358] {strides = array<i32>} : memref<64x640xf32, #tpu.memory_space<vmem>>, vector<16xf32>,
          %mul3A_360 = vector.broadcast %squeeze3A_356 : f32 to vector<16xf32>
          %mul3A_361 = arith.mulf %mul3A_360, %get3A_359 : vector<16xf32>
          %add3A_362 = arith.addf %add3A_330, %mul3A_361 : vector<16xf32>
          %slice3A_363 = vector.extract_strided_slice %get3A_88 {offsets = [11], sizes = [1], strides = [1]} : vector<16xf32> to vector<1xf32>
          %squeeze3A_364 = vector.extract %slice3A_363[0] : f32 from vector<1xf32>
          %get3A_365 = arith.index_cast %scan3A_80 : i32 to index
          %get3A_366 = arith.constant 560 : index
          %get3A_367 = tpu.vector_load %arg9[%get3A_365, %get3A_366] {strides = array<i32>} : memref<64x640xf32, #tpu.memory_space<vmem>>, vector<16xf32>,
          %mul3A_368 = vector.broadcast %squeeze3A_364 : f32 to vector<16xf32>
          %mul3A_369 = arith.mulf %mul3A_368, %get3A_367 : vector<16xf32>
          %add3A_370 = arith.addf %add3A_338, %mul3A_369 : vector<16xf32>
          %slice3A_371 = vector.extract_strided_slice %get3A_88 {offsets = [12], sizes = [1], strides = [1]} : vector<16xf32> to vector<1xf32>
          %squeeze3A_372 = vector.extract %slice3A_371[0] : f32 from vector<1xf32>
          %get3A_373 = arith.index_cast %scan3A_80 : i32 to index
          %get3A_374 = arith.constant 576 : index
          %get3A_375 = tpu.vector_load %arg9[%get3A_373, %get3A_374] {strides = array<i32>} : memref<64x640xf32, #tpu.memory_space<vmem>>, vector<16xf32>,
          %mul3A_376 = vector.broadcast %squeeze3A_372 : f32 to vector<16xf32>
          %mul3A_377 = arith.mulf %mul3A_376, %get3A_375 : vector<16xf32>
          %add3A_378 = arith.addf %add3A_346, %mul3A_377 : vector<16xf32>
          %slice3A_379 = vector.extract_strided_slice %get3A_88 {offsets = [13], sizes = [1], strides = [1]} : vector<16xf32> to vector<1xf32>
          %squeeze3A_380 = vector.extract %slice3A_379[0] : f32 from vector<1xf32>
          %get3A_381 = arith.index_cast %scan3A_80 : i32 to index
          %get3A_382 = arith.constant 592 : index
          %get3A_383 = tpu.vector_load %arg9[%get3A_381, %get3A_382] {strides = array<i32>} : memref<64x640xf32, #tpu.memory_space<vmem>>, vector<16xf32>,
          %mul3A_384 = vector.broadcast %squeeze3A_380 : f32 to vector<16xf32>
          %mul3A_385 = arith.mulf %mul3A_384, %get3A_383 : vector<16xf32>
          %add3A_386 = arith.addf %add3A_354, %mul3A_385 : vector<16xf32>
          %slice3A_387 = vector.extract_strided_slice %get3A_88 {offsets = [14], sizes = [1], strides = [1]} : vector<16xf32> to vector<1xf32>
          %squeeze3A_388 = vector.extract %slice3A_387[0] : f32 from vector<1xf32>
          %get3A_389 = arith.index_cast %scan3A_80 : i32 to index
          %get3A_390 = arith.constant 608 : index
          %get3A_391 = tpu.vector_load %arg9[%get3A_389, %get3A_390] {strides = array<i32>} : memref<64x640xf32, #tpu.memory_space<vmem>>, vector<16xf32>,
          %mul3A_392 = vector.broadcast %squeeze3A_388 : f32 to vector<16xf32>
          %mul3A_393 = arith.mulf %mul3A_392, %get3A_391 : vector<16xf32>
          %add3A_394 = arith.addf %add3A_362, %mul3A_393 : vector<16xf32>
          %slice3A_395 = vector.extract_strided_slice %get3A_88 {offsets = [15], sizes = [1], strides = [1]} : vector<16xf32> to vector<1xf32>
          %squeeze3A_396 = vector.extract %slice3A_395[0] : f32 from vector<1xf32>
          %get3A_397 = arith.index_cast %scan3A_80 : i32 to index
          %get3A_398 = arith.constant 624 : index
          %get3A_399 = tpu.vector_load %arg9[%get3A_397, %get3A_398] {strides = array<i32>} : memref<64x640xf32, #tpu.memory_space<vmem>>, vector<16xf32>,
          %mul3A_400 = vector.broadcast %squeeze3A_396 : f32 to vector<16xf32>
          %mul3A_401 = arith.mulf %mul3A_400, %get3A_399 : vector<16xf32>
          %add3A_402 = arith.addf %add3A_370, %mul3A_401 : vector<16xf32>
          %add3A_403 = arith.addf %add3A_378, %add3A_386 : vector<16xf32>
          %add3A_404 = arith.addf %add3A_394, %add3A_402 : vector<16xf32>
          %add3A_405 = arith.addf %add3A_403, %add3A_404 : vector<16xf32>
          %max3A = arith.constant 0.000000e+00 : f32
          %max3A_406 = vector.broadcast %max3A : f32 to vector<16xf32>
          %max3A_407 = arith.maximumf %add3A_405, %max3A_406 : vector<16xf32>
          %swap3A = arith.index_cast %scan3A_80 : i32 to index
          %swap3A_408 = arith.constant 0 : index
          %swap3A_409 = tpu.vector_load %arg11[%swap3A, %swap3A_408] {strides = array<i32>} : memref<64x16xf32, #tpu.memory_space<vmem>>, vector<16xf32>,
          tpu.vector_store %arg11[%swap3A, %swap3A_408], %max3A_407 {strides = array<i32>} : memref<64x16xf32, #tpu.memory_space<vmem>>, vector<16xf32>,
        }
        %scan3A_72 = arith.constant 64 : i32
        %mul3A_73 = arith.constant 64 : i32
        %mul3A_74 = arith.muli %mul3A_28, %mul3A_73 : i32
        %add3A_75 = arith.addi %mul3A_2, %mul3A_74 : i32
        %dma_start3A_76 = arith.constant 0 : i32
        %dma_start3A_77 = tpu.memref_slice %arg5[%add3A_75, %dma_start3A_76] : memref<200000x16xf32, #tpu.memory_space<hbm>> -> memref<64x16xf32, #tpu.memory_space<hbm>>
        %dma_start3A_78 = arith.constant 0 : i32
        %dma_start3A_79 = tpu.memref_slice %arg5[%add3A_75, %dma_start3A_78] : memref<200000x16xf32, #tpu.memory_space<hbm>> -> memref<64x16xf32, #tpu.memory_space<hbm>>
        tpu.enqueue_dma source(%arg11 : memref<64x16xf32, #tpu.memory_space<vmem>>) target(%dma_start3A_79 : memref<64x16xf32, #tpu.memory_space<hbm>>) target_semaphore(%arg16 : memref<!tpu.dma_semaphore, #tpu.memory_space<semaphore_mem>>)
      } else {
      }
      %add3A_39 = arith.constant 2 : i32
      %add3A_40 = arith.addi %mul3A_28, %add3A_39 : i32
      %lt3A_41 = arith.cmpi slt, %add3A_40, %select_n3A : i32
      %convert_element_type3A_42 = arith.extui %lt3A_41 : i1 to i32
      %cond3A_43 = arith.constant 0 : i32
      %cond3A_44 = arith.cmpi ne, %convert_element_type3A_42, %cond3A_43 : i32
      scf.if %cond3A_44 {
        %add3A_51 = arith.constant 2 : i32
        %add3A_52 = arith.addi %mul3A_28, %add3A_51 : i32
        %mul3A_53 = arith.constant 64 : i32
        %mul3A_54 = arith.muli %add3A_52, %mul3A_53 : i32
        %dma_start3A_55 = tpu.memref_slice %arg6[%mul3A_54] : memref<6272xi32, #tpu.memory_space<vmem>> -> memref<64xi32, #tpu.memory_space<vmem>>
        %dma_start3A_56 = arith.constant 0 : i32
        %dma_start3A_57 = arith.constant 0 : i32
        %dma_start3A_58 = tpu.memref_slice %arg2[%dma_start3A_56, %dma_start3A_57] : memref<100000x640xf32, #tpu.memory_space<hbm>> -> memref<100000x640xf32, #tpu.memory_space<hbm>>
        tpu.enqueue_indirect_dma source(%dma_start3A_58 : memref<100000x640xf32, #tpu.memory_space<hbm>>) target(%arg9 : memref<64x640xf32, #tpu.memory_space<vmem>>) offsets(%dma_start3A_55 : memref<64xi32, #tpu.memory_space<vmem>>) semaphore(%arg14 : memref<!tpu.dma_semaphore, #tpu.memory_space<semaphore_mem>>)
      } else {
      }
      %add3A_45 = arith.constant 1 : i32
      %add3A_46 = arith.addi %mul3A_28, %add3A_45 : i32
      %lt3A_47 = arith.cmpi slt, %add3A_46, %select_n3A : i32
      %convert_element_type3A_48 = arith.extui %lt3A_47 : i1 to i32
      %cond3A_49 = arith.constant 0 : i32
      %cond3A_50 = arith.cmpi ne, %convert_element_type3A_48, %cond3A_49 : i32
      scf.if %cond3A_50 {
        %add3A_51 = arith.constant 1 : i32
        %add3A_52 = arith.addi %mul3A_28, %add3A_51 : i32
        %gt3A = arith.constant 0 : i32
        %gt3A_53 = arith.cmpi sgt, %scan3A_26, %gt3A : i32
        %scan3A_54 = arith.constant 0 : i32
        %scan3A_55 = arith.constant 0 : i32
        %scan3A_56 = arith.constant 4 : i32
        %scan3A_57 = arith.addi %scan3A_55, %scan3A_56 : i32
        %scan3A_58 = arith.constant 1 : i32
        scf.for %scan3A_82 = %scan3A_55 to %scan3A_57 step %scan3A_58  : i32 {
          %mul3A_83 = arith.constant 16 : i32
          %mul3A_84 = arith.muli %scan3A_82, %mul3A_83 : i32
          %add3A_85 = vector.broadcast %mul3A_84 : i32 to vector<16xi32>
          %add3A_86 = arith.addi %add3A_85, %iota3A : vector<16xi32>
          %mul3A_87 = arith.constant 64 : i32
          %mul3A_88 = arith.muli %add3A_52, %mul3A_87 : i32
          %add3A_89 = vector.broadcast %mul3A_88 : i32 to vector<16xi32>
          %add3A_90 = arith.addi %add3A_89, %add3A_86 : vector<16xi32>
          %gather3A = tpu.vector_load_idx %arg7[%add3A_90] : memref<6272xf32, #tpu.memory_space<vmem>>[vector<16xi32>], vector<16xf32>,
          %gather3A_91 = tpu.vector_load_idx %arg8[%add3A_90] : memref<6272xf32, #tpu.memory_space<vmem>>[vector<16xi32>], vector<16xf32>,
          %mul3A_92 = arith.constant 0.251188636 : f32
          %mul3A_93 = vector.broadcast %mul3A_92 : f32 to vector<16xf32>
          %mul3A_94 = arith.mulf %gather3A, %mul3A_93 : vector<16xf32>
          %mul3A_95 = arith.mulf %mul3A_94, %mul3A_94 : vector<16xf32>
          %mul3A_96 = arith.mulf %mul3A_94, %mul3A_95 : vector<16xf32>
          %mul3A_97 = arith.constant -1.98412701E-4 : f32
          %mul3A_98 = vector.broadcast %mul3A_97 : f32 to vector<16xf32>
          %mul3A_99 = arith.mulf %mul3A_95, %mul3A_98 : vector<16xf32>
          %add3A_100 = arith.constant 0.00833333377 : f32
          %add3A_101 = vector.broadcast %add3A_100 : f32 to vector<16xf32>
          %add3A_102 = arith.addf %add3A_101, %mul3A_99 : vector<16xf32>
          %mul3A_103 = arith.mulf %mul3A_95, %add3A_102 : vector<16xf32>
          %add3A_104 = arith.constant -0.166666672 : f32
          %add3A_105 = vector.broadcast %add3A_104 : f32 to vector<16xf32>
          %add3A_106 = arith.addf %add3A_105, %mul3A_103 : vector<16xf32>
          %mul3A_107 = arith.mulf %mul3A_96, %add3A_106 : vector<16xf32>
          %add3A_108 = arith.addf %mul3A_94, %mul3A_107 : vector<16xf32>
          %mul3A_109 = arith.constant -0.00138888892 : f32
          %mul3A_110 = vector.broadcast %mul3A_109 : f32 to vector<16xf32>
          %mul3A_111 = arith.mulf %mul3A_95, %mul3A_110 : vector<16xf32>
          %add3A_112 = arith.constant 0.0416666679 : f32
          %add3A_113 = vector.broadcast %add3A_112 : f32 to vector<16xf32>
          %add3A_114 = arith.addf %add3A_113, %mul3A_111 : vector<16xf32>
          %mul3A_115 = arith.mulf %mul3A_95, %add3A_114 : vector<16xf32>
          %add3A_116 = arith.constant -5.000000e-01 : f32
          %add3A_117 = vector.broadcast %add3A_116 : f32 to vector<16xf32>
          %add3A_118 = arith.addf %add3A_117, %mul3A_115 : vector<16xf32>
          %mul3A_119 = arith.mulf %mul3A_95, %add3A_118 : vector<16xf32>
          %add3A_120 = arith.constant 1.000000e+00 : f32
          %add3A_121 = vector.broadcast %add3A_120 : f32 to vector<16xf32>
          %add3A_122 = arith.addf %add3A_121, %mul3A_119 : vector<16xf32>
          %broadcast_in_dim3A = arith.constant 0 : i32
          %broadcast_in_dim3A_123 = vector.broadcast %broadcast_in_dim3A : i32 to vector<16xi32>
          tpu.vector_store_idx %arg13[%add3A_86, %broadcast_in_dim3A_123], %add3A_108 : memref<64x40xf32, #tpu.memory_space<vmem>>[vector<16xi32>, vector<16xi32>], vector<16xf32>,
          %broadcast_in_dim3A_124 = arith.constant 1 : i32
          %broadcast_in_dim3A_125 = vector.broadcast %broadcast_in_dim3A_124 : i32 to vector<16xi32>
          tpu.vector_store_idx %arg13[%add3A_86, %broadcast_in_dim3A_125], %add3A_122 : memref<64x40xf32, #tpu.memory_space<vmem>>[vector<16xi32>, vector<16xi32>], vector<16xf32>,
          %mul3A_126 = arith.constant 0.0630957335 : f32
          %mul3A_127 = vector.broadcast %mul3A_126 : f32 to vector<16xf32>
          %mul3A_128 = arith.mulf %gather3A, %mul3A_127 : vector<16xf32>
          %mul3A_129 = arith.mulf %mul3A_128, %mul3A_128 : vector<16xf32>
          %mul3A_130 = arith.mulf %mul3A_128, %mul3A_129 : vector<16xf32>
          %mul3A_131 = arith.constant -1.98412701E-4 : f32
          %mul3A_132 = vector.broadcast %mul3A_131 : f32 to vector<16xf32>
          %mul3A_133 = arith.mulf %mul3A_129, %mul3A_132 : vector<16xf32>
          %add3A_134 = arith.constant 0.00833333377 : f32
          %add3A_135 = vector.broadcast %add3A_134 : f32 to vector<16xf32>
          %add3A_136 = arith.addf %add3A_135, %mul3A_133 : vector<16xf32>
          %mul3A_137 = arith.mulf %mul3A_129, %add3A_136 : vector<16xf32>
          %add3A_138 = arith.constant -0.166666672 : f32
          %add3A_139 = vector.broadcast %add3A_138 : f32 to vector<16xf32>
          %add3A_140 = arith.addf %add3A_139, %mul3A_137 : vector<16xf32>
          %mul3A_141 = arith.mulf %mul3A_130, %add3A_140 : vector<16xf32>
          %add3A_142 = arith.addf %mul3A_128, %mul3A_141 : vector<16xf32>
          %mul3A_143 = arith.constant -0.00138888892 : f32
          %mul3A_144 = vector.broadcast %mul3A_143 : f32 to vector<16xf32>
          %mul3A_145 = arith.mulf %mul3A_129, %mul3A_144 : vector<16xf32>
          %add3A_146 = arith.constant 0.0416666679 : f32
          %add3A_147 = vector.broadcast %add3A_146 : f32 to vector<16xf32>
          %add3A_148 = arith.addf %add3A_147, %mul3A_145 : vector<16xf32>
          %mul3A_149 = arith.mulf %mul3A_129, %add3A_148 : vector<16xf32>
          %add3A_150 = arith.constant -5.000000e-01 : f32
          %add3A_151 = vector.broadcast %add3A_150 : f32 to vector<16xf32>
          %add3A_152 = arith.addf %add3A_151, %mul3A_149 : vector<16xf32>
          %mul3A_153 = arith.mulf %mul3A_129, %add3A_152 : vector<16xf32>
          %add3A_154 = arith.constant 1.000000e+00 : f32
          %add3A_155 = vector.broadcast %add3A_154 : f32 to vector<16xf32>
          %add3A_156 = arith.addf %add3A_155, %mul3A_153 : vector<16xf32>
          %broadcast_in_dim3A_157 = arith.constant 2 : i32
          %broadcast_in_dim3A_158 = vector.broadcast %broadcast_in_dim3A_157 : i32 to vector<16xi32>
          tpu.vector_store_idx %arg13[%add3A_86, %broadcast_in_dim3A_158], %add3A_142 : memref<64x40xf32, #tpu.memory_space<vmem>>[vector<16xi32>, vector<16xi32>], vector<16xf32>,
          %broadcast_in_dim3A_159 = arith.constant 3 : i32
          %broadcast_in_dim3A_160 = vector.broadcast %broadcast_in_dim3A_159 : i32 to vector<16xi32>
          tpu.vector_store_idx %arg13[%add3A_86, %broadcast_in_dim3A_160], %add3A_156 : memref<64x40xf32, #tpu.memory_space<vmem>>[vector<16xi32>, vector<16xi32>], vector<16xf32>,
          %mul3A_161 = arith.constant 0.0158489328 : f32
          %mul3A_162 = vector.broadcast %mul3A_161 : f32 to vector<16xf32>
          %mul3A_163 = arith.mulf %gather3A, %mul3A_162 : vector<16xf32>
          %mul3A_164 = arith.mulf %mul3A_163, %mul3A_163 : vector<16xf32>
          %mul3A_165 = arith.mulf %mul3A_163, %mul3A_164 : vector<16xf32>
          %mul3A_166 = arith.constant -1.98412701E-4 : f32
          %mul3A_167 = vector.broadcast %mul3A_166 : f32 to vector<16xf32>
          %mul3A_168 = arith.mulf %mul3A_164, %mul3A_167 : vector<16xf32>
          %add3A_169 = arith.constant 0.00833333377 : f32
          %add3A_170 = vector.broadcast %add3A_169 : f32 to vector<16xf32>
          %add3A_171 = arith.addf %add3A_170, %mul3A_168 : vector<16xf32>
          %mul3A_172 = arith.mulf %mul3A_164, %add3A_171 : vector<16xf32>
          %add3A_173 = arith.constant -0.166666672 : f32
          %add3A_174 = vector.broadcast %add3A_173 : f32 to vector<16xf32>
          %add3A_175 = arith.addf %add3A_174, %mul3A_172 : vector<16xf32>
          %mul3A_176 = arith.mulf %mul3A_165, %add3A_175 : vector<16xf32>
          %add3A_177 = arith.addf %mul3A_163, %mul3A_176 : vector<16xf32>
          %mul3A_178 = arith.constant -0.00138888892 : f32
          %mul3A_179 = vector.broadcast %mul3A_178 : f32 to vector<16xf32>
          %mul3A_180 = arith.mulf %mul3A_164, %mul3A_179 : vector<16xf32>
          %add3A_181 = arith.constant 0.0416666679 : f32
          %add3A_182 = vector.broadcast %add3A_181 : f32 to vector<16xf32>
          %add3A_183 = arith.addf %add3A_182, %mul3A_180 : vector<16xf32>
          %mul3A_184 = arith.mulf %mul3A_164, %add3A_183 : vector<16xf32>
          %add3A_185 = arith.constant -5.000000e-01 : f32
          %add3A_186 = vector.broadcast %add3A_185 : f32 to vector<16xf32>
          %add3A_187 = arith.addf %add3A_186, %mul3A_184 : vector<16xf32>
          %mul3A_188 = arith.mulf %mul3A_164, %add3A_187 : vector<16xf32>
          %add3A_189 = arith.constant 1.000000e+00 : f32
          %add3A_190 = vector.broadcast %add3A_189 : f32 to vector<16xf32>
          %add3A_191 = arith.addf %add3A_190, %mul3A_188 : vector<16xf32>
          %broadcast_in_dim3A_192 = arith.constant 4 : i32
          %broadcast_in_dim3A_193 = vector.broadcast %broadcast_in_dim3A_192 : i32 to vector<16xi32>
          tpu.vector_store_idx %arg13[%add3A_86, %broadcast_in_dim3A_193], %add3A_177 : memref<64x40xf32, #tpu.memory_space<vmem>>[vector<16xi32>, vector<16xi32>], vector<16xf32>,
          %broadcast_in_dim3A_194 = arith.constant 5 : i32
          %broadcast_in_dim3A_195 = vector.broadcast %broadcast_in_dim3A_194 : i32 to vector<16xi32>
          tpu.vector_store_idx %arg13[%add3A_86, %broadcast_in_dim3A_195], %add3A_191 : memref<64x40xf32, #tpu.memory_space<vmem>>[vector<16xi32>, vector<16xi32>], vector<16xf32>,
          %mul3A_196 = arith.constant 0.00398107152 : f32
          %mul3A_197 = vector.broadcast %mul3A_196 : f32 to vector<16xf32>
          %mul3A_198 = arith.mulf %gather3A, %mul3A_197 : vector<16xf32>
          %mul3A_199 = arith.mulf %mul3A_198, %mul3A_198 : vector<16xf32>
          %mul3A_200 = arith.mulf %mul3A_198, %mul3A_199 : vector<16xf32>
          %mul3A_201 = arith.constant -1.98412701E-4 : f32
          %mul3A_202 = vector.broadcast %mul3A_201 : f32 to vector<16xf32>
          %mul3A_203 = arith.mulf %mul3A_199, %mul3A_202 : vector<16xf32>
          %add3A_204 = arith.constant 0.00833333377 : f32
          %add3A_205 = vector.broadcast %add3A_204 : f32 to vector<16xf32>
          %add3A_206 = arith.addf %add3A_205, %mul3A_203 : vector<16xf32>
          %mul3A_207 = arith.mulf %mul3A_199, %add3A_206 : vector<16xf32>
          %add3A_208 = arith.constant -0.166666672 : f32
          %add3A_209 = vector.broadcast %add3A_208 : f32 to vector<16xf32>
          %add3A_210 = arith.addf %add3A_209, %mul3A_207 : vector<16xf32>
          %mul3A_211 = arith.mulf %mul3A_200, %add3A_210 : vector<16xf32>
          %add3A_212 = arith.addf %mul3A_198, %mul3A_211 : vector<16xf32>
          %mul3A_213 = arith.constant -0.00138888892 : f32
          %mul3A_214 = vector.broadcast %mul3A_213 : f32 to vector<16xf32>
          %mul3A_215 = arith.mulf %mul3A_199, %mul3A_214 : vector<16xf32>
          %add3A_216 = arith.constant 0.0416666679 : f32
          %add3A_217 = vector.broadcast %add3A_216 : f32 to vector<16xf32>
          %add3A_218 = arith.addf %add3A_217, %mul3A_215 : vector<16xf32>
          %mul3A_219 = arith.mulf %mul3A_199, %add3A_218 : vector<16xf32>
          %add3A_220 = arith.constant -5.000000e-01 : f32
          %add3A_221 = vector.broadcast %add3A_220 : f32 to vector<16xf32>
          %add3A_222 = arith.addf %add3A_221, %mul3A_219 : vector<16xf32>
          %mul3A_223 = arith.mulf %mul3A_199, %add3A_222 : vector<16xf32>
          %add3A_224 = arith.constant 1.000000e+00 : f32
          %add3A_225 = vector.broadcast %add3A_224 : f32 to vector<16xf32>
          %add3A_226 = arith.addf %add3A_225, %mul3A_223 : vector<16xf32>
          %broadcast_in_dim3A_227 = arith.constant 6 : i32
          %broadcast_in_dim3A_228 = vector.broadcast %broadcast_in_dim3A_227 : i32 to vector<16xi32>
          tpu.vector_store_idx %arg13[%add3A_86, %broadcast_in_dim3A_228], %add3A_212 : memref<64x40xf32, #tpu.memory_space<vmem>>[vector<16xi32>, vector<16xi32>], vector<16xf32>,
          %broadcast_in_dim3A_229 = arith.constant 7 : i32
          %broadcast_in_dim3A_230 = vector.broadcast %broadcast_in_dim3A_229 : i32 to vector<16xi32>
          tpu.vector_store_idx %arg13[%add3A_86, %broadcast_in_dim3A_230], %add3A_226 : memref<64x40xf32, #tpu.memory_space<vmem>>[vector<16xi32>, vector<16xi32>], vector<16xf32>,
          %mul3A_231 = arith.constant 1.000000e-03 : f32
          %mul3A_232 = vector.broadcast %mul3A_231 : f32 to vector<16xf32>
          %mul3A_233 = arith.mulf %gather3A, %mul3A_232 : vector<16xf32>
          %mul3A_234 = arith.mulf %mul3A_233, %mul3A_233 : vector<16xf32>
          %mul3A_235 = arith.mulf %mul3A_233, %mul3A_234 : vector<16xf32>
          %mul3A_236 = arith.constant -1.98412701E-4 : f32
          %mul3A_237 = vector.broadcast %mul3A_236 : f32 to vector<16xf32>
          %mul3A_238 = arith.mulf %mul3A_234, %mul3A_237 : vector<16xf32>
          %add3A_239 = arith.constant 0.00833333377 : f32
          %add3A_240 = vector.broadcast %add3A_239 : f32 to vector<16xf32>
          %add3A_241 = arith.addf %add3A_240, %mul3A_238 : vector<16xf32>
          %mul3A_242 = arith.mulf %mul3A_234, %add3A_241 : vector<16xf32>
          %add3A_243 = arith.constant -0.166666672 : f32
          %add3A_244 = vector.broadcast %add3A_243 : f32 to vector<16xf32>
          %add3A_245 = arith.addf %add3A_244, %mul3A_242 : vector<16xf32>
          %mul3A_246 = arith.mulf %mul3A_235, %add3A_245 : vector<16xf32>
          %add3A_247 = arith.addf %mul3A_233, %mul3A_246 : vector<16xf32>
          %mul3A_248 = arith.constant -0.00138888892 : f32
          %mul3A_249 = vector.broadcast %mul3A_248 : f32 to vector<16xf32>
          %mul3A_250 = arith.mulf %mul3A_234, %mul3A_249 : vector<16xf32>
          %add3A_251 = arith.constant 0.0416666679 : f32
          %add3A_252 = vector.broadcast %add3A_251 : f32 to vector<16xf32>
          %add3A_253 = arith.addf %add3A_252, %mul3A_250 : vector<16xf32>
          %mul3A_254 = arith.mulf %mul3A_234, %add3A_253 : vector<16xf32>
          %add3A_255 = arith.constant -5.000000e-01 : f32
          %add3A_256 = vector.broadcast %add3A_255 : f32 to vector<16xf32>
          %add3A_257 = arith.addf %add3A_256, %mul3A_254 : vector<16xf32>
          %mul3A_258 = arith.mulf %mul3A_234, %add3A_257 : vector<16xf32>
          %add3A_259 = arith.constant 1.000000e+00 : f32
          %add3A_260 = vector.broadcast %add3A_259 : f32 to vector<16xf32>
          %add3A_261 = arith.addf %add3A_260, %mul3A_258 : vector<16xf32>
          %broadcast_in_dim3A_262 = arith.constant 8 : i32
          %broadcast_in_dim3A_263 = vector.broadcast %broadcast_in_dim3A_262 : i32 to vector<16xi32>
          tpu.vector_store_idx %arg13[%add3A_86, %broadcast_in_dim3A_263], %add3A_247 : memref<64x40xf32, #tpu.memory_space<vmem>>[vector<16xi32>, vector<16xi32>], vector<16xf32>,
          %broadcast_in_dim3A_264 = arith.constant 9 : i32
          %broadcast_in_dim3A_265 = vector.broadcast %broadcast_in_dim3A_264 : i32 to vector<16xi32>
          tpu.vector_store_idx %arg13[%add3A_86, %broadcast_in_dim3A_265], %add3A_261 : memref<64x40xf32, #tpu.memory_space<vmem>>[vector<16xi32>, vector<16xi32>], vector<16xf32>,
          %mul3A_266 = arith.constant 2.51188641E-4 : f32
          %mul3A_267 = vector.broadcast %mul3A_266 : f32 to vector<16xf32>
          %mul3A_268 = arith.mulf %gather3A, %mul3A_267 : vector<16xf32>
          %mul3A_269 = arith.mulf %mul3A_268, %mul3A_268 : vector<16xf32>
          %mul3A_270 = arith.mulf %mul3A_268, %mul3A_269 : vector<16xf32>
          %mul3A_271 = arith.constant -1.98412701E-4 : f32
          %mul3A_272 = vector.broadcast %mul3A_271 : f32 to vector<16xf32>
          %mul3A_273 = arith.mulf %mul3A_269, %mul3A_272 : vector<16xf32>
          %add3A_274 = arith.constant 0.00833333377 : f32
          %add3A_275 = vector.broadcast %add3A_274 : f32 to vector<16xf32>
          %add3A_276 = arith.addf %add3A_275, %mul3A_273 : vector<16xf32>
          %mul3A_277 = arith.mulf %mul3A_269, %add3A_276 : vector<16xf32>
          %add3A_278 = arith.constant -0.166666672 : f32
          %add3A_279 = vector.broadcast %add3A_278 : f32 to vector<16xf32>
          %add3A_280 = arith.addf %add3A_279, %mul3A_277 : vector<16xf32>
          %mul3A_281 = arith.mulf %mul3A_270, %add3A_280 : vector<16xf32>
          %add3A_282 = arith.addf %mul3A_268, %mul3A_281 : vector<16xf32>
          %mul3A_283 = arith.constant -0.00138888892 : f32
          %mul3A_284 = vector.broadcast %mul3A_283 : f32 to vector<16xf32>
          %mul3A_285 = arith.mulf %mul3A_269, %mul3A_284 : vector<16xf32>
          %add3A_286 = arith.constant 0.0416666679 : f32
          %add3A_287 = vector.broadcast %add3A_286 : f32 to vector<16xf32>
          %add3A_288 = arith.addf %add3A_287, %mul3A_285 : vector<16xf32>
          %mul3A_289 = arith.mulf %mul3A_269, %add3A_288 : vector<16xf32>
          %add3A_290 = arith.constant -5.000000e-01 : f32
          %add3A_291 = vector.broadcast %add3A_290 : f32 to vector<16xf32>
          %add3A_292 = arith.addf %add3A_291, %mul3A_289 : vector<16xf32>
          %mul3A_293 = arith.mulf %mul3A_269, %add3A_292 : vector<16xf32>
          %add3A_294 = arith.constant 1.000000e+00 : f32
          %add3A_295 = vector.broadcast %add3A_294 : f32 to vector<16xf32>
          %add3A_296 = arith.addf %add3A_295, %mul3A_293 : vector<16xf32>
          %broadcast_in_dim3A_297 = arith.constant 10 : i32
          %broadcast_in_dim3A_298 = vector.broadcast %broadcast_in_dim3A_297 : i32 to vector<16xi32>
          tpu.vector_store_idx %arg13[%add3A_86, %broadcast_in_dim3A_298], %add3A_282 : memref<64x40xf32, #tpu.memory_space<vmem>>[vector<16xi32>, vector<16xi32>], vector<16xf32>,
          %broadcast_in_dim3A_299 = arith.constant 11 : i32
          %broadcast_in_dim3A_300 = vector.broadcast %broadcast_in_dim3A_299 : i32 to vector<16xi32>
          tpu.vector_store_idx %arg13[%add3A_86, %broadcast_in_dim3A_300], %add3A_296 : memref<64x40xf32, #tpu.memory_space<vmem>>[vector<16xi32>, vector<16xi32>], vector<16xf32>,
          %mul3A_301 = arith.constant 6.30957366E-5 : f32
          %mul3A_302 = vector.broadcast %mul3A_301 : f32 to vector<16xf32>
          %mul3A_303 = arith.mulf %gather3A, %mul3A_302 : vector<16xf32>
          %mul3A_304 = arith.mulf %mul3A_303, %mul3A_303 : vector<16xf32>
          %mul3A_305 = arith.mulf %mul3A_303, %mul3A_304 : vector<16xf32>
          %mul3A_306 = arith.constant -1.98412701E-4 : f32
          %mul3A_307 = vector.broadcast %mul3A_306 : f32 to vector<16xf32>
          %mul3A_308 = arith.mulf %mul3A_304, %mul3A_307 : vector<16xf32>
          %add3A_309 = arith.constant 0.00833333377 : f32
          %add3A_310 = vector.broadcast %add3A_309 : f32 to vector<16xf32>
          %add3A_311 = arith.addf %add3A_310, %mul3A_308 : vector<16xf32>
          %mul3A_312 = arith.mulf %mul3A_304, %add3A_311 : vector<16xf32>
          %add3A_313 = arith.constant -0.166666672 : f32
          %add3A_314 = vector.broadcast %add3A_313 : f32 to vector<16xf32>
          %add3A_315 = arith.addf %add3A_314, %mul3A_312 : vector<16xf32>
          %mul3A_316 = arith.mulf %mul3A_305, %add3A_315 : vector<16xf32>
          %add3A_317 = arith.addf %mul3A_303, %mul3A_316 : vector<16xf32>
          %mul3A_318 = arith.constant -0.00138888892 : f32
          %mul3A_319 = vector.broadcast %mul3A_318 : f32 to vector<16xf32>
          %mul3A_320 = arith.mulf %mul3A_304, %mul3A_319 : vector<16xf32>
          %add3A_321 = arith.constant 0.0416666679 : f32
          %add3A_322 = vector.broadcast %add3A_321 : f32 to vector<16xf32>
          %add3A_323 = arith.addf %add3A_322, %mul3A_320 : vector<16xf32>
          %mul3A_324 = arith.mulf %mul3A_304, %add3A_323 : vector<16xf32>
          %add3A_325 = arith.constant -5.000000e-01 : f32
          %add3A_326 = vector.broadcast %add3A_325 : f32 to vector<16xf32>
          %add3A_327 = arith.addf %add3A_326, %mul3A_324 : vector<16xf32>
          %mul3A_328 = arith.mulf %mul3A_304, %add3A_327 : vector<16xf32>
          %add3A_329 = arith.constant 1.000000e+00 : f32
          %add3A_330 = vector.broadcast %add3A_329 : f32 to vector<16xf32>
          %add3A_331 = arith.addf %add3A_330, %mul3A_328 : vector<16xf32>
          %broadcast_in_dim3A_332 = arith.constant 12 : i32
          %broadcast_in_dim3A_333 = vector.broadcast %broadcast_in_dim3A_332 : i32 to vector<16xi32>
          tpu.vector_store_idx %arg13[%add3A_86, %broadcast_in_dim3A_333], %add3A_317 : memref<64x40xf32, #tpu.memory_space<vmem>>[vector<16xi32>, vector<16xi32>], vector<16xf32>,
          %broadcast_in_dim3A_334 = arith.constant 13 : i32
          %broadcast_in_dim3A_335 = vector.broadcast %broadcast_in_dim3A_334 : i32 to vector<16xi32>
          tpu.vector_store_idx %arg13[%add3A_86, %broadcast_in_dim3A_335], %add3A_331 : memref<64x40xf32, #tpu.memory_space<vmem>>[vector<16xi32>, vector<16xi32>], vector<16xf32>,
          %mul3A_336 = arith.constant 1.58489311E-5 : f32
          %mul3A_337 = vector.broadcast %mul3A_336 : f32 to vector<16xf32>
          %mul3A_338 = arith.mulf %gather3A, %mul3A_337 : vector<16xf32>
          %mul3A_339 = arith.mulf %mul3A_338, %mul3A_338 : vector<16xf32>
          %mul3A_340 = arith.mulf %mul3A_338, %mul3A_339 : vector<16xf32>
          %mul3A_341 = arith.constant -1.98412701E-4 : f32
          %mul3A_342 = vector.broadcast %mul3A_341 : f32 to vector<16xf32>
          %mul3A_343 = arith.mulf %mul3A_339, %mul3A_342 : vector<16xf32>
          %add3A_344 = arith.constant 0.00833333377 : f32
          %add3A_345 = vector.broadcast %add3A_344 : f32 to vector<16xf32>
          %add3A_346 = arith.addf %add3A_345, %mul3A_343 : vector<16xf32>
          %mul3A_347 = arith.mulf %mul3A_339, %add3A_346 : vector<16xf32>
          %add3A_348 = arith.constant -0.166666672 : f32
          %add3A_349 = vector.broadcast %add3A_348 : f32 to vector<16xf32>
          %add3A_350 = arith.addf %add3A_349, %mul3A_347 : vector<16xf32>
          %mul3A_351 = arith.mulf %mul3A_340, %add3A_350 : vector<16xf32>
          %add3A_352 = arith.addf %mul3A_338, %mul3A_351 : vector<16xf32>
          %mul3A_353 = arith.constant -0.00138888892 : f32
          %mul3A_354 = vector.broadcast %mul3A_353 : f32 to vector<16xf32>
          %mul3A_355 = arith.mulf %mul3A_339, %mul3A_354 : vector<16xf32>
          %add3A_356 = arith.constant 0.0416666679 : f32
          %add3A_357 = vector.broadcast %add3A_356 : f32 to vector<16xf32>
          %add3A_358 = arith.addf %add3A_357, %mul3A_355 : vector<16xf32>
          %mul3A_359 = arith.mulf %mul3A_339, %add3A_358 : vector<16xf32>
          %add3A_360 = arith.constant -5.000000e-01 : f32
          %add3A_361 = vector.broadcast %add3A_360 : f32 to vector<16xf32>
          %add3A_362 = arith.addf %add3A_361, %mul3A_359 : vector<16xf32>
          %mul3A_363 = arith.mulf %mul3A_339, %add3A_362 : vector<16xf32>
          %add3A_364 = arith.constant 1.000000e+00 : f32
          %add3A_365 = vector.broadcast %add3A_364 : f32 to vector<16xf32>
          %add3A_366 = arith.addf %add3A_365, %mul3A_363 : vector<16xf32>
          %broadcast_in_dim3A_367 = arith.constant 14 : i32
          %broadcast_in_dim3A_368 = vector.broadcast %broadcast_in_dim3A_367 : i32 to vector<16xi32>
          tpu.vector_store_idx %arg13[%add3A_86, %broadcast_in_dim3A_368], %add3A_352 : memref<64x40xf32, #tpu.memory_space<vmem>>[vector<16xi32>, vector<16xi32>], vector<16xf32>,
          %broadcast_in_dim3A_369 = arith.constant 15 : i32
          %broadcast_in_dim3A_370 = vector.broadcast %broadcast_in_dim3A_369 : i32 to vector<16xi32>
          tpu.vector_store_idx %arg13[%add3A_86, %broadcast_in_dim3A_370], %add3A_366 : memref<64x40xf32, #tpu.memory_space<vmem>>[vector<16xi32>, vector<16xi32>], vector<16xf32>,
          %mul3A_371 = arith.constant 3.98107159E-6 : f32
          %mul3A_372 = vector.broadcast %mul3A_371 : f32 to vector<16xf32>
          %mul3A_373 = arith.mulf %gather3A, %mul3A_372 : vector<16xf32>
          %mul3A_374 = arith.mulf %mul3A_373, %mul3A_373 : vector<16xf32>
          %mul3A_375 = arith.mulf %mul3A_373, %mul3A_374 : vector<16xf32>
          %mul3A_376 = arith.constant -1.98412701E-4 : f32
          %mul3A_377 = vector.broadcast %mul3A_376 : f32 to vector<16xf32>
          %mul3A_378 = arith.mulf %mul3A_374, %mul3A_377 : vector<16xf32>
          %add3A_379 = arith.constant 0.00833333377 : f32
          %add3A_380 = vector.broadcast %add3A_379 : f32 to vector<16xf32>
          %add3A_381 = arith.addf %add3A_380, %mul3A_378 : vector<16xf32>
          %mul3A_382 = arith.mulf %mul3A_374, %add3A_381 : vector<16xf32>
          %add3A_383 = arith.constant -0.166666672 : f32
          %add3A_384 = vector.broadcast %add3A_383 : f32 to vector<16xf32>
          %add3A_385 = arith.addf %add3A_384, %mul3A_382 : vector<16xf32>
          %mul3A_386 = arith.mulf %mul3A_375, %add3A_385 : vector<16xf32>
          %add3A_387 = arith.addf %mul3A_373, %mul3A_386 : vector<16xf32>
          %mul3A_388 = arith.constant -0.00138888892 : f32
          %mul3A_389 = vector.broadcast %mul3A_388 : f32 to vector<16xf32>
          %mul3A_390 = arith.mulf %mul3A_374, %mul3A_389 : vector<16xf32>
          %add3A_391 = arith.constant 0.0416666679 : f32
          %add3A_392 = vector.broadcast %add3A_391 : f32 to vector<16xf32>
          %add3A_393 = arith.addf %add3A_392, %mul3A_390 : vector<16xf32>
          %mul3A_394 = arith.mulf %mul3A_374, %add3A_393 : vector<16xf32>
          %add3A_395 = arith.constant -5.000000e-01 : f32
          %add3A_396 = vector.broadcast %add3A_395 : f32 to vector<16xf32>
          %add3A_397 = arith.addf %add3A_396, %mul3A_394 : vector<16xf32>
          %mul3A_398 = arith.mulf %mul3A_374, %add3A_397 : vector<16xf32>
          %add3A_399 = arith.constant 1.000000e+00 : f32
          %add3A_400 = vector.broadcast %add3A_399 : f32 to vector<16xf32>
          %add3A_401 = arith.addf %add3A_400, %mul3A_398 : vector<16xf32>
          %broadcast_in_dim3A_402 = arith.constant 16 : i32
          %broadcast_in_dim3A_403 = vector.broadcast %broadcast_in_dim3A_402 : i32 to vector<16xi32>
          tpu.vector_store_idx %arg13[%add3A_86, %broadcast_in_dim3A_403], %add3A_387 : memref<64x40xf32, #tpu.memory_space<vmem>>[vector<16xi32>, vector<16xi32>], vector<16xf32>,
          %broadcast_in_dim3A_404 = arith.constant 17 : i32
          %broadcast_in_dim3A_405 = vector.broadcast %broadcast_in_dim3A_404 : i32 to vector<16xi32>
          tpu.vector_store_idx %arg13[%add3A_86, %broadcast_in_dim3A_405], %add3A_401 : memref<64x40xf32, #tpu.memory_space<vmem>>[vector<16xi32>, vector<16xi32>], vector<16xf32>,
          %mul3A_406 = arith.constant 9.99999997E-7 : f32
          %mul3A_407 = vector.broadcast %mul3A_406 : f32 to vector<16xf32>
          %mul3A_408 = arith.mulf %gather3A, %mul3A_407 : vector<16xf32>
          %mul3A_409 = arith.mulf %mul3A_408, %mul3A_408 : vector<16xf32>
          %mul3A_410 = arith.mulf %mul3A_408, %mul3A_409 : vector<16xf32>
          %mul3A_411 = arith.constant -1.98412701E-4 : f32
          %mul3A_412 = vector.broadcast %mul3A_411 : f32 to vector<16xf32>
          %mul3A_413 = arith.mulf %mul3A_409, %mul3A_412 : vector<16xf32>
          %add3A_414 = arith.constant 0.00833333377 : f32
          %add3A_415 = vector.broadcast %add3A_414 : f32 to vector<16xf32>
          %add3A_416 = arith.addf %add3A_415, %mul3A_413 : vector<16xf32>
          %mul3A_417 = arith.mulf %mul3A_409, %add3A_416 : vector<16xf32>
          %add3A_418 = arith.constant -0.166666672 : f32
          %add3A_419 = vector.broadcast %add3A_418 : f32 to vector<16xf32>
          %add3A_420 = arith.addf %add3A_419, %mul3A_417 : vector<16xf32>
          %mul3A_421 = arith.mulf %mul3A_410, %add3A_420 : vector<16xf32>
          %add3A_422 = arith.addf %mul3A_408, %mul3A_421 : vector<16xf32>
          %mul3A_423 = arith.constant -0.00138888892 : f32
          %mul3A_424 = vector.broadcast %mul3A_423 : f32 to vector<16xf32>
          %mul3A_425 = arith.mulf %mul3A_409, %mul3A_424 : vector<16xf32>
          %add3A_426 = arith.constant 0.0416666679 : f32
          %add3A_427 = vector.broadcast %add3A_426 : f32 to vector<16xf32>
          %add3A_428 = arith.addf %add3A_427, %mul3A_425 : vector<16xf32>
          %mul3A_429 = arith.mulf %mul3A_409, %add3A_428 : vector<16xf32>
          %add3A_430 = arith.constant -5.000000e-01 : f32
          %add3A_431 = vector.broadcast %add3A_430 : f32 to vector<16xf32>
          %add3A_432 = arith.addf %add3A_431, %mul3A_429 : vector<16xf32>
          %mul3A_433 = arith.mulf %mul3A_409, %add3A_432 : vector<16xf32>
          %add3A_434 = arith.constant 1.000000e+00 : f32
          %add3A_435 = vector.broadcast %add3A_434 : f32 to vector<16xf32>
          %add3A_436 = arith.addf %add3A_435, %mul3A_433 : vector<16xf32>
          %broadcast_in_dim3A_437 = arith.constant 18 : i32
          %broadcast_in_dim3A_438 = vector.broadcast %broadcast_in_dim3A_437 : i32 to vector<16xi32>
          tpu.vector_store_idx %arg13[%add3A_86, %broadcast_in_dim3A_438], %add3A_422 : memref<64x40xf32, #tpu.memory_space<vmem>>[vector<16xi32>, vector<16xi32>], vector<16xf32>,
          %broadcast_in_dim3A_439 = arith.constant 19 : i32
          %broadcast_in_dim3A_440 = vector.broadcast %broadcast_in_dim3A_439 : i32 to vector<16xi32>
          tpu.vector_store_idx %arg13[%add3A_86, %broadcast_in_dim3A_440], %add3A_436 : memref<64x40xf32, #tpu.memory_space<vmem>>[vector<16xi32>, vector<16xi32>], vector<16xf32>,
          %mul3A_441 = arith.constant 0.251188636 : f32
          %mul3A_442 = vector.broadcast %mul3A_441 : f32 to vector<16xf32>
          %mul3A_443 = arith.mulf %gather3A_91, %mul3A_442 : vector<16xf32>
          %mul3A_444 = arith.mulf %mul3A_443, %mul3A_443 : vector<16xf32>
          %mul3A_445 = arith.mulf %mul3A_443, %mul3A_444 : vector<16xf32>
          %mul3A_446 = arith.constant -1.98412701E-4 : f32
          %mul3A_447 = vector.broadcast %mul3A_446 : f32 to vector<16xf32>
          %mul3A_448 = arith.mulf %mul3A_444, %mul3A_447 : vector<16xf32>
          %add3A_449 = arith.constant 0.00833333377 : f32
          %add3A_450 = vector.broadcast %add3A_449 : f32 to vector<16xf32>
          %add3A_451 = arith.addf %add3A_450, %mul3A_448 : vector<16xf32>
          %mul3A_452 = arith.mulf %mul3A_444, %add3A_451 : vector<16xf32>
          %add3A_453 = arith.constant -0.166666672 : f32
          %add3A_454 = vector.broadcast %add3A_453 : f32 to vector<16xf32>
          %add3A_455 = arith.addf %add3A_454, %mul3A_452 : vector<16xf32>
          %mul3A_456 = arith.mulf %mul3A_445, %add3A_455 : vector<16xf32>
          %add3A_457 = arith.addf %mul3A_443, %mul3A_456 : vector<16xf32>
          %mul3A_458 = arith.constant -0.00138888892 : f32
          %mul3A_459 = vector.broadcast %mul3A_458 : f32 to vector<16xf32>
          %mul3A_460 = arith.mulf %mul3A_444, %mul3A_459 : vector<16xf32>
          %add3A_461 = arith.constant 0.0416666679 : f32
          %add3A_462 = vector.broadcast %add3A_461 : f32 to vector<16xf32>
          %add3A_463 = arith.addf %add3A_462, %mul3A_460 : vector<16xf32>
          %mul3A_464 = arith.mulf %mul3A_444, %add3A_463 : vector<16xf32>
          %add3A_465 = arith.constant -5.000000e-01 : f32
          %add3A_466 = vector.broadcast %add3A_465 : f32 to vector<16xf32>
          %add3A_467 = arith.addf %add3A_466, %mul3A_464 : vector<16xf32>
          %mul3A_468 = arith.mulf %mul3A_444, %add3A_467 : vector<16xf32>
          %add3A_469 = arith.constant 1.000000e+00 : f32
          %add3A_470 = vector.broadcast %add3A_469 : f32 to vector<16xf32>
          %add3A_471 = arith.addf %add3A_470, %mul3A_468 : vector<16xf32>
          %broadcast_in_dim3A_472 = arith.constant 20 : i32
          %broadcast_in_dim3A_473 = vector.broadcast %broadcast_in_dim3A_472 : i32 to vector<16xi32>
          tpu.vector_store_idx %arg13[%add3A_86, %broadcast_in_dim3A_473], %add3A_457 : memref<64x40xf32, #tpu.memory_space<vmem>>[vector<16xi32>, vector<16xi32>], vector<16xf32>,
          %broadcast_in_dim3A_474 = arith.constant 21 : i32
          %broadcast_in_dim3A_475 = vector.broadcast %broadcast_in_dim3A_474 : i32 to vector<16xi32>
          tpu.vector_store_idx %arg13[%add3A_86, %broadcast_in_dim3A_475], %add3A_471 : memref<64x40xf32, #tpu.memory_space<vmem>>[vector<16xi32>, vector<16xi32>], vector<16xf32>,
          %mul3A_476 = arith.constant 0.0630957335 : f32
          %mul3A_477 = vector.broadcast %mul3A_476 : f32 to vector<16xf32>
          %mul3A_478 = arith.mulf %gather3A_91, %mul3A_477 : vector<16xf32>
          %mul3A_479 = arith.mulf %mul3A_478, %mul3A_478 : vector<16xf32>
          %mul3A_480 = arith.mulf %mul3A_478, %mul3A_479 : vector<16xf32>
          %mul3A_481 = arith.constant -1.98412701E-4 : f32
          %mul3A_482 = vector.broadcast %mul3A_481 : f32 to vector<16xf32>
          %mul3A_483 = arith.mulf %mul3A_479, %mul3A_482 : vector<16xf32>
          %add3A_484 = arith.constant 0.00833333377 : f32
          %add3A_485 = vector.broadcast %add3A_484 : f32 to vector<16xf32>
          %add3A_486 = arith.addf %add3A_485, %mul3A_483 : vector<16xf32>
          %mul3A_487 = arith.mulf %mul3A_479, %add3A_486 : vector<16xf32>
          %add3A_488 = arith.constant -0.166666672 : f32
          %add3A_489 = vector.broadcast %add3A_488 : f32 to vector<16xf32>
          %add3A_490 = arith.addf %add3A_489, %mul3A_487 : vector<16xf32>
          %mul3A_491 = arith.mulf %mul3A_480, %add3A_490 : vector<16xf32>
          %add3A_492 = arith.addf %mul3A_478, %mul3A_491 : vector<16xf32>
          %mul3A_493 = arith.constant -0.00138888892 : f32
          %mul3A_494 = vector.broadcast %mul3A_493 : f32 to vector<16xf32>
          %mul3A_495 = arith.mulf %mul3A_479, %mul3A_494 : vector<16xf32>
          %add3A_496 = arith.constant 0.0416666679 : f32
          %add3A_497 = vector.broadcast %add3A_496 : f32 to vector<16xf32>
          %add3A_498 = arith.addf %add3A_497, %mul3A_495 : vector<16xf32>
          %mul3A_499 = arith.mulf %mul3A_479, %add3A_498 : vector<16xf32>
          %add3A_500 = arith.constant -5.000000e-01 : f32
          %add3A_501 = vector.broadcast %add3A_500 : f32 to vector<16xf32>
          %add3A_502 = arith.addf %add3A_501, %mul3A_499 : vector<16xf32>
          %mul3A_503 = arith.mulf %mul3A_479, %add3A_502 : vector<16xf32>
          %add3A_504 = arith.constant 1.000000e+00 : f32
          %add3A_505 = vector.broadcast %add3A_504 : f32 to vector<16xf32>
          %add3A_506 = arith.addf %add3A_505, %mul3A_503 : vector<16xf32>
          %broadcast_in_dim3A_507 = arith.constant 22 : i32
          %broadcast_in_dim3A_508 = vector.broadcast %broadcast_in_dim3A_507 : i32 to vector<16xi32>
          tpu.vector_store_idx %arg13[%add3A_86, %broadcast_in_dim3A_508], %add3A_492 : memref<64x40xf32, #tpu.memory_space<vmem>>[vector<16xi32>, vector<16xi32>], vector<16xf32>,
          %broadcast_in_dim3A_509 = arith.constant 23 : i32
          %broadcast_in_dim3A_510 = vector.broadcast %broadcast_in_dim3A_509 : i32 to vector<16xi32>
          tpu.vector_store_idx %arg13[%add3A_86, %broadcast_in_dim3A_510], %add3A_506 : memref<64x40xf32, #tpu.memory_space<vmem>>[vector<16xi32>, vector<16xi32>], vector<16xf32>,
          %mul3A_511 = arith.constant 0.0158489328 : f32
          %mul3A_512 = vector.broadcast %mul3A_511 : f32 to vector<16xf32>
          %mul3A_513 = arith.mulf %gather3A_91, %mul3A_512 : vector<16xf32>
          %mul3A_514 = arith.mulf %mul3A_513, %mul3A_513 : vector<16xf32>
          %mul3A_515 = arith.mulf %mul3A_513, %mul3A_514 : vector<16xf32>
          %mul3A_516 = arith.constant -1.98412701E-4 : f32
          %mul3A_517 = vector.broadcast %mul3A_516 : f32 to vector<16xf32>
          %mul3A_518 = arith.mulf %mul3A_514, %mul3A_517 : vector<16xf32>
          %add3A_519 = arith.constant 0.00833333377 : f32
          %add3A_520 = vector.broadcast %add3A_519 : f32 to vector<16xf32>
          %add3A_521 = arith.addf %add3A_520, %mul3A_518 : vector<16xf32>
          %mul3A_522 = arith.mulf %mul3A_514, %add3A_521 : vector<16xf32>
          %add3A_523 = arith.constant -0.166666672 : f32
          %add3A_524 = vector.broadcast %add3A_523 : f32 to vector<16xf32>
          %add3A_525 = arith.addf %add3A_524, %mul3A_522 : vector<16xf32>
          %mul3A_526 = arith.mulf %mul3A_515, %add3A_525 : vector<16xf32>
          %add3A_527 = arith.addf %mul3A_513, %mul3A_526 : vector<16xf32>
          %mul3A_528 = arith.constant -0.00138888892 : f32
          %mul3A_529 = vector.broadcast %mul3A_528 : f32 to vector<16xf32>
          %mul3A_530 = arith.mulf %mul3A_514, %mul3A_529 : vector<16xf32>
          %add3A_531 = arith.constant 0.0416666679 : f32
          %add3A_532 = vector.broadcast %add3A_531 : f32 to vector<16xf32>
          %add3A_533 = arith.addf %add3A_532, %mul3A_530 : vector<16xf32>
          %mul3A_534 = arith.mulf %mul3A_514, %add3A_533 : vector<16xf32>
          %add3A_535 = arith.constant -5.000000e-01 : f32
          %add3A_536 = vector.broadcast %add3A_535 : f32 to vector<16xf32>
          %add3A_537 = arith.addf %add3A_536, %mul3A_534 : vector<16xf32>
          %mul3A_538 = arith.mulf %mul3A_514, %add3A_537 : vector<16xf32>
          %add3A_539 = arith.constant 1.000000e+00 : f32
          %add3A_540 = vector.broadcast %add3A_539 : f32 to vector<16xf32>
          %add3A_541 = arith.addf %add3A_540, %mul3A_538 : vector<16xf32>
          %broadcast_in_dim3A_542 = arith.constant 24 : i32
          %broadcast_in_dim3A_543 = vector.broadcast %broadcast_in_dim3A_542 : i32 to vector<16xi32>
          tpu.vector_store_idx %arg13[%add3A_86, %broadcast_in_dim3A_543], %add3A_527 : memref<64x40xf32, #tpu.memory_space<vmem>>[vector<16xi32>, vector<16xi32>], vector<16xf32>,
          %broadcast_in_dim3A_544 = arith.constant 25 : i32
          %broadcast_in_dim3A_545 = vector.broadcast %broadcast_in_dim3A_544 : i32 to vector<16xi32>
          tpu.vector_store_idx %arg13[%add3A_86, %broadcast_in_dim3A_545], %add3A_541 : memref<64x40xf32, #tpu.memory_space<vmem>>[vector<16xi32>, vector<16xi32>], vector<16xf32>,
          %mul3A_546 = arith.constant 0.00398107152 : f32
          %mul3A_547 = vector.broadcast %mul3A_546 : f32 to vector<16xf32>
          %mul3A_548 = arith.mulf %gather3A_91, %mul3A_547 : vector<16xf32>
          %mul3A_549 = arith.mulf %mul3A_548, %mul3A_548 : vector<16xf32>
          %mul3A_550 = arith.mulf %mul3A_548, %mul3A_549 : vector<16xf32>
          %mul3A_551 = arith.constant -1.98412701E-4 : f32
          %mul3A_552 = vector.broadcast %mul3A_551 : f32 to vector<16xf32>
          %mul3A_553 = arith.mulf %mul3A_549, %mul3A_552 : vector<16xf32>
          %add3A_554 = arith.constant 0.00833333377 : f32
          %add3A_555 = vector.broadcast %add3A_554 : f32 to vector<16xf32>
          %add3A_556 = arith.addf %add3A_555, %mul3A_553 : vector<16xf32>
          %mul3A_557 = arith.mulf %mul3A_549, %add3A_556 : vector<16xf32>
          %add3A_558 = arith.constant -0.166666672 : f32
          %add3A_559 = vector.broadcast %add3A_558 : f32 to vector<16xf32>
          %add3A_560 = arith.addf %add3A_559, %mul3A_557 : vector<16xf32>
          %mul3A_561 = arith.mulf %mul3A_550, %add3A_560 : vector<16xf32>
          %add3A_562 = arith.addf %mul3A_548, %mul3A_561 : vector<16xf32>
          %mul3A_563 = arith.constant -0.00138888892 : f32
          %mul3A_564 = vector.broadcast %mul3A_563 : f32 to vector<16xf32>
          %mul3A_565 = arith.mulf %mul3A_549, %mul3A_564 : vector<16xf32>
          %add3A_566 = arith.constant 0.0416666679 : f32
          %add3A_567 = vector.broadcast %add3A_566 : f32 to vector<16xf32>
          %add3A_568 = arith.addf %add3A_567, %mul3A_565 : vector<16xf32>
          %mul3A_569 = arith.mulf %mul3A_549, %add3A_568 : vector<16xf32>
          %add3A_570 = arith.constant -5.000000e-01 : f32
          %add3A_571 = vector.broadcast %add3A_570 : f32 to vector<16xf32>
          %add3A_572 = arith.addf %add3A_571, %mul3A_569 : vector<16xf32>
          %mul3A_573 = arith.mulf %mul3A_549, %add3A_572 : vector<16xf32>
          %add3A_574 = arith.constant 1.000000e+00 : f32
          %add3A_575 = vector.broadcast %add3A_574 : f32 to vector<16xf32>
          %add3A_576 = arith.addf %add3A_575, %mul3A_573 : vector<16xf32>
          %broadcast_in_dim3A_577 = arith.constant 26 : i32
          %broadcast_in_dim3A_578 = vector.broadcast %broadcast_in_dim3A_577 : i32 to vector<16xi32>
          tpu.vector_store_idx %arg13[%add3A_86, %broadcast_in_dim3A_578], %add3A_562 : memref<64x40xf32, #tpu.memory_space<vmem>>[vector<16xi32>, vector<16xi32>], vector<16xf32>,
          %broadcast_in_dim3A_579 = arith.constant 27 : i32
          %broadcast_in_dim3A_580 = vector.broadcast %broadcast_in_dim3A_579 : i32 to vector<16xi32>
          tpu.vector_store_idx %arg13[%add3A_86, %broadcast_in_dim3A_580], %add3A_576 : memref<64x40xf32, #tpu.memory_space<vmem>>[vector<16xi32>, vector<16xi32>], vector<16xf32>,
          %mul3A_581 = arith.constant 1.000000e-03 : f32
          %mul3A_582 = vector.broadcast %mul3A_581 : f32 to vector<16xf32>
          %mul3A_583 = arith.mulf %gather3A_91, %mul3A_582 : vector<16xf32>
          %mul3A_584 = arith.mulf %mul3A_583, %mul3A_583 : vector<16xf32>
          %mul3A_585 = arith.mulf %mul3A_583, %mul3A_584 : vector<16xf32>
          %mul3A_586 = arith.constant -1.98412701E-4 : f32
          %mul3A_587 = vector.broadcast %mul3A_586 : f32 to vector<16xf32>
          %mul3A_588 = arith.mulf %mul3A_584, %mul3A_587 : vector<16xf32>
          %add3A_589 = arith.constant 0.00833333377 : f32
          %add3A_590 = vector.broadcast %add3A_589 : f32 to vector<16xf32>
          %add3A_591 = arith.addf %add3A_590, %mul3A_588 : vector<16xf32>
          %mul3A_592 = arith.mulf %mul3A_584, %add3A_591 : vector<16xf32>
          %add3A_593 = arith.constant -0.166666672 : f32
          %add3A_594 = vector.broadcast %add3A_593 : f32 to vector<16xf32>
          %add3A_595 = arith.addf %add3A_594, %mul3A_592 : vector<16xf32>
          %mul3A_596 = arith.mulf %mul3A_585, %add3A_595 : vector<16xf32>
          %add3A_597 = arith.addf %mul3A_583, %mul3A_596 : vector<16xf32>
          %mul3A_598 = arith.constant -0.00138888892 : f32
          %mul3A_599 = vector.broadcast %mul3A_598 : f32 to vector<16xf32>
          %mul3A_600 = arith.mulf %mul3A_584, %mul3A_599 : vector<16xf32>
          %add3A_601 = arith.constant 0.0416666679 : f32
          %add3A_602 = vector.broadcast %add3A_601 : f32 to vector<16xf32>
          %add3A_603 = arith.addf %add3A_602, %mul3A_600 : vector<16xf32>
          %mul3A_604 = arith.mulf %mul3A_584, %add3A_603 : vector<16xf32>
          %add3A_605 = arith.constant -5.000000e-01 : f32
          %add3A_606 = vector.broadcast %add3A_605 : f32 to vector<16xf32>
          %add3A_607 = arith.addf %add3A_606, %mul3A_604 : vector<16xf32>
          %mul3A_608 = arith.mulf %mul3A_584, %add3A_607 : vector<16xf32>
          %add3A_609 = arith.constant 1.000000e+00 : f32
          %add3A_610 = vector.broadcast %add3A_609 : f32 to vector<16xf32>
          %add3A_611 = arith.addf %add3A_610, %mul3A_608 : vector<16xf32>
          %broadcast_in_dim3A_612 = arith.constant 28 : i32
          %broadcast_in_dim3A_613 = vector.broadcast %broadcast_in_dim3A_612 : i32 to vector<16xi32>
          tpu.vector_store_idx %arg13[%add3A_86, %broadcast_in_dim3A_613], %add3A_597 : memref<64x40xf32, #tpu.memory_space<vmem>>[vector<16xi32>, vector<16xi32>], vector<16xf32>,
          %broadcast_in_dim3A_614 = arith.constant 29 : i32
          %broadcast_in_dim3A_615 = vector.broadcast %broadcast_in_dim3A_614 : i32 to vector<16xi32>
          tpu.vector_store_idx %arg13[%add3A_86, %broadcast_in_dim3A_615], %add3A_611 : memref<64x40xf32, #tpu.memory_space<vmem>>[vector<16xi32>, vector<16xi32>], vector<16xf32>,
          %mul3A_616 = arith.constant 2.51188641E-4 : f32
          %mul3A_617 = vector.broadcast %mul3A_616 : f32 to vector<16xf32>
          %mul3A_618 = arith.mulf %gather3A_91, %mul3A_617 : vector<16xf32>
          %mul3A_619 = arith.mulf %mul3A_618, %mul3A_618 : vector<16xf32>
          %mul3A_620 = arith.mulf %mul3A_618, %mul3A_619 : vector<16xf32>
          %mul3A_621 = arith.constant -1.98412701E-4 : f32
          %mul3A_622 = vector.broadcast %mul3A_621 : f32 to vector<16xf32>
          %mul3A_623 = arith.mulf %mul3A_619, %mul3A_622 : vector<16xf32>
          %add3A_624 = arith.constant 0.00833333377 : f32
          %add3A_625 = vector.broadcast %add3A_624 : f32 to vector<16xf32>
          %add3A_626 = arith.addf %add3A_625, %mul3A_623 : vector<16xf32>
          %mul3A_627 = arith.mulf %mul3A_619, %add3A_626 : vector<16xf32>
          %add3A_628 = arith.constant -0.166666672 : f32
          %add3A_629 = vector.broadcast %add3A_628 : f32 to vector<16xf32>
          %add3A_630 = arith.addf %add3A_629, %mul3A_627 : vector<16xf32>
          %mul3A_631 = arith.mulf %mul3A_620, %add3A_630 : vector<16xf32>
          %add3A_632 = arith.addf %mul3A_618, %mul3A_631 : vector<16xf32>
          %mul3A_633 = arith.constant -0.00138888892 : f32
          %mul3A_634 = vector.broadcast %mul3A_633 : f32 to vector<16xf32>
          %mul3A_635 = arith.mulf %mul3A_619, %mul3A_634 : vector<16xf32>
          %add3A_636 = arith.constant 0.0416666679 : f32
          %add3A_637 = vector.broadcast %add3A_636 : f32 to vector<16xf32>
          %add3A_638 = arith.addf %add3A_637, %mul3A_635 : vector<16xf32>
          %mul3A_639 = arith.mulf %mul3A_619, %add3A_638 : vector<16xf32>
          %add3A_640 = arith.constant -5.000000e-01 : f32
          %add3A_641 = vector.broadcast %add3A_640 : f32 to vector<16xf32>
          %add3A_642 = arith.addf %add3A_641, %mul3A_639 : vector<16xf32>
          %mul3A_643 = arith.mulf %mul3A_619, %add3A_642 : vector<16xf32>
          %add3A_644 = arith.constant 1.000000e+00 : f32
          %add3A_645 = vector.broadcast %add3A_644 : f32 to vector<16xf32>
          %add3A_646 = arith.addf %add3A_645, %mul3A_643 : vector<16xf32>
          %broadcast_in_dim3A_647 = arith.constant 30 : i32
          %broadcast_in_dim3A_648 = vector.broadcast %broadcast_in_dim3A_647 : i32 to vector<16xi32>
          tpu.vector_store_idx %arg13[%add3A_86, %broadcast_in_dim3A_648], %add3A_632 : memref<64x40xf32, #tpu.memory_space<vmem>>[vector<16xi32>, vector<16xi32>], vector<16xf32>,
          %broadcast_in_dim3A_649 = arith.constant 31 : i32
          %broadcast_in_dim3A_650 = vector.broadcast %broadcast_in_dim3A_649 : i32 to vector<16xi32>
          tpu.vector_store_idx %arg13[%add3A_86, %broadcast_in_dim3A_650], %add3A_646 : memref<64x40xf32, #tpu.memory_space<vmem>>[vector<16xi32>, vector<16xi32>], vector<16xf32>,
          %mul3A_651 = arith.constant 6.30957366E-5 : f32
          %mul3A_652 = vector.broadcast %mul3A_651 : f32 to vector<16xf32>
          %mul3A_653 = arith.mulf %gather3A_91, %mul3A_652 : vector<16xf32>
          %mul3A_654 = arith.mulf %mul3A_653, %mul3A_653 : vector<16xf32>
          %mul3A_655 = arith.mulf %mul3A_653, %mul3A_654 : vector<16xf32>
          %mul3A_656 = arith.constant -1.98412701E-4 : f32
          %mul3A_657 = vector.broadcast %mul3A_656 : f32 to vector<16xf32>
          %mul3A_658 = arith.mulf %mul3A_654, %mul3A_657 : vector<16xf32>
          %add3A_659 = arith.constant 0.00833333377 : f32
          %add3A_660 = vector.broadcast %add3A_659 : f32 to vector<16xf32>
          %add3A_661 = arith.addf %add3A_660, %mul3A_658 : vector<16xf32>
          %mul3A_662 = arith.mulf %mul3A_654, %add3A_661 : vector<16xf32>
          %add3A_663 = arith.constant -0.166666672 : f32
          %add3A_664 = vector.broadcast %add3A_663 : f32 to vector<16xf32>
          %add3A_665 = arith.addf %add3A_664, %mul3A_662 : vector<16xf32>
          %mul3A_666 = arith.mulf %mul3A_655, %add3A_665 : vector<16xf32>
          %add3A_667 = arith.addf %mul3A_653, %mul3A_666 : vector<16xf32>
          %mul3A_668 = arith.constant -0.00138888892 : f32
          %mul3A_669 = vector.broadcast %mul3A_668 : f32 to vector<16xf32>
          %mul3A_670 = arith.mulf %mul3A_654, %mul3A_669 : vector<16xf32>
          %add3A_671 = arith.constant 0.0416666679 : f32
          %add3A_672 = vector.broadcast %add3A_671 : f32 to vector<16xf32>
          %add3A_673 = arith.addf %add3A_672, %mul3A_670 : vector<16xf32>
          %mul3A_674 = arith.mulf %mul3A_654, %add3A_673 : vector<16xf32>
          %add3A_675 = arith.constant -5.000000e-01 : f32
          %add3A_676 = vector.broadcast %add3A_675 : f32 to vector<16xf32>
          %add3A_677 = arith.addf %add3A_676, %mul3A_674 : vector<16xf32>
          %mul3A_678 = arith.mulf %mul3A_654, %add3A_677 : vector<16xf32>
          %add3A_679 = arith.constant 1.000000e+00 : f32
          %add3A_680 = vector.broadcast %add3A_679 : f32 to vector<16xf32>
          %add3A_681 = arith.addf %add3A_680, %mul3A_678 : vector<16xf32>
          %broadcast_in_dim3A_682 = arith.constant 32 : i32
          %broadcast_in_dim3A_683 = vector.broadcast %broadcast_in_dim3A_682 : i32 to vector<16xi32>
          tpu.vector_store_idx %arg13[%add3A_86, %broadcast_in_dim3A_683], %add3A_667 : memref<64x40xf32, #tpu.memory_space<vmem>>[vector<16xi32>, vector<16xi32>], vector<16xf32>,
          %broadcast_in_dim3A_684 = arith.constant 33 : i32
          %broadcast_in_dim3A_685 = vector.broadcast %broadcast_in_dim3A_684 : i32 to vector<16xi32>
          tpu.vector_store_idx %arg13[%add3A_86, %broadcast_in_dim3A_685], %add3A_681 : memref<64x40xf32, #tpu.memory_space<vmem>>[vector<16xi32>, vector<16xi32>], vector<16xf32>,
          %mul3A_686 = arith.constant 1.58489311E-5 : f32
          %mul3A_687 = vector.broadcast %mul3A_686 : f32 to vector<16xf32>
          %mul3A_688 = arith.mulf %gather3A_91, %mul3A_687 : vector<16xf32>
          %mul3A_689 = arith.mulf %mul3A_688, %mul3A_688 : vector<16xf32>
          %mul3A_690 = arith.mulf %mul3A_688, %mul3A_689 : vector<16xf32>
          %mul3A_691 = arith.constant -1.98412701E-4 : f32
          %mul3A_692 = vector.broadcast %mul3A_691 : f32 to vector<16xf32>
          %mul3A_693 = arith.mulf %mul3A_689, %mul3A_692 : vector<16xf32>
          %add3A_694 = arith.constant 0.00833333377 : f32
          %add3A_695 = vector.broadcast %add3A_694 : f32 to vector<16xf32>
          %add3A_696 = arith.addf %add3A_695, %mul3A_693 : vector<16xf32>
          %mul3A_697 = arith.mulf %mul3A_689, %add3A_696 : vector<16xf32>
          %add3A_698 = arith.constant -0.166666672 : f32
          %add3A_699 = vector.broadcast %add3A_698 : f32 to vector<16xf32>
          %add3A_700 = arith.addf %add3A_699, %mul3A_697 : vector<16xf32>
          %mul3A_701 = arith.mulf %mul3A_690, %add3A_700 : vector<16xf32>
          %add3A_702 = arith.addf %mul3A_688, %mul3A_701 : vector<16xf32>
          %mul3A_703 = arith.constant -0.00138888892 : f32
          %mul3A_704 = vector.broadcast %mul3A_703 : f32 to vector<16xf32>
          %mul3A_705 = arith.mulf %mul3A_689, %mul3A_704 : vector<16xf32>
          %add3A_706 = arith.constant 0.0416666679 : f32
          %add3A_707 = vector.broadcast %add3A_706 : f32 to vector<16xf32>
          %add3A_708 = arith.addf %add3A_707, %mul3A_705 : vector<16xf32>
          %mul3A_709 = arith.mulf %mul3A_689, %add3A_708 : vector<16xf32>
          %add3A_710 = arith.constant -5.000000e-01 : f32
          %add3A_711 = vector.broadcast %add3A_710 : f32 to vector<16xf32>
          %add3A_712 = arith.addf %add3A_711, %mul3A_709 : vector<16xf32>
          %mul3A_713 = arith.mulf %mul3A_689, %add3A_712 : vector<16xf32>
          %add3A_714 = arith.constant 1.000000e+00 : f32
          %add3A_715 = vector.broadcast %add3A_714 : f32 to vector<16xf32>
          %add3A_716 = arith.addf %add3A_715, %mul3A_713 : vector<16xf32>
          %broadcast_in_dim3A_717 = arith.constant 34 : i32
          %broadcast_in_dim3A_718 = vector.broadcast %broadcast_in_dim3A_717 : i32 to vector<16xi32>
          tpu.vector_store_idx %arg13[%add3A_86, %broadcast_in_dim3A_718], %add3A_702 : memref<64x40xf32, #tpu.memory_space<vmem>>[vector<16xi32>, vector<16xi32>], vector<16xf32>,
          %broadcast_in_dim3A_719 = arith.constant 35 : i32
          %broadcast_in_dim3A_720 = vector.broadcast %broadcast_in_dim3A_719 : i32 to vector<16xi32>
          tpu.vector_store_idx %arg13[%add3A_86, %broadcast_in_dim3A_720], %add3A_716 : memref<64x40xf32, #tpu.memory_space<vmem>>[vector<16xi32>, vector<16xi32>], vector<16xf32>,
          %mul3A_721 = arith.constant 3.98107159E-6 : f32
          %mul3A_722 = vector.broadcast %mul3A_721 : f32 to vector<16xf32>
          %mul3A_723 = arith.mulf %gather3A_91, %mul3A_722 : vector<16xf32>
          %mul3A_724 = arith.mulf %mul3A_723, %mul3A_723 : vector<16xf32>
          %mul3A_725 = arith.mulf %mul3A_723, %mul3A_724 : vector<16xf32>
          %mul3A_726 = arith.constant -1.98412701E-4 : f32
          %mul3A_727 = vector.broadcast %mul3A_726 : f32 to vector<16xf32>
          %mul3A_728 = arith.mulf %mul3A_724, %mul3A_727 : vector<16xf32>
          %add3A_729 = arith.constant 0.00833333377 : f32
          %add3A_730 = vector.broadcast %add3A_729 : f32 to vector<16xf32>
          %add3A_731 = arith.addf %add3A_730, %mul3A_728 : vector<16xf32>
          %mul3A_732 = arith.mulf %mul3A_724, %add3A_731 : vector<16xf32>
          %add3A_733 = arith.constant -0.166666672 : f32
          %add3A_734 = vector.broadcast %add3A_733 : f32 to vector<16xf32>
          %add3A_735 = arith.addf %add3A_734, %mul3A_732 : vector<16xf32>
          %mul3A_736 = arith.mulf %mul3A_725, %add3A_735 : vector<16xf32>
          %add3A_737 = arith.addf %mul3A_723, %mul3A_736 : vector<16xf32>
          %mul3A_738 = arith.constant -0.00138888892 : f32
          %mul3A_739 = vector.broadcast %mul3A_738 : f32 to vector<16xf32>
          %mul3A_740 = arith.mulf %mul3A_724, %mul3A_739 : vector<16xf32>
          %add3A_741 = arith.constant 0.0416666679 : f32
          %add3A_742 = vector.broadcast %add3A_741 : f32 to vector<16xf32>
          %add3A_743 = arith.addf %add3A_742, %mul3A_740 : vector<16xf32>
          %mul3A_744 = arith.mulf %mul3A_724, %add3A_743 : vector<16xf32>
          %add3A_745 = arith.constant -5.000000e-01 : f32
          %add3A_746 = vector.broadcast %add3A_745 : f32 to vector<16xf32>
          %add3A_747 = arith.addf %add3A_746, %mul3A_744 : vector<16xf32>
          %mul3A_748 = arith.mulf %mul3A_724, %add3A_747 : vector<16xf32>
          %add3A_749 = arith.constant 1.000000e+00 : f32
          %add3A_750 = vector.broadcast %add3A_749 : f32 to vector<16xf32>
          %add3A_751 = arith.addf %add3A_750, %mul3A_748 : vector<16xf32>
          %broadcast_in_dim3A_752 = arith.constant 36 : i32
          %broadcast_in_dim3A_753 = vector.broadcast %broadcast_in_dim3A_752 : i32 to vector<16xi32>
          tpu.vector_store_idx %arg13[%add3A_86, %broadcast_in_dim3A_753], %add3A_737 : memref<64x40xf32, #tpu.memory_space<vmem>>[vector<16xi32>, vector<16xi32>], vector<16xf32>,
          %broadcast_in_dim3A_754 = arith.constant 37 : i32
          %broadcast_in_dim3A_755 = vector.broadcast %broadcast_in_dim3A_754 : i32 to vector<16xi32>
          tpu.vector_store_idx %arg13[%add3A_86, %broadcast_in_dim3A_755], %add3A_751 : memref<64x40xf32, #tpu.memory_space<vmem>>[vector<16xi32>, vector<16xi32>], vector<16xf32>,
          %mul3A_756 = arith.constant 9.99999997E-7 : f32
          %mul3A_757 = vector.broadcast %mul3A_756 : f32 to vector<16xf32>
          %mul3A_758 = arith.mulf %gather3A_91, %mul3A_757 : vector<16xf32>
          %mul3A_759 = arith.mulf %mul3A_758, %mul3A_758 : vector<16xf32>
          %mul3A_760 = arith.mulf %mul3A_758, %mul3A_759 : vector<16xf32>
          %mul3A_761 = arith.constant -1.98412701E-4 : f32
          %mul3A_762 = vector.broadcast %mul3A_761 : f32 to vector<16xf32>
          %mul3A_763 = arith.mulf %mul3A_759, %mul3A_762 : vector<16xf32>
          %add3A_764 = arith.constant 0.00833333377 : f32
          %add3A_765 = vector.broadcast %add3A_764 : f32 to vector<16xf32>
          %add3A_766 = arith.addf %add3A_765, %mul3A_763 : vector<16xf32>
          %mul3A_767 = arith.mulf %mul3A_759, %add3A_766 : vector<16xf32>
          %add3A_768 = arith.constant -0.166666672 : f32
          %add3A_769 = vector.broadcast %add3A_768 : f32 to vector<16xf32>
          %add3A_770 = arith.addf %add3A_769, %mul3A_767 : vector<16xf32>
          %mul3A_771 = arith.mulf %mul3A_760, %add3A_770 : vector<16xf32>
          %add3A_772 = arith.addf %mul3A_758, %mul3A_771 : vector<16xf32>
          %mul3A_773 = arith.constant -0.00138888892 : f32
          %mul3A_774 = vector.broadcast %mul3A_773 : f32 to vector<16xf32>
          %mul3A_775 = arith.mulf %mul3A_759, %mul3A_774 : vector<16xf32>
          %add3A_776 = arith.constant 0.0416666679 : f32
          %add3A_777 = vector.broadcast %add3A_776 : f32 to vector<16xf32>
          %add3A_778 = arith.addf %add3A_777, %mul3A_775 : vector<16xf32>
          %mul3A_779 = arith.mulf %mul3A_759, %add3A_778 : vector<16xf32>
          %add3A_780 = arith.constant -5.000000e-01 : f32
          %add3A_781 = vector.broadcast %add3A_780 : f32 to vector<16xf32>
          %add3A_782 = arith.addf %add3A_781, %mul3A_779 : vector<16xf32>
          %mul3A_783 = arith.mulf %mul3A_759, %add3A_782 : vector<16xf32>
          %add3A_784 = arith.constant 1.000000e+00 : f32
          %add3A_785 = vector.broadcast %add3A_784 : f32 to vector<16xf32>
          %add3A_786 = arith.addf %add3A_785, %mul3A_783 : vector<16xf32>
          %broadcast_in_dim3A_787 = arith.constant 38 : i32
          %broadcast_in_dim3A_788 = vector.broadcast %broadcast_in_dim3A_787 : i32 to vector<16xi32>
          tpu.vector_store_idx %arg13[%add3A_86, %broadcast_in_dim3A_788], %add3A_772 : memref<64x40xf32, #tpu.memory_space<vmem>>[vector<16xi32>, vector<16xi32>], vector<16xf32>,
          %broadcast_in_dim3A_789 = arith.constant 39 : i32
          %broadcast_in_dim3A_790 = vector.broadcast %broadcast_in_dim3A_789 : i32 to vector<16xi32>
          tpu.vector_store_idx %arg13[%add3A_86, %broadcast_in_dim3A_790], %add3A_786 : memref<64x40xf32, #tpu.memory_space<vmem>>[vector<16xi32>, vector<16xi32>], vector<16xf32>,
        }
        %scan3A_59 = arith.constant 4 : i32
        %mul3A_60 = arith.constant 64 : i32
        %mul3A_61 = arith.muli %add3A_52, %mul3A_60 : i32
        %dma_wait3A_62 = tpu.memref_slice %arg6[%mul3A_61] : memref<6272xi32, #tpu.memory_space<vmem>> -> memref<64xi32, #tpu.memory_space<vmem>>
        %dma_wait3A_63 = arith.constant 0 : i32
        %dma_wait3A_64 = arith.constant 0 : i32
        %dma_wait3A_65 = tpu.memref_slice %arg2[%dma_wait3A_63, %dma_wait3A_64] : memref<100000x640xf32, #tpu.memory_space<hbm>> -> memref<100000x640xf32, #tpu.memory_space<hbm>>
        tpu.wait_indirect_dma semaphore(%arg15 : memref<!tpu.dma_semaphore, #tpu.memory_space<semaphore_mem>>) src(%dma_wait3A_65 : memref<100000x640xf32, #tpu.memory_space<hbm>>) dst(%arg10 : memref<64x640xf32, #tpu.memory_space<vmem>>)
        %convert_element_type3A_66 = arith.extui %gt3A_53 : i1 to i32
        %cond3A_67 = arith.constant 0 : i32
        %cond3A_68 = arith.cmpi ne, %convert_element_type3A_66, %cond3A_67 : i32
        scf.if %cond3A_68 {
          %mul3A_82 = arith.constant 64 : i32
          %mul3A_83 = arith.muli %add3A_52, %mul3A_82 : i32
          %add3A_84 = arith.addi %mul3A_2, %mul3A_83 : i32
          %dma_wait3A_85 = arith.constant 0 : i32
          %dma_wait3A_86 = tpu.memref_slice %arg5[%add3A_84, %dma_wait3A_85] : memref<200000x16xf32, #tpu.memory_space<hbm>> -> memref<64x16xf32, #tpu.memory_space<hbm>>
          %dma_wait3A_87 = arith.constant 0 : i32
          %dma_wait3A_88 = tpu.memref_slice %arg5[%add3A_84, %dma_wait3A_87] : memref<200000x16xf32, #tpu.memory_space<hbm>> -> memref<64x16xf32, #tpu.memory_space<hbm>>
          tpu.wait_dma2 semaphore(%arg17 : memref<!tpu.dma_semaphore, #tpu.memory_space<semaphore_mem>>) src(%arg12 : memref<64x16xf32, #tpu.memory_space<vmem>>) dst(%dma_wait3A_88 : memref<64x16xf32, #tpu.memory_space<hbm>>)
        } else {
        }
        %scan3A_69 = arith.constant 0 : i32
        %scan3A_70 = arith.constant 0 : i32
        %scan3A_71 = arith.constant 64 : i32
        %scan3A_72 = arith.addi %scan3A_70, %scan3A_71 : i32
        %scan3A_73 = arith.constant 1 : i32
        scf.for %scan3A_82 = %scan3A_70 to %scan3A_72 step %scan3A_73  : i32 {
          %get3A = arith.index_cast %scan3A_82 : i32 to index
          %get3A_83 = arith.constant 0 : index
          %get3A_84 = tpu.vector_load %arg13[%get3A, %get3A_83] {strides = array<i32>} : memref<64x40xf32, #tpu.memory_space<vmem>>, vector<16xf32>,
          %get3A_85 = arith.index_cast %scan3A_82 : i32 to index
          %get3A_86 = arith.constant 16 : index
          %get3A_87 = tpu.vector_load %arg13[%get3A_85, %get3A_86] {strides = array<i32>} : memref<64x40xf32, #tpu.memory_space<vmem>>, vector<16xf32>,
          %get3A_88 = arith.index_cast %scan3A_82 : i32 to index
          %get3A_89 = arith.constant 24 : index
          %get3A_90 = tpu.vector_load %arg13[%get3A_88, %get3A_89] {strides = array<i32>} : memref<64x40xf32, #tpu.memory_space<vmem>>, vector<16xf32>,
          %slice3A = vector.extract_strided_slice %get3A_84 {offsets = [0], sizes = [1], strides = [1]} : vector<16xf32> to vector<1xf32>
          %squeeze3A = vector.extract %slice3A[0] : f32 from vector<1xf32>
          %get3A_91 = arith.index_cast %scan3A_82 : i32 to index
          %get3A_92 = arith.constant 0 : index
          %get3A_93 = tpu.vector_load %arg10[%get3A_91, %get3A_92] {strides = array<i32>} : memref<64x640xf32, #tpu.memory_space<vmem>>, vector<16xf32>,
          %mul3A_94 = vector.broadcast %squeeze3A : f32 to vector<16xf32>
          %mul3A_95 = arith.mulf %mul3A_94, %get3A_93 : vector<16xf32>
          %slice3A_96 = vector.extract_strided_slice %get3A_84 {offsets = [1], sizes = [1], strides = [1]} : vector<16xf32> to vector<1xf32>
          %squeeze3A_97 = vector.extract %slice3A_96[0] : f32 from vector<1xf32>
          %get3A_98 = arith.index_cast %scan3A_82 : i32 to index
          %get3A_99 = arith.constant 16 : index
          %get3A_100 = tpu.vector_load %arg10[%get3A_98, %get3A_99] {strides = array<i32>} : memref<64x640xf32, #tpu.memory_space<vmem>>, vector<16xf32>,
          %mul3A_101 = vector.broadcast %squeeze3A_97 : f32 to vector<16xf32>
          %mul3A_102 = arith.mulf %mul3A_101, %get3A_100 : vector<16xf32>
          %slice3A_103 = vector.extract_strided_slice %get3A_84 {offsets = [2], sizes = [1], strides = [1]} : vector<16xf32> to vector<1xf32>
          %squeeze3A_104 = vector.extract %slice3A_103[0] : f32 from vector<1xf32>
          %get3A_105 = arith.index_cast %scan3A_82 : i32 to index
          %get3A_106 = arith.constant 32 : index
          %get3A_107 = tpu.vector_load %arg10[%get3A_105, %get3A_106] {strides = array<i32>} : memref<64x640xf32, #tpu.memory_space<vmem>>, vector<16xf32>,
          %mul3A_108 = vector.broadcast %squeeze3A_104 : f32 to vector<16xf32>
          %mul3A_109 = arith.mulf %mul3A_108, %get3A_107 : vector<16xf32>
          %slice3A_110 = vector.extract_strided_slice %get3A_84 {offsets = [3], sizes = [1], strides = [1]} : vector<16xf32> to vector<1xf32>
          %squeeze3A_111 = vector.extract %slice3A_110[0] : f32 from vector<1xf32>
          %get3A_112 = arith.index_cast %scan3A_82 : i32 to index
          %get3A_113 = arith.constant 48 : index
          %get3A_114 = tpu.vector_load %arg10[%get3A_112, %get3A_113] {strides = array<i32>} : memref<64x640xf32, #tpu.memory_space<vmem>>, vector<16xf32>,
          %mul3A_115 = vector.broadcast %squeeze3A_111 : f32 to vector<16xf32>
          %mul3A_116 = arith.mulf %mul3A_115, %get3A_114 : vector<16xf32>
          %slice3A_117 = vector.extract_strided_slice %get3A_84 {offsets = [4], sizes = [1], strides = [1]} : vector<16xf32> to vector<1xf32>
          %squeeze3A_118 = vector.extract %slice3A_117[0] : f32 from vector<1xf32>
          %get3A_119 = arith.index_cast %scan3A_82 : i32 to index
          %get3A_120 = arith.constant 64 : index
          %get3A_121 = tpu.vector_load %arg10[%get3A_119, %get3A_120] {strides = array<i32>} : memref<64x640xf32, #tpu.memory_space<vmem>>, vector<16xf32>,
          %mul3A_122 = vector.broadcast %squeeze3A_118 : f32 to vector<16xf32>
          %mul3A_123 = arith.mulf %mul3A_122, %get3A_121 : vector<16xf32>
          %add3A_124 = arith.addf %mul3A_95, %mul3A_123 : vector<16xf32>
          %slice3A_125 = vector.extract_strided_slice %get3A_84 {offsets = [5], sizes = [1], strides = [1]} : vector<16xf32> to vector<1xf32>
          %squeeze3A_126 = vector.extract %slice3A_125[0] : f32 from vector<1xf32>
          %get3A_127 = arith.index_cast %scan3A_82 : i32 to index
          %get3A_128 = arith.constant 80 : index
          %get3A_129 = tpu.vector_load %arg10[%get3A_127, %get3A_128] {strides = array<i32>} : memref<64x640xf32, #tpu.memory_space<vmem>>, vector<16xf32>,
          %mul3A_130 = vector.broadcast %squeeze3A_126 : f32 to vector<16xf32>
          %mul3A_131 = arith.mulf %mul3A_130, %get3A_129 : vector<16xf32>
          %add3A_132 = arith.addf %mul3A_102, %mul3A_131 : vector<16xf32>
          %slice3A_133 = vector.extract_strided_slice %get3A_84 {offsets = [6], sizes = [1], strides = [1]} : vector<16xf32> to vector<1xf32>
          %squeeze3A_134 = vector.extract %slice3A_133[0] : f32 from vector<1xf32>
          %get3A_135 = arith.index_cast %scan3A_82 : i32 to index
          %get3A_136 = arith.constant 96 : index
          %get3A_137 = tpu.vector_load %arg10[%get3A_135, %get3A_136] {strides = array<i32>} : memref<64x640xf32, #tpu.memory_space<vmem>>, vector<16xf32>,
          %mul3A_138 = vector.broadcast %squeeze3A_134 : f32 to vector<16xf32>
          %mul3A_139 = arith.mulf %mul3A_138, %get3A_137 : vector<16xf32>
          %add3A_140 = arith.addf %mul3A_109, %mul3A_139 : vector<16xf32>
          %slice3A_141 = vector.extract_strided_slice %get3A_84 {offsets = [7], sizes = [1], strides = [1]} : vector<16xf32> to vector<1xf32>
          %squeeze3A_142 = vector.extract %slice3A_141[0] : f32 from vector<1xf32>
          %get3A_143 = arith.index_cast %scan3A_82 : i32 to index
          %get3A_144 = arith.constant 112 : index
          %get3A_145 = tpu.vector_load %arg10[%get3A_143, %get3A_144] {strides = array<i32>} : memref<64x640xf32, #tpu.memory_space<vmem>>, vector<16xf32>,
          %mul3A_146 = vector.broadcast %squeeze3A_142 : f32 to vector<16xf32>
          %mul3A_147 = arith.mulf %mul3A_146, %get3A_145 : vector<16xf32>
          %add3A_148 = arith.addf %mul3A_116, %mul3A_147 : vector<16xf32>
          %slice3A_149 = vector.extract_strided_slice %get3A_84 {offsets = [8], sizes = [1], strides = [1]} : vector<16xf32> to vector<1xf32>
          %squeeze3A_150 = vector.extract %slice3A_149[0] : f32 from vector<1xf32>
          %get3A_151 = arith.index_cast %scan3A_82 : i32 to index
          %get3A_152 = arith.constant 128 : index
          %get3A_153 = tpu.vector_load %arg10[%get3A_151, %get3A_152] {strides = array<i32>} : memref<64x640xf32, #tpu.memory_space<vmem>>, vector<16xf32>,
          %mul3A_154 = vector.broadcast %squeeze3A_150 : f32 to vector<16xf32>
          %mul3A_155 = arith.mulf %mul3A_154, %get3A_153 : vector<16xf32>
          %add3A_156 = arith.addf %add3A_124, %mul3A_155 : vector<16xf32>
          %slice3A_157 = vector.extract_strided_slice %get3A_84 {offsets = [9], sizes = [1], strides = [1]} : vector<16xf32> to vector<1xf32>
          %squeeze3A_158 = vector.extract %slice3A_157[0] : f32 from vector<1xf32>
          %get3A_159 = arith.index_cast %scan3A_82 : i32 to index
          %get3A_160 = arith.constant 144 : index
          %get3A_161 = tpu.vector_load %arg10[%get3A_159, %get3A_160] {strides = array<i32>} : memref<64x640xf32, #tpu.memory_space<vmem>>, vector<16xf32>,
          %mul3A_162 = vector.broadcast %squeeze3A_158 : f32 to vector<16xf32>
          %mul3A_163 = arith.mulf %mul3A_162, %get3A_161 : vector<16xf32>
          %add3A_164 = arith.addf %add3A_132, %mul3A_163 : vector<16xf32>
          %slice3A_165 = vector.extract_strided_slice %get3A_84 {offsets = [10], sizes = [1], strides = [1]} : vector<16xf32> to vector<1xf32>
          %squeeze3A_166 = vector.extract %slice3A_165[0] : f32 from vector<1xf32>
          %get3A_167 = arith.index_cast %scan3A_82 : i32 to index
          %get3A_168 = arith.constant 160 : index
          %get3A_169 = tpu.vector_load %arg10[%get3A_167, %get3A_168] {strides = array<i32>} : memref<64x640xf32, #tpu.memory_space<vmem>>, vector<16xf32>,
          %mul3A_170 = vector.broadcast %squeeze3A_166 : f32 to vector<16xf32>
          %mul3A_171 = arith.mulf %mul3A_170, %get3A_169 : vector<16xf32>
          %add3A_172 = arith.addf %add3A_140, %mul3A_171 : vector<16xf32>
          %slice3A_173 = vector.extract_strided_slice %get3A_84 {offsets = [11], sizes = [1], strides = [1]} : vector<16xf32> to vector<1xf32>
          %squeeze3A_174 = vector.extract %slice3A_173[0] : f32 from vector<1xf32>
          %get3A_175 = arith.index_cast %scan3A_82 : i32 to index
          %get3A_176 = arith.constant 176 : index
          %get3A_177 = tpu.vector_load %arg10[%get3A_175, %get3A_176] {strides = array<i32>} : memref<64x640xf32, #tpu.memory_space<vmem>>, vector<16xf32>,
          %mul3A_178 = vector.broadcast %squeeze3A_174 : f32 to vector<16xf32>
          %mul3A_179 = arith.mulf %mul3A_178, %get3A_177 : vector<16xf32>
          %add3A_180 = arith.addf %add3A_148, %mul3A_179 : vector<16xf32>
          %slice3A_181 = vector.extract_strided_slice %get3A_84 {offsets = [12], sizes = [1], strides = [1]} : vector<16xf32> to vector<1xf32>
          %squeeze3A_182 = vector.extract %slice3A_181[0] : f32 from vector<1xf32>
          %get3A_183 = arith.index_cast %scan3A_82 : i32 to index
          %get3A_184 = arith.constant 192 : index
          %get3A_185 = tpu.vector_load %arg10[%get3A_183, %get3A_184] {strides = array<i32>} : memref<64x640xf32, #tpu.memory_space<vmem>>, vector<16xf32>,
          %mul3A_186 = vector.broadcast %squeeze3A_182 : f32 to vector<16xf32>
          %mul3A_187 = arith.mulf %mul3A_186, %get3A_185 : vector<16xf32>
          %add3A_188 = arith.addf %add3A_156, %mul3A_187 : vector<16xf32>
          %slice3A_189 = vector.extract_strided_slice %get3A_84 {offsets = [13], sizes = [1], strides = [1]} : vector<16xf32> to vector<1xf32>
          %squeeze3A_190 = vector.extract %slice3A_189[0] : f32 from vector<1xf32>
          %get3A_191 = arith.index_cast %scan3A_82 : i32 to index
          %get3A_192 = arith.constant 208 : index
          %get3A_193 = tpu.vector_load %arg10[%get3A_191, %get3A_192] {strides = array<i32>} : memref<64x640xf32, #tpu.memory_space<vmem>>, vector<16xf32>,
          %mul3A_194 = vector.broadcast %squeeze3A_190 : f32 to vector<16xf32>
          %mul3A_195 = arith.mulf %mul3A_194, %get3A_193 : vector<16xf32>
          %add3A_196 = arith.addf %add3A_164, %mul3A_195 : vector<16xf32>
          %slice3A_197 = vector.extract_strided_slice %get3A_84 {offsets = [14], sizes = [1], strides = [1]} : vector<16xf32> to vector<1xf32>
          %squeeze3A_198 = vector.extract %slice3A_197[0] : f32 from vector<1xf32>
          %get3A_199 = arith.index_cast %scan3A_82 : i32 to index
          %get3A_200 = arith.constant 224 : index
          %get3A_201 = tpu.vector_load %arg10[%get3A_199, %get3A_200] {strides = array<i32>} : memref<64x640xf32, #tpu.memory_space<vmem>>, vector<16xf32>,
          %mul3A_202 = vector.broadcast %squeeze3A_198 : f32 to vector<16xf32>
          %mul3A_203 = arith.mulf %mul3A_202, %get3A_201 : vector<16xf32>
          %add3A_204 = arith.addf %add3A_172, %mul3A_203 : vector<16xf32>
          %slice3A_205 = vector.extract_strided_slice %get3A_84 {offsets = [15], sizes = [1], strides = [1]} : vector<16xf32> to vector<1xf32>
          %squeeze3A_206 = vector.extract %slice3A_205[0] : f32 from vector<1xf32>
          %get3A_207 = arith.index_cast %scan3A_82 : i32 to index
          %get3A_208 = arith.constant 240 : index
          %get3A_209 = tpu.vector_load %arg10[%get3A_207, %get3A_208] {strides = array<i32>} : memref<64x640xf32, #tpu.memory_space<vmem>>, vector<16xf32>,
          %mul3A_210 = vector.broadcast %squeeze3A_206 : f32 to vector<16xf32>
          %mul3A_211 = arith.mulf %mul3A_210, %get3A_209 : vector<16xf32>
          %add3A_212 = arith.addf %add3A_180, %mul3A_211 : vector<16xf32>
          %slice3A_213 = vector.extract_strided_slice %get3A_87 {offsets = [0], sizes = [1], strides = [1]} : vector<16xf32> to vector<1xf32>
          %squeeze3A_214 = vector.extract %slice3A_213[0] : f32 from vector<1xf32>
          %get3A_215 = arith.index_cast %scan3A_82 : i32 to index
          %get3A_216 = arith.constant 256 : index
          %get3A_217 = tpu.vector_load %arg10[%get3A_215, %get3A_216] {strides = array<i32>} : memref<64x640xf32, #tpu.memory_space<vmem>>, vector<16xf32>,
          %mul3A_218 = vector.broadcast %squeeze3A_214 : f32 to vector<16xf32>
          %mul3A_219 = arith.mulf %mul3A_218, %get3A_217 : vector<16xf32>
          %add3A_220 = arith.addf %add3A_188, %mul3A_219 : vector<16xf32>
          %slice3A_221 = vector.extract_strided_slice %get3A_87 {offsets = [1], sizes = [1], strides = [1]} : vector<16xf32> to vector<1xf32>
          %squeeze3A_222 = vector.extract %slice3A_221[0] : f32 from vector<1xf32>
          %get3A_223 = arith.index_cast %scan3A_82 : i32 to index
          %get3A_224 = arith.constant 272 : index
          %get3A_225 = tpu.vector_load %arg10[%get3A_223, %get3A_224] {strides = array<i32>} : memref<64x640xf32, #tpu.memory_space<vmem>>, vector<16xf32>,
          %mul3A_226 = vector.broadcast %squeeze3A_222 : f32 to vector<16xf32>
          %mul3A_227 = arith.mulf %mul3A_226, %get3A_225 : vector<16xf32>
          %add3A_228 = arith.addf %add3A_196, %mul3A_227 : vector<16xf32>
          %slice3A_229 = vector.extract_strided_slice %get3A_87 {offsets = [2], sizes = [1], strides = [1]} : vector<16xf32> to vector<1xf32>
          %squeeze3A_230 = vector.extract %slice3A_229[0] : f32 from vector<1xf32>
          %get3A_231 = arith.index_cast %scan3A_82 : i32 to index
          %get3A_232 = arith.constant 288 : index
          %get3A_233 = tpu.vector_load %arg10[%get3A_231, %get3A_232] {strides = array<i32>} : memref<64x640xf32, #tpu.memory_space<vmem>>, vector<16xf32>,
          %mul3A_234 = vector.broadcast %squeeze3A_230 : f32 to vector<16xf32>
          %mul3A_235 = arith.mulf %mul3A_234, %get3A_233 : vector<16xf32>
          %add3A_236 = arith.addf %add3A_204, %mul3A_235 : vector<16xf32>
          %slice3A_237 = vector.extract_strided_slice %get3A_87 {offsets = [3], sizes = [1], strides = [1]} : vector<16xf32> to vector<1xf32>
          %squeeze3A_238 = vector.extract %slice3A_237[0] : f32 from vector<1xf32>
          %get3A_239 = arith.index_cast %scan3A_82 : i32 to index
          %get3A_240 = arith.constant 304 : index
          %get3A_241 = tpu.vector_load %arg10[%get3A_239, %get3A_240] {strides = array<i32>} : memref<64x640xf32, #tpu.memory_space<vmem>>, vector<16xf32>,
          %mul3A_242 = vector.broadcast %squeeze3A_238 : f32 to vector<16xf32>
          %mul3A_243 = arith.mulf %mul3A_242, %get3A_241 : vector<16xf32>
          %add3A_244 = arith.addf %add3A_212, %mul3A_243 : vector<16xf32>
          %slice3A_245 = vector.extract_strided_slice %get3A_87 {offsets = [4], sizes = [1], strides = [1]} : vector<16xf32> to vector<1xf32>
          %squeeze3A_246 = vector.extract %slice3A_245[0] : f32 from vector<1xf32>
          %get3A_247 = arith.index_cast %scan3A_82 : i32 to index
          %get3A_248 = arith.constant 320 : index
          %get3A_249 = tpu.vector_load %arg10[%get3A_247, %get3A_248] {strides = array<i32>} : memref<64x640xf32, #tpu.memory_space<vmem>>, vector<16xf32>,
          %mul3A_250 = vector.broadcast %squeeze3A_246 : f32 to vector<16xf32>
          %mul3A_251 = arith.mulf %mul3A_250, %get3A_249 : vector<16xf32>
          %add3A_252 = arith.addf %add3A_220, %mul3A_251 : vector<16xf32>
          %slice3A_253 = vector.extract_strided_slice %get3A_87 {offsets = [5], sizes = [1], strides = [1]} : vector<16xf32> to vector<1xf32>
          %squeeze3A_254 = vector.extract %slice3A_253[0] : f32 from vector<1xf32>
          %get3A_255 = arith.index_cast %scan3A_82 : i32 to index
          %get3A_256 = arith.constant 336 : index
          %get3A_257 = tpu.vector_load %arg10[%get3A_255, %get3A_256] {strides = array<i32>} : memref<64x640xf32, #tpu.memory_space<vmem>>, vector<16xf32>,
          %mul3A_258 = vector.broadcast %squeeze3A_254 : f32 to vector<16xf32>
          %mul3A_259 = arith.mulf %mul3A_258, %get3A_257 : vector<16xf32>
          %add3A_260 = arith.addf %add3A_228, %mul3A_259 : vector<16xf32>
          %slice3A_261 = vector.extract_strided_slice %get3A_87 {offsets = [6], sizes = [1], strides = [1]} : vector<16xf32> to vector<1xf32>
          %squeeze3A_262 = vector.extract %slice3A_261[0] : f32 from vector<1xf32>
          %get3A_263 = arith.index_cast %scan3A_82 : i32 to index
          %get3A_264 = arith.constant 352 : index
          %get3A_265 = tpu.vector_load %arg10[%get3A_263, %get3A_264] {strides = array<i32>} : memref<64x640xf32, #tpu.memory_space<vmem>>, vector<16xf32>,
          %mul3A_266 = vector.broadcast %squeeze3A_262 : f32 to vector<16xf32>
          %mul3A_267 = arith.mulf %mul3A_266, %get3A_265 : vector<16xf32>
          %add3A_268 = arith.addf %add3A_236, %mul3A_267 : vector<16xf32>
          %slice3A_269 = vector.extract_strided_slice %get3A_87 {offsets = [7], sizes = [1], strides = [1]} : vector<16xf32> to vector<1xf32>
          %squeeze3A_270 = vector.extract %slice3A_269[0] : f32 from vector<1xf32>
          %get3A_271 = arith.index_cast %scan3A_82 : i32 to index
          %get3A_272 = arith.constant 368 : index
          %get3A_273 = tpu.vector_load %arg10[%get3A_271, %get3A_272] {strides = array<i32>} : memref<64x640xf32, #tpu.memory_space<vmem>>, vector<16xf32>,
          %mul3A_274 = vector.broadcast %squeeze3A_270 : f32 to vector<16xf32>
          %mul3A_275 = arith.mulf %mul3A_274, %get3A_273 : vector<16xf32>
          %add3A_276 = arith.addf %add3A_244, %mul3A_275 : vector<16xf32>
          %slice3A_277 = vector.extract_strided_slice %get3A_87 {offsets = [8], sizes = [1], strides = [1]} : vector<16xf32> to vector<1xf32>
          %squeeze3A_278 = vector.extract %slice3A_277[0] : f32 from vector<1xf32>
          %get3A_279 = arith.index_cast %scan3A_82 : i32 to index
          %get3A_280 = arith.constant 384 : index
          %get3A_281 = tpu.vector_load %arg10[%get3A_279, %get3A_280] {strides = array<i32>} : memref<64x640xf32, #tpu.memory_space<vmem>>, vector<16xf32>,
          %mul3A_282 = vector.broadcast %squeeze3A_278 : f32 to vector<16xf32>
          %mul3A_283 = arith.mulf %mul3A_282, %get3A_281 : vector<16xf32>
          %add3A_284 = arith.addf %add3A_252, %mul3A_283 : vector<16xf32>
          %slice3A_285 = vector.extract_strided_slice %get3A_87 {offsets = [9], sizes = [1], strides = [1]} : vector<16xf32> to vector<1xf32>
          %squeeze3A_286 = vector.extract %slice3A_285[0] : f32 from vector<1xf32>
          %get3A_287 = arith.index_cast %scan3A_82 : i32 to index
          %get3A_288 = arith.constant 400 : index
          %get3A_289 = tpu.vector_load %arg10[%get3A_287, %get3A_288] {strides = array<i32>} : memref<64x640xf32, #tpu.memory_space<vmem>>, vector<16xf32>,
          %mul3A_290 = vector.broadcast %squeeze3A_286 : f32 to vector<16xf32>
          %mul3A_291 = arith.mulf %mul3A_290, %get3A_289 : vector<16xf32>
          %add3A_292 = arith.addf %add3A_260, %mul3A_291 : vector<16xf32>
          %slice3A_293 = vector.extract_strided_slice %get3A_87 {offsets = [10], sizes = [1], strides = [1]} : vector<16xf32> to vector<1xf32>
          %squeeze3A_294 = vector.extract %slice3A_293[0] : f32 from vector<1xf32>
          %get3A_295 = arith.index_cast %scan3A_82 : i32 to index
          %get3A_296 = arith.constant 416 : index
          %get3A_297 = tpu.vector_load %arg10[%get3A_295, %get3A_296] {strides = array<i32>} : memref<64x640xf32, #tpu.memory_space<vmem>>, vector<16xf32>,
          %mul3A_298 = vector.broadcast %squeeze3A_294 : f32 to vector<16xf32>
          %mul3A_299 = arith.mulf %mul3A_298, %get3A_297 : vector<16xf32>
          %add3A_300 = arith.addf %add3A_268, %mul3A_299 : vector<16xf32>
          %slice3A_301 = vector.extract_strided_slice %get3A_87 {offsets = [11], sizes = [1], strides = [1]} : vector<16xf32> to vector<1xf32>
          %squeeze3A_302 = vector.extract %slice3A_301[0] : f32 from vector<1xf32>
          %get3A_303 = arith.index_cast %scan3A_82 : i32 to index
          %get3A_304 = arith.constant 432 : index
          %get3A_305 = tpu.vector_load %arg10[%get3A_303, %get3A_304] {strides = array<i32>} : memref<64x640xf32, #tpu.memory_space<vmem>>, vector<16xf32>,
          %mul3A_306 = vector.broadcast %squeeze3A_302 : f32 to vector<16xf32>
          %mul3A_307 = arith.mulf %mul3A_306, %get3A_305 : vector<16xf32>
          %add3A_308 = arith.addf %add3A_276, %mul3A_307 : vector<16xf32>
          %slice3A_309 = vector.extract_strided_slice %get3A_87 {offsets = [12], sizes = [1], strides = [1]} : vector<16xf32> to vector<1xf32>
          %squeeze3A_310 = vector.extract %slice3A_309[0] : f32 from vector<1xf32>
          %get3A_311 = arith.index_cast %scan3A_82 : i32 to index
          %get3A_312 = arith.constant 448 : index
          %get3A_313 = tpu.vector_load %arg10[%get3A_311, %get3A_312] {strides = array<i32>} : memref<64x640xf32, #tpu.memory_space<vmem>>, vector<16xf32>,
          %mul3A_314 = vector.broadcast %squeeze3A_310 : f32 to vector<16xf32>
          %mul3A_315 = arith.mulf %mul3A_314, %get3A_313 : vector<16xf32>
          %add3A_316 = arith.addf %add3A_284, %mul3A_315 : vector<16xf32>
          %slice3A_317 = vector.extract_strided_slice %get3A_87 {offsets = [13], sizes = [1], strides = [1]} : vector<16xf32> to vector<1xf32>
          %squeeze3A_318 = vector.extract %slice3A_317[0] : f32 from vector<1xf32>
          %get3A_319 = arith.index_cast %scan3A_82 : i32 to index
          %get3A_320 = arith.constant 464 : index
          %get3A_321 = tpu.vector_load %arg10[%get3A_319, %get3A_320] {strides = array<i32>} : memref<64x640xf32, #tpu.memory_space<vmem>>, vector<16xf32>,
          %mul3A_322 = vector.broadcast %squeeze3A_318 : f32 to vector<16xf32>
          %mul3A_323 = arith.mulf %mul3A_322, %get3A_321 : vector<16xf32>
          %add3A_324 = arith.addf %add3A_292, %mul3A_323 : vector<16xf32>
          %slice3A_325 = vector.extract_strided_slice %get3A_87 {offsets = [14], sizes = [1], strides = [1]} : vector<16xf32> to vector<1xf32>
          %squeeze3A_326 = vector.extract %slice3A_325[0] : f32 from vector<1xf32>
          %get3A_327 = arith.index_cast %scan3A_82 : i32 to index
          %get3A_328 = arith.constant 480 : index
          %get3A_329 = tpu.vector_load %arg10[%get3A_327, %get3A_328] {strides = array<i32>} : memref<64x640xf32, #tpu.memory_space<vmem>>, vector<16xf32>,
          %mul3A_330 = vector.broadcast %squeeze3A_326 : f32 to vector<16xf32>
          %mul3A_331 = arith.mulf %mul3A_330, %get3A_329 : vector<16xf32>
          %add3A_332 = arith.addf %add3A_300, %mul3A_331 : vector<16xf32>
          %slice3A_333 = vector.extract_strided_slice %get3A_87 {offsets = [15], sizes = [1], strides = [1]} : vector<16xf32> to vector<1xf32>
          %squeeze3A_334 = vector.extract %slice3A_333[0] : f32 from vector<1xf32>
          %get3A_335 = arith.index_cast %scan3A_82 : i32 to index
          %get3A_336 = arith.constant 496 : index
          %get3A_337 = tpu.vector_load %arg10[%get3A_335, %get3A_336] {strides = array<i32>} : memref<64x640xf32, #tpu.memory_space<vmem>>, vector<16xf32>,
          %mul3A_338 = vector.broadcast %squeeze3A_334 : f32 to vector<16xf32>
          %mul3A_339 = arith.mulf %mul3A_338, %get3A_337 : vector<16xf32>
          %add3A_340 = arith.addf %add3A_308, %mul3A_339 : vector<16xf32>
          %slice3A_341 = vector.extract_strided_slice %get3A_90 {offsets = [8], sizes = [1], strides = [1]} : vector<16xf32> to vector<1xf32>
          %squeeze3A_342 = vector.extract %slice3A_341[0] : f32 from vector<1xf32>
          %get3A_343 = arith.index_cast %scan3A_82 : i32 to index
          %get3A_344 = arith.constant 512 : index
          %get3A_345 = tpu.vector_load %arg10[%get3A_343, %get3A_344] {strides = array<i32>} : memref<64x640xf32, #tpu.memory_space<vmem>>, vector<16xf32>,
          %mul3A_346 = vector.broadcast %squeeze3A_342 : f32 to vector<16xf32>
          %mul3A_347 = arith.mulf %mul3A_346, %get3A_345 : vector<16xf32>
          %add3A_348 = arith.addf %add3A_316, %mul3A_347 : vector<16xf32>
          %slice3A_349 = vector.extract_strided_slice %get3A_90 {offsets = [9], sizes = [1], strides = [1]} : vector<16xf32> to vector<1xf32>
          %squeeze3A_350 = vector.extract %slice3A_349[0] : f32 from vector<1xf32>
          %get3A_351 = arith.index_cast %scan3A_82 : i32 to index
          %get3A_352 = arith.constant 528 : index
          %get3A_353 = tpu.vector_load %arg10[%get3A_351, %get3A_352] {strides = array<i32>} : memref<64x640xf32, #tpu.memory_space<vmem>>, vector<16xf32>,
          %mul3A_354 = vector.broadcast %squeeze3A_350 : f32 to vector<16xf32>
          %mul3A_355 = arith.mulf %mul3A_354, %get3A_353 : vector<16xf32>
          %add3A_356 = arith.addf %add3A_324, %mul3A_355 : vector<16xf32>
          %slice3A_357 = vector.extract_strided_slice %get3A_90 {offsets = [10], sizes = [1], strides = [1]} : vector<16xf32> to vector<1xf32>
          %squeeze3A_358 = vector.extract %slice3A_357[0] : f32 from vector<1xf32>
          %get3A_359 = arith.index_cast %scan3A_82 : i32 to index
          %get3A_360 = arith.constant 544 : index
          %get3A_361 = tpu.vector_load %arg10[%get3A_359, %get3A_360] {strides = array<i32>} : memref<64x640xf32, #tpu.memory_space<vmem>>, vector<16xf32>,
          %mul3A_362 = vector.broadcast %squeeze3A_358 : f32 to vector<16xf32>
          %mul3A_363 = arith.mulf %mul3A_362, %get3A_361 : vector<16xf32>
          %add3A_364 = arith.addf %add3A_332, %mul3A_363 : vector<16xf32>
          %slice3A_365 = vector.extract_strided_slice %get3A_90 {offsets = [11], sizes = [1], strides = [1]} : vector<16xf32> to vector<1xf32>
          %squeeze3A_366 = vector.extract %slice3A_365[0] : f32 from vector<1xf32>
          %get3A_367 = arith.index_cast %scan3A_82 : i32 to index
          %get3A_368 = arith.constant 560 : index
          %get3A_369 = tpu.vector_load %arg10[%get3A_367, %get3A_368] {strides = array<i32>} : memref<64x640xf32, #tpu.memory_space<vmem>>, vector<16xf32>,
          %mul3A_370 = vector.broadcast %squeeze3A_366 : f32 to vector<16xf32>
          %mul3A_371 = arith.mulf %mul3A_370, %get3A_369 : vector<16xf32>
          %add3A_372 = arith.addf %add3A_340, %mul3A_371 : vector<16xf32>
          %slice3A_373 = vector.extract_strided_slice %get3A_90 {offsets = [12], sizes = [1], strides = [1]} : vector<16xf32> to vector<1xf32>
          %squeeze3A_374 = vector.extract %slice3A_373[0] : f32 from vector<1xf32>
          %get3A_375 = arith.index_cast %scan3A_82 : i32 to index
          %get3A_376 = arith.constant 576 : index
          %get3A_377 = tpu.vector_load %arg10[%get3A_375, %get3A_376] {strides = array<i32>} : memref<64x640xf32, #tpu.memory_space<vmem>>, vector<16xf32>,
          %mul3A_378 = vector.broadcast %squeeze3A_374 : f32 to vector<16xf32>
          %mul3A_379 = arith.mulf %mul3A_378, %get3A_377 : vector<16xf32>
          %add3A_380 = arith.addf %add3A_348, %mul3A_379 : vector<16xf32>
          %slice3A_381 = vector.extract_strided_slice %get3A_90 {offsets = [13], sizes = [1], strides = [1]} : vector<16xf32> to vector<1xf32>
          %squeeze3A_382 = vector.extract %slice3A_381[0] : f32 from vector<1xf32>
          %get3A_383 = arith.index_cast %scan3A_82 : i32 to index
          %get3A_384 = arith.constant 592 : index
          %get3A_385 = tpu.vector_load %arg10[%get3A_383, %get3A_384] {strides = array<i32>} : memref<64x640xf32, #tpu.memory_space<vmem>>, vector<16xf32>,
          %mul3A_386 = vector.broadcast %squeeze3A_382 : f32 to vector<16xf32>
          %mul3A_387 = arith.mulf %mul3A_386, %get3A_385 : vector<16xf32>
          %add3A_388 = arith.addf %add3A_356, %mul3A_387 : vector<16xf32>
          %slice3A_389 = vector.extract_strided_slice %get3A_90 {offsets = [14], sizes = [1], strides = [1]} : vector<16xf32> to vector<1xf32>
          %squeeze3A_390 = vector.extract %slice3A_389[0] : f32 from vector<1xf32>
          %get3A_391 = arith.index_cast %scan3A_82 : i32 to index
          %get3A_392 = arith.constant 608 : index
          %get3A_393 = tpu.vector_load %arg10[%get3A_391, %get3A_392] {strides = array<i32>} : memref<64x640xf32, #tpu.memory_space<vmem>>, vector<16xf32>,
          %mul3A_394 = vector.broadcast %squeeze3A_390 : f32 to vector<16xf32>
          %mul3A_395 = arith.mulf %mul3A_394, %get3A_393 : vector<16xf32>
          %add3A_396 = arith.addf %add3A_364, %mul3A_395 : vector<16xf32>
          %slice3A_397 = vector.extract_strided_slice %get3A_90 {offsets = [15], sizes = [1], strides = [1]} : vector<16xf32> to vector<1xf32>
          %squeeze3A_398 = vector.extract %slice3A_397[0] : f32 from vector<1xf32>
          %get3A_399 = arith.index_cast %scan3A_82 : i32 to index
          %get3A_400 = arith.constant 624 : index
          %get3A_401 = tpu.vector_load %arg10[%get3A_399, %get3A_400] {strides = array<i32>} : memref<64x640xf32, #tpu.memory_space<vmem>>, vector<16xf32>,
          %mul3A_402 = vector.broadcast %squeeze3A_398 : f32 to vector<16xf32>
          %mul3A_403 = arith.mulf %mul3A_402, %get3A_401 : vector<16xf32>
          %add3A_404 = arith.addf %add3A_372, %mul3A_403 : vector<16xf32>
          %add3A_405 = arith.addf %add3A_380, %add3A_388 : vector<16xf32>
          %add3A_406 = arith.addf %add3A_396, %add3A_404 : vector<16xf32>
          %add3A_407 = arith.addf %add3A_405, %add3A_406 : vector<16xf32>
          %max3A = arith.constant 0.000000e+00 : f32
          %max3A_408 = vector.broadcast %max3A : f32 to vector<16xf32>
          %max3A_409 = arith.maximumf %add3A_407, %max3A_408 : vector<16xf32>
          %swap3A = arith.index_cast %scan3A_82 : i32 to index
          %swap3A_410 = arith.constant 0 : index
          %swap3A_411 = tpu.vector_load %arg12[%swap3A, %swap3A_410] {strides = array<i32>} : memref<64x16xf32, #tpu.memory_space<vmem>>, vector<16xf32>,
          tpu.vector_store %arg12[%swap3A, %swap3A_410], %max3A_409 {strides = array<i32>} : memref<64x16xf32, #tpu.memory_space<vmem>>, vector<16xf32>,
        }
        %scan3A_74 = arith.constant 64 : i32
        %mul3A_75 = arith.constant 64 : i32
        %mul3A_76 = arith.muli %add3A_52, %mul3A_75 : i32
        %add3A_77 = arith.addi %mul3A_2, %mul3A_76 : i32
        %dma_start3A_78 = arith.constant 0 : i32
        %dma_start3A_79 = tpu.memref_slice %arg5[%add3A_77, %dma_start3A_78] : memref<200000x16xf32, #tpu.memory_space<hbm>> -> memref<64x16xf32, #tpu.memory_space<hbm>>
        %dma_start3A_80 = arith.constant 0 : i32
        %dma_start3A_81 = tpu.memref_slice %arg5[%add3A_77, %dma_start3A_80] : memref<200000x16xf32, #tpu.memory_space<hbm>> -> memref<64x16xf32, #tpu.memory_space<hbm>>
        tpu.enqueue_dma source(%arg12 : memref<64x16xf32, #tpu.memory_space<vmem>>) target(%dma_start3A_81 : memref<64x16xf32, #tpu.memory_space<hbm>>) target_semaphore(%arg17 : memref<!tpu.dma_semaphore, #tpu.memory_space<semaphore_mem>>)
      } else {
      }
    }
    %scan3A_18 = arith.constant 49 : i32
    %dma_wait3A = arith.constant 0 : i32
    %dma_wait3A_19 = tpu.memref_slice %arg5[%mul3A_2, %dma_wait3A] : memref<200000x16xf32, #tpu.memory_space<hbm>> -> memref<64x16xf32, #tpu.memory_space<hbm>>
    %dma_wait3A_20 = arith.constant 0 : i32
    %dma_wait3A_21 = tpu.memref_slice %arg5[%mul3A_2, %dma_wait3A_20] : memref<200000x16xf32, #tpu.memory_space<hbm>> -> memref<64x16xf32, #tpu.memory_space<hbm>>
    tpu.wait_dma2 semaphore(%arg16 : memref<!tpu.dma_semaphore, #tpu.memory_space<semaphore_mem>>) src(%arg11 : memref<64x16xf32, #tpu.memory_space<vmem>>) dst(%dma_wait3A_21 : memref<64x16xf32, #tpu.memory_space<hbm>>)
    %dma_wait3A_22 = arith.constant 0 : i32
    %dma_wait3A_23 = tpu.memref_slice %arg5[%mul3A_2, %dma_wait3A_22] : memref<200000x16xf32, #tpu.memory_space<hbm>> -> memref<64x16xf32, #tpu.memory_space<hbm>>
    %dma_wait3A_24 = arith.constant 0 : i32
    %dma_wait3A_25 = tpu.memref_slice %arg5[%mul3A_2, %dma_wait3A_24] : memref<200000x16xf32, #tpu.memory_space<hbm>> -> memref<64x16xf32, #tpu.memory_space<hbm>>
    tpu.wait_dma2 semaphore(%arg17 : memref<!tpu.dma_semaphore, #tpu.memory_space<semaphore_mem>>) src(%arg12 : memref<64x16xf32, #tpu.memory_space<vmem>>) dst(%dma_wait3A_25 : memref<64x16xf32, #tpu.memory_space<hbm>>)
    return
  }
}

</mosaic_0001>

<sc_bundles>
// kernel: kernel.3.cloned.1.call-start
scs
__scs_entry_jumppad:
0x0: {  	(pc) =	sbr.rel $0x88, $3  }
0x1: {  	(tag) =	ssettag $0x0;
	lr =	simm.s32 $0x1  }
0x2: {  	[smem:$0x3F9E] =	sst lr;
	_ =	strace $0xD0000000  }
0x3: {  	_ = 	snop  }
0x4: {  	_ = 	snop  }
0x5: {  	_ = 	snop  }
0x6: {  	_ = 	snop  }
0x7: {  	_ = 	snop  }
__scs_overlays_trampoline_lowered:
0x8: {  	[smem:$0x3FAD] =	sst s0  }
0x9: {  	[smem:$0x3FAE] =	sst s1  }
0xa: {  	[smem:$0x3FAF] =	sst s2  }
0xb: {  	[smem:$0x3FB0] =	sst s3  }
0xc: {  	[smem:$0x3FB1] =	sst s4  }
0xd: {  	[smem:$0x3FB2] =	sst s5  }
0xe: {  	[smem:$0x3FB3] =	sst s6  }
0xf: {  	[smem:$0x3FB4] =	sst s7  }
0x10: {  	[smem:$0x3FB5] =	sst s8  }
0x11: {  	[smem:$0x3FB6] =	sst s9;
	s0 =	simm.s32 @!p0 $0x0  }
0x12: {  	s1 =	sld [smem:$0x3F9C];
	s0 =	simm.s32 @p0 $0x1  }
0x13: {  	[smem:$0x3FB7] =	sst s0;
	s0 =	simm.s32 @!p1 $0x0  }
0x14: {  	s2 =	sld [smem:$0x3F9B];
	s0 =	simm.s32 @p1 $0x1  }
0x15: {  	[smem:$0x3FB8] =	sst s0;
	s0 =	simm.s32 @!p2 $0x0  }
0x16: {  	s3 =	sld [smem:$0x3FDB];
	s0 =	simm.s32 @p2 $0x1  }
0x17: {  	s4 =	simm.s32 $0x1BF5;
	[smem:$0x3FBA] =	sst s0  }
0x18: {  	s0 =	sld [smem:$0x3F9D];
	_ =	swait.ge [sflag:s4], $0x0  }
0x19: {  	s7 =	sld [smem:$0x3F9E]  }
0x1a: {  	s8 =	sadd.s32 $0xFFFFE003, lr  }
0x1b: {  	s9 =	sadd.s32 $0xFFFFFEF7, lr;
	s5 =	simm.s32 $0xFFFFFFFF;
	p2 =	slt.u32 s8, $0xFFFFF086  }
0x1c: {  	p1 =	slt.u32 s9, $0xF7A;
	s5 =	simm.s32 @!p2 $0x0  }
0x1d: {  	s5 =	simm.s32 @p1 $0x1;
	p0 =	seq.s32 s7, s2  }
0x1e: {  	s7 =	smul.u32 @!p0 $0xF7A, s2;
	p2 =	seq.s32 @!p0 s5, $0x0  }
0x1f: {  	s9 =	smul.u32 $0xF7A, s1;
	s8 =	simm.s32 @!p0 $0x1BF5;
	p2 =	por !p2, p0  }
0x20: {  	[sflag:s8] =	ssyncset.s32 @!p0 $0xFFFFF086;
	s6 =	sadd.s32 @!p0 s3, s7;
	s7 =	simm.s32 @!p0 $0x108  }
0x21: {  	s3 =	sadd.s32 s3, s9;
	s6 =	sadd.s32 @!p0 $0x88, s6;
	s7 =	simm.s32 @p2 $0x1082  }
0x22: {  	[simem:s7], [sflag:s8] =	dma.local @!p0 [hbm:s6], $0xF7A  }
0x23: {  	s9 =	sor.u32 $0xD0000000, s2;
	s6 =	simm.s32 $0x108;
	_ =	swait.ge @!p0 [sflag:s8], $0x0  }
0x24: {  	s3 =	sadd.s32 $0x88, s3;
	s6 =	simm.s32 @!p1 $0x1082;
	[sflag:s4] =	ssyncset.s32 $0xFFFFF086  }
0x25: {  	[simem:s6], [sflag:s4] =	dma.local [hbm:s3], $0xF7A  }
0x26: {  	[smem:$0x3F9E] =	sst s1;
	(tag) =	ssettag s2;
	_ =	strace s9  }
0x27: {  	s1 =	sld [smem:$0x3FAE]  }
0x28: {  	s2 =	sld [smem:$0x3FAF]  }
0x29: {  	s4 =	sld [smem:$0x3FB1]  }
0x2a: {  	p0 =	seq.s32 s5, $0x0;
	s5 =	sld [smem:$0x3FB2]  }
0x2b: {  	s6 =	sld [smem:$0x3FB3]  }
0x2c: {  	s7 =	sld [smem:$0x3FB4]  }
0x2d: {  	s3 =	simm.s32 $0x108;
	s8 =	sld [smem:$0x3FB5]  }
0x2e: {  	s3 =	simm.s32 @!p0 $0x1082;
	s9 =	sld [smem:$0x3FB6]  }
0x2f: {  	lr =	sadd.s32 s0, s3;
	s0 =	sld [smem:$0x3FAD]  }
0x30: {  	s3 =	sld [smem:$0x3FB0]  }
0x31: {  	[smem:$0x3FB9] =	sst s10  }
0x32: {  	s10 =	sld [smem:$0x3FB7];
	_ =	sdelay $0x3  }
0x33: {  	p0 =	seq.s32 s10, $0x1;
	s10 =	sld [smem:$0x3FB9];
	_ =	sdelay $0x3  }
0x34: {  	[smem:$0x3FB9] =	sst s10  }
0x35: {  	s10 =	sld [smem:$0x3FB8];
	_ =	sdelay $0x3  }
0x36: {  	p1 =	seq.s32 s10, $0x1;
	s10 =	sld [smem:$0x3FB9];
	_ =	sdelay $0x3  }
0x37: {  	[smem:$0x3FB9] =	sst s10  }
0x38: {  	s10 =	sld [smem:$0x3FBA]  }
0x39: {  	_ = 	snop;
	(pc) =	sbr.ind lr, $3  }
0x3a: {  	_ = 	snop  }
0x3b: {  	_ = 	snop  }
0x3c: {  	p2 =	seq.s32 s10, $0x1;
	s10 =	sld [smem:$0x3FB9]  }
0x3d: {  	_ =	shalt  }
0x3e: {  	_ =	shalt  }
0x3f: {  	_ =	shalt  }
0x40: {  	_ =	shalt  }
0x41: {  	_ =	shalt  }
0x42: {  	_ =	shalt  }
0x43: {  	_ =	shalt  }
0x44: {  	_ =	shalt  }
0x45: {  	_ =	shalt  }
0x46: {  	_ =	shalt  }
0x47: {  	_ =	shalt  }
0x48: {  	_ =	shalt  }
0x49: {  	_ =	shalt  }
0x4a: {  	_ =	shalt  }
0x4b: {  	_ =	shalt  }
0x4c: {  	_ =	shalt  }
0x4d: {  	_ =	shalt  }
0x4e: {  	_ =	shalt  }
0x4f: {  	_ =	shalt  }
0x50: {  	_ =	shalt  }
0x51: {  	_ =	shalt  }
0x52: {  	_ =	shalt  }
0x53: {  	_ =	shalt  }
0x54: {  	_ =	shalt  }
0x55: {  	_ =	shalt  }
0x56: {  	_ =	shalt  }
0x57: {  	_ =	shalt  }
0x58: {  	_ =	shalt  }
0x59: {  	_ =	shalt  }
0x5a: {  	_ =	shalt  }
0x5b: {  	_ =	shalt  }
0x5c: {  	_ =	shalt  }
0x5d: {  	_ =	shalt  }
0x5e: {  	_ =	shalt  }
0x5f: {  	_ =	shalt  }
0x60: {  	_ =	shalt  }
0x61: {  	_ =	shalt  }
0x62: {  	_ =	shalt  }
0x63: {  	_ =	shalt  }
0x64: {  	_ =	shalt  }
0x65: {  	_ =	shalt  }
0x66: {  	_ =	shalt  }
0x67: {  	_ =	shalt  }
0x68: {  	_ =	shalt  }
0x69: {  	_ =	shalt  }
0x6a: {  	_ =	shalt  }
0x6b: {  	_ =	shalt  }
0x6c: {  	_ =	shalt  }
0x6d: {  	_ =	shalt  }
0x6e: {  	_ =	shalt  }
0x6f: {  	_ =	shalt  }
0x70: {  	_ =	shalt  }
0x71: {  	_ =	shalt  }
0x72: {  	_ =	shalt  }
0x73: {  	_ =	shalt  }
0x74: {  	_ =	shalt  }
0x75: {  	_ =	shalt  }
0x76: {  	_ =	shalt  }
0x77: {  	_ =	shalt  }
0x78: {  	_ =	shalt  }
0x79: {  	_ =	shalt  }
0x7a: {  	_ =	shalt  }
0x7b: {  	_ =	shalt  }
0x7c: {  	_ =	shalt  }
0x7d: {  	_ =	shalt  }
0x7e: {  	_ =	shalt  }
0x7f: {  	_ =	shalt  }
0x80: {  	_ =	shalt  }
0x81: {  	_ =	shalt  }
0x82: {  	_ =	shalt  }
0x83: {  	_ =	shalt  }
0x84: {  	_ =	shalt  }
0x85: {  	_ =	shalt  }
0x86: {  	_ =	shalt  }
0x87: {  	_ =	shalt  }
.Lfunc_end0:
.L_simem_size_0:
called_computation_lowered:
.L_overlay_start_0:
0x88: {  	s2 =	sld [smem:$0x3FD9]  }
0x89: {  	s3 =	sld [smem:$0x3FFE];
	_ =	sdelay $0x1  }
0x8a: {  	s1 =	srdreg.scid  }
0x8b: {  	s0 =	sand.u32 $0x1, s1  }
0x8c: {  	s17 =	sshll.u32 s0, $0xA;
	s2 =	sadd.s32 s3, s2  }
0x8d: {  	s2 =	sadd.s32 s2, s17  }
0x8e: {  	[smem:$0x3FC5] =	sst s2  }
0x8f: {  	_ = 	snop  }
0x90: {  	s2 =	sld [smem:$0x3FC8]  }
0x91: {  	s18 =	sld [smem:$0x3FD0];
	(tm) =	ssettm $0x1  }
0x92: {  	s4 =	sld [smem:$0x3FFB];
	_ =	sdelay $0x3  }
0x93: {  	_ =	strace s4  }
0x94: {  	s4 =	sld [smem:$0x3FFC];
	_ =	sdelay $0x3  }
0x95: {  	_ =	strace s4  }
0x96: {  	s4 =	sld [smem:$0x3FFD];
	_ =	sdelay $0x3  }
0x97: {  	_ =	strace s4  }
0x98: {  	_ =	strace $0x8FFFFFFF  }
0x99: {  	s19 =	sld [smem:$0x3FDB];
	_ =	sdelay $0x1  }
0x9a: {  	s5 =	simm.s32 $_scs_section_size  }
0x9b: {  	s6 =	simm.s32 $_size__tile_overlayer_lowered;
	s7 =	simm.s32 $_tile_overlayer_lowered  }
0x9c: {  	s22 =	simm.s32 $0x1BFF;
	s21 =	sshll.u32 s7, $0x1;
	s4 =	sadd.s32 s5, s19  }
0x9d: {  	s8 =	simm.s32 $0x0;
	s20 =	sshll.u32 s6, $0x1;
	s6 =	sadd.s32 s21, s4  }
0x9e: {  	[timem:s8], [sflag:s22] =	dma.local [hbm:s6], s20  }
0x9f: {  	_ =	swait.ge [sflag:s22], s20  }
0xa0: {  	s5 =	ssub.s32 $0x0, s20;
	[sflag:s22] =	ssyncset.done $0x0  }
0xa1: {  	[sflag:s22] =	ssyncadd.s32 s5;
	_ =	sdelay $0x1  }
0xa2: {  	s23 =	simm.s32 $0x1B8B  }
0xa3: {  	_ =	swait.ge [sflag:s23], $0x1  }
0xa4: {  	[sflag:s23] =	ssyncset.done $0x0  }
0xa5: {  	s25 =	simm.s32 $0x1B8E;
	s24 =	sld [smem:$0x3FFE];
	[sflag:s23] =	ssyncadd.s32 $0xFFFFFFFF  }
0xa6: {  	s26 =	simm.s32 $execute0_lowered;
	[smem:$0x3FD2] =	sst s25  }
0xa7: {  	s6 =	sshll.u32 s26, $0x1;
	_ =	strace $0x80000046;
	[dreg:$0x1] =	wrdreg $0xFFFFFFFF  }
0xa8: {  	s28 =	simm.s32 $_size_execute0_lowered;
	s4 =	sadd.s32 s4, s6;
	[dreg:$0x0] =	wrdreg $0x0  }
0xa9: {  	s6 =	sshll.u32 s28, $0x1;
	[dreg:$0x2] =	wrdreg s4  }
0xaa: {  	[dreg:$0x3] =	wrdreg s6  }
0xab: {  	[dreg:$0x4] =	wrdreg $0xC0  }
0xac: {  	_ =	task [dreg:s8], $0x5FFFF  }
0xad: {  	[dreg:$0x1] =	wrdreg $0xFFFFFFFF  }
0xae: {  	[dreg:$0x0] =	wrdreg $0x60  }
0xaf: {  	[dreg:$0x2] =	wrdreg s24  }
0xb0: {  	[dreg:$0x3] =	wrdreg s2  }
0xb1: {  	[dreg:$0x4] =	wrdreg s18  }
0xb2: {  	[dreg:$0x5] =	wrdreg $0x9  }
0xb3: {  	_ =	task.clear_ibuf [dreg:s8], $0x6FFFF;
	_ =	strace $0x90000046  }
0xb4: {  	s29 =	simm.s32 $0x9;
	_ =	strace $0x80000048  }
0xb5: {  	_ =	swait.ge [sflag:s29], $0x1  }
0xb6: {  	[sflag:s29] =	ssyncadd.s32 $0xFFFFFFFF  }
0xb7: {  	_ =	strace $0x90000048  }
0xb8: {  	_ =	sfence  }
0xb9: {  	s30 =	sld [smem:$0x0];
	_ =	sdelay $0x2  }
0xba: {  	s31 =	sshll.u32 s1, $0xD;
	s1 =	sshrl.u32 s1, $0x2  }
0xbb: {  	s3 =	sand.u32 $0x4000, s31;
	s1 =	sadd.s32 s1, s30  }
0xbc: {  	s0 =	sor.u32 s3, s0;
	s1 =	sshll.u32 s1, $0x11  }
0xbd: {  	s0 =	sor.u32 s1, s0  }
0xbe: {  	s0 =	sadd.s32 $0x8F2B, s0  }
0xbf: {  	[sflag:s0] =	ssyncadd.remote.s32 $0x1  }
0xc0: {  	_ =	sfence.sel $0xFFFF  }
0xc1: {  	[dreg:$0x0] =	wrdreg $0xFFFFFFFF;
	(pc) =	sbr.abs _section_cstart, $3  }
0xc2: {  	[dreg:$0x1] =	wrdreg $0xFFFFFFFF  }
0xc3: {  	_ =	task.clear_ibuf [dreg:s8], $0x2FFFF;
	_ =	strace $0x9FFFFFFF  }
0xc4: {  	(tm) =	ssettm $0x7FFFFFFF  }
0xc5: {  	_ =	shalt  }
tec
execute0_lowered:
.L_overlay_start_1:
0x0: {  	(tag) =	ssettag $0x1  }
0x1: {  	s0 =	rddreg [dreg:$0x0]  }
0x2: {  	s1 =	rddreg [dreg:$0x1]  }
0x3: {  	s6 =	rddreg [dreg:$0x2]  }
0x4: {  	s3 =	srdreg.scid;
	s4 =	stileid.u32  }
0x5: {  	s2 =	simm.s32 $0x0;
	s11 =	simm.s32 $0xD580;
	s15 =	simm.s32 $0xDD80  }
0x6: {  	s16 =	simm.s32 $0x1880;
	s17 =	simm.s32 $0x3100;
	s18 =	simm.s32 $0x1C980  }
0x7: {  	s19 =	simm.s32 $0x1;
	s20 =	simm.s32 $0x2;
	s22 =	simm.s32 $0x0  }
0x8: {  	s3 =	sand.u32 $0x1, s3;
	s4 =	sshll.u32 s4, $0x1;
	[smem:$0x7FF] =	sst s2  }
0x9: {  	s29 =	sadd.s32 $0x5EF0, s6;
	s30 =	sadd.s32 $0xC098, s6;
	s12 =	sadd.s32 $0x500, s0  }
0xa: {  	s13 =	sadd.s32 $0x600, s0;
	s5 =	ssub.s32 $0x2, s3;
	s7 =	sor.u32 s3, s4  }
0xb: {  	_ =	strace $0x80000047;
	s3 =	sadd.s32 $0x400, s0;
	[dreg:$0x8] =	wrdreg s29  }
0xc: {  	s4 =	sadd.s32 $0x7A1600, s0;
	[dreg:$0x9] =	wrdreg s30;
	s9 =	smul.u32 $0x1880, s7  }
0xd: {  	s8 =	sshrl.u32 s5, $0x1;
	p0 =	seq.s32 s7, $0x1F;
	s14 =	smul.u32 $0xC4000, s7  }
0xe: {  	s7 =	simm.s32 $0xE580;
	s8 =	ssub.s32 s5, s8;
	s5 =	simm.s32 $0x57  }
0xf: {  	s9 =	sshrl.u32 s9, $0x3;
	s5 =	simm.s32 @!p0 $0x62;
	s31 =	smax.u32 s8, $0x1  }
.Ltmp0:
0x10: {  	s10 =	sadd.s32 s1, s9;
	[dreg:$0xa] =	wrdreg s31;
	(pc) =	sbr.rel .LBB2_1-.Ltmp0, $4  }
0x11: {  	s8 =	simm.s32 $0xC180;
	s9 =	sadd.s32 s6, s9;
	[dreg:$0x4] =	wrdreg s10  }
0x12: {  	v0 =	vlaneseq.u32;
	vm0 =	vmmov $0xffff;
	s1 =	sadd.s32 $0x5EF0, s1;
	s6 =	simm.s32 $0xBD80;
	[dreg:$0x5] =	wrdreg s9  }
0x13: {  	vm1 =	vmmov $0xff;
	v2 =	vshrl.u32 v0, $0x3;
	v1 =	vand.u32 $0x7, v0;
	s9 =	sadd.s32 $0x61A8, s9;
	[dreg:$0x7] =	wrdreg s1;
	s1 =	simm.s32 $0xB580  }
0x14: {  	v3 =	vor.u32 $0x8, v0;
	v4 =	vmul.u32 $0x80, v0;
	v2 =	vmul.u32 $0x8, v2;
	s10 =	simm.s32 $0xD180;
	[dreg:$0x6] =	wrdreg s9;
	s9 =	simm.s32 $0xC980  }
.LBB2_19:
0x15: {  	s0 =	simm.s32 $0x3  }
0x16: {  	_ =	swait.ge [sflag:s0], $0x2000  }
0x17: {  	[sflag:s0] =	ssyncset.done $0x0  }
0x18: {  	s21 =	simm.s32 $0x4;
	[sflag:s0] =	ssyncadd.s32 $0xFFFFE000  }
0x19: {  	_ =	swait.ge [sflag:s21], $0x2000  }
0x1a: {  	s22 =	rddreg [dreg:$0xb]  }
0x1b: {  	s31 =	rddreg [dreg:$0xa];
	s22 =	sadd.s32 $0x1, s22  }
0x1c: {  	p1 =	sne.s32 s22, s31  }
.Ltmp1:
0x1d: {  	_ = 	snop;
	(pc) =	sbr.rel @!p1 .LBB2_20-.Ltmp1, $3  }
0x1e: {  	_ =	sdelay $0x1  }
0x1f: {  	[sflag:s21] =	ssyncset.done $0x0  }
0x20: {  	[sflag:s21] =	ssyncadd.s32 $0xFFFFE000  }
.LBB2_1:
0x21: {  	s0 =	simm.s32 @p0 $0x0;
	s21 =	rddreg [dreg:$0x7]  }
0x22: {  	[tilespmem:s0], [sflag:$0x5] =	stream.linear.gather @p0 [hbm4b:s21+s0], $0x15C0, $0x38;
	[tilespmem:$0x1E980] =	vst v63  }
0x23: {  	[dreg:$0xb] =	wrdreg s22;
	s21 =	simm.s32 @p0 $0x5  }
0x24: {  	_ =	swait.ge @p0 [sflag:s21], $0x15C0  }
0x25: {  	[sflag:s21] =	ssyncset.done @p0 $0x0  }
0x26: {  	s22 =	simm.s32 @p0 $0x1880;
	s23 =	rddreg [dreg:$0x8];
	[sflag:s21] =	ssyncadd.s32 @p0 $0xFFFFEA40  }
0x27: {  	[tilespmem:s22], [sflag:$0x5] =	stream.linear.gather @p0 [hbm4b:s23+s0], $0x15C0, $0x38;
	[tilespmem:$0x1E980] =	vst v63  }
0x28: {  	_ =	swait.ge @p0 [sflag:s21], $0x15C0  }
0x29: {  	[sflag:s21] =	ssyncset.done @p0 $0x0  }
0x2a: {  	s22 =	simm.s32 @p0 $0x3100;
	s23 =	rddreg [dreg:$0x9];
	[sflag:s21] =	ssyncadd.s32 @p0 $0xFFFFEA40  }
0x2b: {  	[tilespmem:s22], [sflag:$0x5] =	stream.linear.gather @p0 [hbm4b:s23+s0], $0x15C0, $0x38;
	[tilespmem:$0x1E980] =	vst v63  }
0x2c: {  	_ =	swait.ge @p0 [sflag:s21], $0x15C0  }
0x2d: {  	[sflag:s21] =	ssyncset.done @p0 $0x0  }
0x2e: {  	s0 =	simm.s32 @!p0 $0x0;
	[sflag:s21] =	ssyncadd.s32 @p0 $0xFFFFEA40;
	s21 =	rddreg [dreg:$0x4]  }
0x2f: {  	[tilespmem:s0], [sflag:$0x5] =	stream.linear.gather @!p0 [hbm4b:s21+s0], $0x1880, $0x38;
	[tilespmem:$0x1E980] =	vst v63  }
0x30: {  	s21 =	simm.s32 @!p0 $0x5  }
0x31: {  	_ =	swait.ge @!p0 [sflag:s21], $0x1880  }
0x32: {  	[sflag:s21] =	ssyncset.done @!p0 $0x0  }
0x33: {  	s22 =	simm.s32 @!p0 $0x1880;
	s23 =	rddreg [dreg:$0x5];
	[sflag:s21] =	ssyncadd.s32 @!p0 $0xFFFFE780  }
0x34: {  	[tilespmem:s22], [sflag:$0x5] =	stream.linear.gather @!p0 [hbm4b:s23+s0], $0x1880, $0x38;
	[tilespmem:$0x1E980] =	vst v63  }
0x35: {  	_ =	swait.ge @!p0 [sflag:s21], $0x1880  }
0x36: {  	[sflag:s21] =	ssyncset.done @!p0 $0x0  }
0x37: {  	s22 =	simm.s32 @!p0 $0x3100;
	s23 =	rddreg [dreg:$0x6];
	[sflag:s21] =	ssyncadd.s32 @!p0 $0xFFFFE780  }
0x38: {  	[tilespmem:s22], [sflag:$0x5] =	stream.linear.gather @!p0 [hbm4b:s23+s0], $0x1880, $0x38;
	[tilespmem:$0x1E980] =	vst v63  }
0x39: {  	_ =	swait.ge @!p0 [sflag:s21], $0x1880  }
0x3a: {  	[sflag:s21] =	ssyncset.done @!p0 $0x0  }
0x3b: {  	[sflag:s21] =	ssyncadd.s32 @!p0 $0xFFFFE780  }
0x3c: {  	v5 =	vld [tilespmem:$0x0];
	_ =	sdelay $0x4  }
0x3d: {  	v6 =	vshrl.u32 v5, $0x3  }
0x3e: {  	v6 =	vmul.u32 $0x28, v6  }
0x3f: {  	v5 =	vand.u32 $0x7, v5  }
0x40: {  	v5 =	vor.u32 v5, v6  }
0x41: {  	v6 =	vperm.xlane v5, v1;
	_ =	sdelay $0x1  }
0x42: {  	v6 =	vadd.s32 v2, v6;
	_ =	sdelay $0x3  }
0x43: {  	s25 =	simm.s32 $0x4980;
	v5 =	vperm.xlane v5, v3  }
0x44: {  	[tilespmem:s25], [sflag:$0x1] =	stream.indirect_vreg.gather [hbm4b:s3+s2], $0x80, v6, vm0, $0xb8;
	[tilespmem:$0x1E980] =	vst v63  }
0x45: {  	s26 =	simm.s32 $0x5180;
	v5 =	vadd.s32 v2, v5  }
0x46: {  	[tilespmem:s26], [sflag:$0x1] =	stream.indirect_vreg.gather [hbm4b:s12+s2], $0x80, v6, vm0, $0xb8;
	[tilespmem:$0x1E980] =	vst v63  }
0x47: {  	s28 =	simm.s32 $0x5980  }
0x48: {  	[tilespmem:s28], [sflag:$0x1] =	stream.indirect_vreg.gather [hbm4b:s13+s2], $0x80, v6, vm1, $0xb8;
	[tilespmem:$0x1E980] =	vst v63  }
0x49: {  	s29 =	simm.s32 $0x5D80  }
0x4a: {  	[tilespmem:s29], [sflag:$0x1] =	stream.indirect_vreg.gather [hbm4b:s3+s2], $0x80, v5, vm0, $0xb8;
	[tilespmem:$0x1E980] =	vst v63  }
0x4b: {  	s30 =	simm.s32 $0x6580  }
0x4c: {  	[tilespmem:s30], [sflag:$0x1] =	stream.indirect_vreg.gather [hbm4b:s12+s2], $0x80, v5, vm0, $0xb8;
	[tilespmem:$0x1E980] =	vst v63  }
0x4d: {  	s31 =	simm.s32 $0x6D80  }
0x4e: {  	[tilespmem:s31], [sflag:$0x1] =	stream.indirect_vreg.gather [hbm4b:s13+s2], $0x80, v5, vm1, $0xb8;
	[tilespmem:$0x1E980] =	vst v63  }
0x4f: {  	v5 =	vld [tilespmem:$0x10];
	_ =	sdelay $0x4  }
0x50: {  	v6 =	vshrl.u32 v5, $0x3  }
0x51: {  	v6 =	vmul.u32 $0x28, v6  }
0x52: {  	v5 =	vand.u32 $0x7, v5  }
0x53: {  	v5 =	vor.u32 v5, v6  }
0x54: {  	v6 =	vperm.xlane v5, v1;
	_ =	sdelay $0x1  }
0x55: {  	v6 =	vadd.s32 v2, v6;
	_ =	sdelay $0x3  }
0x56: {  	s21 =	simm.s32 $0x7180;
	v5 =	vperm.xlane v5, v3  }
0x57: {  	[tilespmem:s21], [sflag:$0x1] =	stream.indirect_vreg.gather [hbm4b:s3+s2], $0x80, v6, vm0, $0xb8;
	[tilespmem:$0x1E980] =	vst v63  }
0x58: {  	s22 =	simm.s32 $0x7980;
	v5 =	vadd.s32 v2, v5  }
0x59: {  	[tilespmem:s22], [sflag:$0x1] =	stream.indirect_vreg.gather [hbm4b:s12+s2], $0x80, v6, vm0, $0xb8;
	[tilespmem:$0x1E980] =	vst v63  }
0x5a: {  	s23 =	simm.s32 $0x8180  }
0x5b: {  	[tilespmem:s23], [sflag:$0x1] =	stream.indirect_vreg.gather [hbm4b:s13+s2], $0x80, v6, vm1, $0xb8;
	[tilespmem:$0x1E980] =	vst v63  }
0x5c: {  	s24 =	simm.s32 $0x8580  }
0x5d: {  	[tilespmem:s24], [sflag:$0x1] =	stream.indirect_vreg.gather [hbm4b:s3+s2], $0x80, v5, vm0, $0xb8;
	[tilespmem:$0x1E980] =	vst v63  }
0x5e: {  	s25 =	simm.s32 $0x8D80  }
0x5f: {  	[tilespmem:s25], [sflag:$0x1] =	stream.indirect_vreg.gather [hbm4b:s12+s2], $0x80, v5, vm0, $0xb8;
	[tilespmem:$0x1E980] =	vst v63  }
0x60: {  	s26 =	simm.s32 $0x9580  }
0x61: {  	[tilespmem:s26], [sflag:$0x1] =	stream.indirect_vreg.gather [hbm4b:s13+s2], $0x80, v5, vm1, $0xb8;
	[tilespmem:$0x1E980] =	vst v63  }
0x62: {  	v5 =	vld [tilespmem:$0x20];
	_ =	sdelay $0x4  }
0x63: {  	v6 =	vshrl.u32 v5, $0x3  }
0x64: {  	v6 =	vmul.u32 $0x28, v6  }
0x65: {  	v5 =	vand.u32 $0x7, v5  }
0x66: {  	v5 =	vor.u32 v5, v6  }
0x67: {  	v6 =	vperm.xlane v5, v1;
	_ =	sdelay $0x1  }
0x68: {  	v6 =	vadd.s32 v2, v6;
	_ =	sdelay $0x3  }
0x69: {  	s28 =	simm.s32 $0x9980;
	v5 =	vperm.xlane v5, v3  }
0x6a: {  	[tilespmem:s28], [sflag:$0x1] =	stream.indirect_vreg.gather [hbm4b:s3+s2], $0x80, v6, vm0, $0xb8;
	[tilespmem:$0x1E980] =	vst v63  }
0x6b: {  	s29 =	simm.s32 $0xA180;
	v5 =	vadd.s32 v2, v5  }
0x6c: {  	[tilespmem:s29], [sflag:$0x1] =	stream.indirect_vreg.gather [hbm4b:s12+s2], $0x80, v6, vm0, $0xb8;
	[tilespmem:$0x1E980] =	vst v63  }
0x6d: {  	s30 =	simm.s32 $0xA980  }
0x6e: {  	[tilespmem:s30], [sflag:$0x1] =	stream.indirect_vreg.gather [hbm4b:s13+s2], $0x80, v6, vm1, $0xb8;
	[tilespmem:$0x1E980] =	vst v63  }
0x6f: {  	s31 =	simm.s32 $0xAD80  }
0x70: {  	[tilespmem:s31], [sflag:$0x1] =	stream.indirect_vreg.gather [hbm4b:s3+s2], $0x80, v5, vm0, $0xb8;
	[tilespmem:$0x1E980] =	vst v63  }
0x71: {  	_ = 	snop  }
0x72: {  	[tilespmem:s1], [sflag:$0x1] =	stream.indirect_vreg.gather [hbm4b:s12+s2], $0x80, v5, vm0, $0xb8;
	[tilespmem:$0x1E980] =	vst v63  }
0x73: {  	_ = 	snop  }
0x74: {  	[tilespmem:s6], [sflag:$0x1] =	stream.indirect_vreg.gather [hbm4b:s13+s2], $0x80, v5, vm1, $0xb8;
	[tilespmem:$0x1E980] =	vst v63  }
0x75: {  	v5 =	vld [tilespmem:$0x30];
	_ =	sdelay $0x4  }
0x76: {  	v6 =	vshrl.u32 v5, $0x3  }
0x77: {  	v6 =	vmul.u32 $0x28, v6  }
0x78: {  	v5 =	vand.u32 $0x7, v5  }
0x79: {  	v5 =	vor.u32 v5, v6  }
0x7a: {  	v6 =	vperm.xlane v5, v1;
	_ =	sdelay $0x1  }
0x7b: {  	v6 =	vadd.s32 v2, v6;
	_ =	sdelay $0x3  }
0x7c: {  	v5 =	vperm.xlane v5, v3  }
0x7d: {  	[tilespmem:s8], [sflag:$0x1] =	stream.indirect_vreg.gather [hbm4b:s3+s2], $0x80, v6, vm0, $0xb8;
	[tilespmem:$0x1E980] =	vst v63  }
0x7e: {  	v5 =	vadd.s32 v2, v5  }
0x7f: {  	[tilespmem:s9], [sflag:$0x1] =	stream.indirect_vreg.gather [hbm4b:s12+s2], $0x80, v6, vm0, $0xb8;
	[tilespmem:$0x1E980] =	vst v63  }
0x80: {  	_ = 	snop  }
0x81: {  	[tilespmem:s10], [sflag:$0x1] =	stream.indirect_vreg.gather [hbm4b:s13+s2], $0x80, v6, vm1, $0xb8;
	[tilespmem:$0x1E980] =	vst v63  }
0x82: {  	_ = 	snop  }
0x83: {  	[tilespmem:s11], [sflag:$0x1] =	stream.indirect_vreg.gather [hbm4b:s3+s2], $0x80, v5, vm0, $0xb8;
	[tilespmem:$0x1E980] =	vst v63  }
.Ltmp2:
0x84: {  	_ = 	snop;
	(pc) =	sbr.rel .LBB2_2-.Ltmp2, $4  }
0x85: {  	_ = 	snop  }
0x86: {  	[tilespmem:s15], [sflag:$0x1] =	stream.indirect_vreg.gather [hbm4b:s12+s2], $0x80, v5, vm0, $0xb8;
	[tilespmem:$0x1E980] =	vst v63  }
0x87: {  	s21 =	simm.s32 $0x0  }
0x88: {  	[tilespmem:s7], [sflag:$0x1] =	stream.indirect_vreg.gather [hbm4b:s13+s2], $0x80, v5, vm1, $0xb8;
	[tilespmem:$0x1E980] =	vst v63  }
.LBB2_18:
0x89: {  	s21 =	sadd.s32 $0x1, s21  }
0x8a: {  	p1 =	sne.s32 s21, $0x31  }
.Ltmp3:
0x8b: {  	_ = 	snop;
	(pc) =	sbr.rel @!p1 .LBB2_19-.Ltmp3, $1  }
0x8c: {  	_ =	sdelay $0x3  }
.LBB2_2:
0x8d: {  	s22 =	sshllo.u32 s21, $0x1  }
0x8e: {  	p1 =	sge.u32 s22, s5  }
.Ltmp4:
0x8f: {  	_ = 	snop;
	(pc) =	sbr.rel @p1 .LBB2_4-.Ltmp4, $2  }
0x90: {  	_ =	sdelay $0x2  }
0x91: {  	s23 =	sshll.u32 s22, $0x6  }
0x92: {  	s0 =	sand.u32 $0x3FFFFFC0, s23  }
0x93: {  	v5 =	vld [tilespmem:s0+$0x0];
	_ =	sdelay $0x4  }
0x94: {  	v6 =	vshrl.u32 v5, $0x3  }
0x95: {  	v6 =	vmul.u32 $0x28, v6  }
0x96: {  	v5 =	vand.u32 $0x7, v5  }
0x97: {  	v5 =	vor.u32 v5, v6  }
0x98: {  	v6 =	vperm.xlane v5, v1;
	_ =	sdelay $0x1  }
0x99: {  	v6 =	vadd.s32 v2, v6;
	_ =	sdelay $0x3  }
0x9a: {  	s24 =	simm.s32 $0xE980;
	v5 =	vperm.xlane v5, v3  }
0x9b: {  	[tilespmem:s24], [sflag:$0x2] =	stream.indirect_vreg.gather [hbm4b:s3+s2], $0x80, v6, vm0, $0xb8;
	[tilespmem:$0x1E980] =	vst v63  }
0x9c: {  	s26 =	simm.s32 $0xF180;
	v5 =	vadd.s32 v2, v5  }
0x9d: {  	[tilespmem:s26], [sflag:$0x2] =	stream.indirect_vreg.gather [hbm4b:s12+s2], $0x80, v6, vm0, $0xb8;
	[tilespmem:$0x1E980] =	vst v63  }
0x9e: {  	s28 =	simm.s32 $0xF980  }
0x9f: {  	[tilespmem:s28], [sflag:$0x2] =	stream.indirect_vreg.gather [hbm4b:s13+s2], $0x80, v6, vm1, $0xb8;
	[tilespmem:$0x1E980] =	vst v63  }
0xa0: {  	s29 =	simm.s32 $0xFD80  }
0xa1: {  	[tilespmem:s29], [sflag:$0x2] =	stream.indirect_vreg.gather [hbm4b:s3+s2], $0x80, v5, vm0, $0xb8;
	[tilespmem:$0x1E980] =	vst v63  }
0xa2: {  	s30 =	simm.s32 $0x10580  }
0xa3: {  	[tilespmem:s30], [sflag:$0x2] =	stream.indirect_vreg.gather [hbm4b:s12+s2], $0x80, v5, vm0, $0xb8;
	[tilespmem:$0x1E980] =	vst v63  }
0xa4: {  	s31 =	simm.s32 $0x10D80  }
0xa5: {  	[tilespmem:s31], [sflag:$0x2] =	stream.indirect_vreg.gather [hbm4b:s13+s2], $0x80, v5, vm1, $0xb8;
	[tilespmem:$0x1E980] =	vst v63  }
0xa6: {  	v5 =	vld [tilespmem:s0+$0x10];
	_ =	sdelay $0x4  }
0xa7: {  	v6 =	vshrl.u32 v5, $0x3  }
0xa8: {  	v6 =	vmul.u32 $0x28, v6  }
0xa9: {  	v5 =	vand.u32 $0x7, v5  }
0xaa: {  	v5 =	vor.u32 v5, v6  }
0xab: {  	v6 =	vperm.xlane v5, v1;
	_ =	sdelay $0x1  }
0xac: {  	v6 =	vadd.s32 v2, v6;
	_ =	sdelay $0x3  }
0xad: {  	s25 =	simm.s32 $0x11180;
	v5 =	vperm.xlane v5, v3  }
0xae: {  	[tilespmem:s25], [sflag:$0x2] =	stream.indirect_vreg.gather [hbm4b:s3+s2], $0x80, v6, vm0, $0xb8;
	[tilespmem:$0x1E980] =	vst v63  }
0xaf: {  	s26 =	simm.s32 $0x11980;
	v5 =	vadd.s32 v2, v5  }
0xb0: {  	[tilespmem:s26], [sflag:$0x2] =	stream.indirect_vreg.gather [hbm4b:s12+s2], $0x80, v6, vm0, $0xb8;
	[tilespmem:$0x1E980] =	vst v63  }
0xb1: {  	s28 =	simm.s32 $0x12180  }
0xb2: {  	[tilespmem:s28], [sflag:$0x2] =	stream.indirect_vreg.gather [hbm4b:s13+s2], $0x80, v6, vm1, $0xb8;
	[tilespmem:$0x1E980] =	vst v63  }
0xb3: {  	s29 =	simm.s32 $0x12580  }
0xb4: {  	[tilespmem:s29], [sflag:$0x2] =	stream.indirect_vreg.gather [hbm4b:s3+s2], $0x80, v5, vm0, $0xb8;
	[tilespmem:$0x1E980] =	vst v63  }
0xb5: {  	s30 =	simm.s32 $0x12D80  }
0xb6: {  	[tilespmem:s30], [sflag:$0x2] =	stream.indirect_vreg.gather [hbm4b:s12+s2], $0x80, v5, vm0, $0xb8;
	[tilespmem:$0x1E980] =	vst v63  }
0xb7: {  	s31 =	simm.s32 $0x13580  }
0xb8: {  	[tilespmem:s31], [sflag:$0x2] =	stream.indirect_vreg.gather [hbm4b:s13+s2], $0x80, v5, vm1, $0xb8;
	[tilespmem:$0x1E980] =	vst v63  }
0xb9: {  	v5 =	vld [tilespmem:s0+$0x20];
	_ =	sdelay $0x4  }
0xba: {  	v6 =	vshrl.u32 v5, $0x3  }
0xbb: {  	v6 =	vmul.u32 $0x28, v6  }
0xbc: {  	v5 =	vand.u32 $0x7, v5  }
0xbd: {  	v5 =	vor.u32 v5, v6  }
0xbe: {  	v6 =	vperm.xlane v5, v1;
	_ =	sdelay $0x1  }
0xbf: {  	v6 =	vadd.s32 v2, v6;
	_ =	sdelay $0x3  }
0xc0: {  	s25 =	simm.s32 $0x13980;
	v5 =	vperm.xlane v5, v3  }
0xc1: {  	[tilespmem:s25], [sflag:$0x2] =	stream.indirect_vreg.gather [hbm4b:s3+s2], $0x80, v6, vm0, $0xb8;
	[tilespmem:$0x1E980] =	vst v63  }
0xc2: {  	s26 =	simm.s32 $0x14180;
	v5 =	vadd.s32 v2, v5  }
0xc3: {  	[tilespmem:s26], [sflag:$0x2] =	stream.indirect_vreg.gather [hbm4b:s12+s2], $0x80, v6, vm0, $0xb8;
	[tilespmem:$0x1E980] =	vst v63  }
0xc4: {  	s28 =	simm.s32 $0x14980  }
0xc5: {  	[tilespmem:s28], [sflag:$0x2] =	stream.indirect_vreg.gather [hbm4b:s13+s2], $0x80, v6, vm1, $0xb8;
	[tilespmem:$0x1E980] =	vst v63  }
0xc6: {  	s29 =	simm.s32 $0x14D80  }
0xc7: {  	[tilespmem:s29], [sflag:$0x2] =	stream.indirect_vreg.gather [hbm4b:s3+s2], $0x80, v5, vm0, $0xb8;
	[tilespmem:$0x1E980] =	vst v63  }
0xc8: {  	s30 =	simm.s32 $0x15580  }
0xc9: {  	[tilespmem:s30], [sflag:$0x2] =	stream.indirect_vreg.gather [hbm4b:s12+s2], $0x80, v5, vm0, $0xb8;
	[tilespmem:$0x1E980] =	vst v63  }
0xca: {  	s31 =	simm.s32 $0x15D80  }
0xcb: {  	[tilespmem:s31], [sflag:$0x2] =	stream.indirect_vreg.gather [hbm4b:s13+s2], $0x80, v5, vm1, $0xb8;
	[tilespmem:$0x1E980] =	vst v63  }
0xcc: {  	v5 =	vld [tilespmem:s0+$0x30];
	_ =	sdelay $0x4  }
0xcd: {  	v6 =	vshrl.u32 v5, $0x3  }
0xce: {  	v6 =	vmul.u32 $0x28, v6  }
0xcf: {  	v5 =	vand.u32 $0x7, v5  }
0xd0: {  	v5 =	vor.u32 v5, v6  }
0xd1: {  	v6 =	vperm.xlane v5, v1;
	_ =	sdelay $0x1  }
0xd2: {  	v6 =	vadd.s32 v2, v6;
	_ =	sdelay $0x3  }
0xd3: {  	s25 =	simm.s32 $0x16180;
	v5 =	vperm.xlane v5, v3  }
0xd4: {  	[tilespmem:s25], [sflag:$0x2] =	stream.indirect_vreg.gather [hbm4b:s3+s2], $0x80, v6, vm0, $0xb8;
	[tilespmem:$0x1E980] =	vst v63  }
0xd5: {  	s26 =	simm.s32 $0x16980;
	v5 =	vadd.s32 v2, v5  }
0xd6: {  	[tilespmem:s26], [sflag:$0x2] =	stream.indirect_vreg.gather [hbm4b:s12+s2], $0x80, v6, vm0, $0xb8;
	[tilespmem:$0x1E980] =	vst v63  }
0xd7: {  	s28 =	simm.s32 $0x17180  }
0xd8: {  	[tilespmem:s28], [sflag:$0x2] =	stream.indirect_vreg.gather [hbm4b:s13+s2], $0x80, v6, vm1, $0xb8;
	[tilespmem:$0x1E980] =	vst v63  }
0xd9: {  	s29 =	simm.s32 $0x17580  }
0xda: {  	[tilespmem:s29], [sflag:$0x2] =	stream.indirect_vreg.gather [hbm4b:s3+s2], $0x80, v5, vm0, $0xb8;
	[tilespmem:$0x1E980] =	vst v63  }
0xdb: {  	s30 =	simm.s32 $0x17D80  }
0xdc: {  	[tilespmem:s30], [sflag:$0x2] =	stream.indirect_vreg.gather [hbm4b:s12+s2], $0x80, v5, vm0, $0xb8;
	[tilespmem:$0x1E980] =	vst v63  }
0xdd: {  	s31 =	simm.s32 $0x18580  }
0xde: {  	[tilespmem:s31], [sflag:$0x2] =	stream.indirect_vreg.gather [hbm4b:s13+s2], $0x80, v5, vm1, $0xb8;
	[tilespmem:$0x1E980] =	vst v63  }
.LBB2_4:
0xdf: {  	s24 =	sshll.u32 s21, $0x1  }
0xe0: {  	p2 =	sge.u32 s24, s5  }
.Ltmp5:
0xe1: {  	_ = 	snop;
	(pc) =	sbr.rel @p2 .LBB2_10-.Ltmp5, $1  }
0xe2: {  	_ =	sdelay $0x3  }
0xe3: {  	s0 =	sshll.u32 s21, $0x7  }
0xe4: {  	s25 =	simm.s32 $0x0;
	v5 =	vor.u32 s0, v0  }
.LBB2_6:
0xe5: {  	v10 =	vor.u32 s25, v5;
	_ =	sdelay $0x4  }
0xe6: {  	v33 =	vld.idx.msk [tilespmem:v10+s16+$0x0], $0xffff;
	_ =	sdelay $0x4  }
0xe7: {  	v6 =	vmul.f32 $2.511886360e-01, v33  }
0xe8: {  	v11 =	vmul.f32 $6.309573350e-02, v33;
	v17 =	vmul.f32 $1.584893280e-02, v33  }
0xe9: {  	v21 =	vmul.f32 $3.981071520e-03, v33;
	v23 =	vmul.f32 $1.000000050e-03, v33  }
0xea: {  	v29 =	vmul.f32 $2.511886410e-04, v33;
	v34 =	vmul.f32 $6.309573660e-05, v33  }
0xeb: {  	v7 =	vmul.f32 v6, v6;
	v12 =	vmul.f32 v11, v11  }
0xec: {  	v18 =	vmul.f32 v17, v17;
	v22 =	vmul.f32 v21, v21  }
0xed: {  	v24 =	vmul.f32 v23, v23;
	v48 =	vmul.f32 v29, v29  }
0xee: {  	v53 =	vmul.f32 v34, v34;
	v8 =	vmul.f32 $1.984127010e-04, v7  }
0xef: {  	v9 =	vmul.f32 $1.388888920e-03, v7;
	v13 =	vmul.f32 v7, v6  }
0xf0: {  	v14 =	vmul.f32 $1.984127010e-04, v12;
	v15 =	vmul.f32 $1.388888920e-03, v12  }
0xf1: {  	v40 =	vmul.f32 v12, v11;
	v41 =	vmul.f32 $1.984127010e-04, v18  }
0xf2: {  	v19 =	vmul.f32 $1.388888920e-03, v18;
	v44 =	vmul.f32 v18, v17  }
0xf3: {  	v45 =	vmul.f32 $1.984127010e-04, v22;
	v20 =	vmul.f32 $1.388888920e-03, v22  }
0xf4: {  	v47 =	vmul.f32 v22, v21;
	v25 =	vmul.f32 $1.984127010e-04, v24  }
0xf5: {  	v26 =	vmul.f32 $1.388888920e-03, v24;
	v51 =	vmul.f32 v24, v23  }
0xf6: {  	v16 =	vmov s25;
	v28 =	vmul.f32 $1.984127010e-04, v48;
	v30 =	vmul.f32 $1.388888920e-03, v48  }
0xf7: {  	v31 =	vmul.f32 v48, v29;
	v8 =	vsub.f32 $8.333333770e-03, v8;
	v9 =	vsub.f32 $4.166666790e-02, v9  }
0xf8: {  	v32 =	vmul.f32 $1.984127010e-04, v53;
	v36 =	vsub.f32 $8.333333770e-03, v14;
	v37 =	vsub.f32 $4.166666790e-02, v15  }
0xf9: {  	v35 =	vmul.f32 $1.388888920e-03, v53;
	v14 =	vsub.f32 $8.333333770e-03, v41;
	v43 =	vsub.f32 $4.166666790e-02, v19  }
0xfa: {  	v56 =	vmul.f32 v53, v34;
	v19 =	vsub.f32 $8.333333770e-03, v45;
	v20 =	vsub.f32 $4.166666790e-02, v20  }
0xfb: {  	v25 =	vsub.f32 $8.333333770e-03, v25;
	v41 =	vmul.f32 $3.981071590e-06, v33;
	v8 =	vmul.f32 v8, v7  }
0xfc: {  	v26 =	vsub.f32 $4.166666790e-02, v26;
	v9 =	vmul.f32 v9, v7;
	v39 =	vmul.f32 v37, v12  }
0xfd: {  	v28 =	vsub.f32 $8.333333770e-03, v28;
	v14 =	vmul.f32 v14, v18;
	v15 =	vmul.f32 v43, v18  }
0xfe: {  	v52 =	vsub.f32 $4.166666790e-02, v30;
	v46 =	vmul.f32 v19, v22;
	v20 =	vmul.f32 v20, v22  }
0xff: {  	v32 =	vsub.f32 $8.333333770e-03, v32;
	v49 =	vmul.f32 v25, v24;
	v50 =	vmul.f32 v26, v24  }
0x100: {  	v35 =	vsub.f32 $4.166666790e-02, v35;
	v28 =	vmul.f32 v28, v48;
	v54 =	vmul.f32 v52, v48  }
0x101: {  	v37 =	vmul.f32 $1.584893110e-05, v33;
	v8 =	vadd.f32 $-1.666666720e-01, v8;
	v9 =	vadd.f32 $-5.000000000e-01, v9  }
0x102: {  	v55 =	vmul.f32 v32, v53;
	v14 =	vadd.f32 $-1.666666720e-01, v14;
	v15 =	vadd.f32 $-5.000000000e-01, v15  }
0x103: {  	v35 =	vmul.f32 v35, v53;
	v27 =	vadd.f32 $-5.000000000e-01, v20;
	v25 =	vadd.f32 $-5.000000000e-01, v50  }
0x104: {  	v28 =	vadd.f32 $-1.666666720e-01, v28;
	v8 =	vmul.f32 v8, v13;
	v7 =	vmul.f32 v9, v7  }
0x105: {  	v35 =	vadd.f32 $-5.000000000e-01, v35;
	v14 =	vmul.f32 v14, v44;
	v18 =	vmul.f32 v15, v18  }
0x106: {  	v38 =	vshll.u32 v16, $0x7;
	v22 =	vmul.f32 v27, v22;
	v25 =	vmul.f32 v25, v24  }
0x107: {  	v9 =	vadd.f32 $-5.000000000e-01, v39;
	v31 =	vmul.f32 v28, v31;
	v35 =	vmul.f32 v35, v53  }
0x108: {  	v44 =	vmul.f32 $9.999999970e-07, v33;
	v8 =	vadd.f32 v8, v6;
	v6 =	vmul.f32 v36, v12  }
0x109: {  	v7 =	vadd.f32 $1.000000000e+00, v7;
	v9 =	vmul.f32 v9, v12;
	v15 =	vadd.f32 v14, v17  }
0x10a: {  	v10 =	vld.idx.msk [tilespmem:v10+s17+$0x0], $0xffff;
	v17 =	vadd.f32 $-1.666666720e-01, v46;
	v27 =	vadd.f32 v31, v29;
	v36 =	vmul.f32 v37, v37  }
0x10b: {  	v29 =	vadd.f32 $-1.666666720e-01, v55;
	v63 =	vmul.f32 v44, v44;
	v42 =	vadd.f32 $-1.666666720e-01, v6  }
0x10c: {  	v6 =	vor.u32 v4, v38;
	v17 =	vmul.f32 v17, v47;
	v38 =	vmul.f32 $1.984127010e-04, v36  }
0x10d: {  	v14 =	vadd.f32 $1.000000000e+00, v18;
	v39 =	vmul.f32 $1.388888920e-03, v36;
	v29 =	vmul.f32 v29, v56  }
0x10e: {  	v9 =	vadd.f32 $1.000000000e+00, v9;
	v59 =	vmul.f32 v36, v37;
	v45 =	vmul.f32 $1.984127010e-04, v63  }
0x10f: {  	v46 =	vmul.f32 $1.388888920e-03, v63;
	v47 =	vmul.f32 $2.511886360e-01, v10;
	v12 =	vor.u32 $0x1, v6  }
0x110: {  	v16 =	vor.u32 $0x3, v6;
	v19 =	vor.u32 $0x4, v6;
	v20 =	vor.u32 $0x5, v6  }
0x111: {  	v24 =	vor.u32 $0x7, v6;
	v26 =	vor.u32 $0x8, v6;
	v28 =	vor.u32 $0x9, v6  }
0x112: {  	v32 =	vor.u32 $0xA, v6;
	v31 =	vor.u32 $0xB, v6;
	v18 =	vadd.f32 v17, v21  }
0x113: {  	v13 =	vmul.f32 v42, v40;
	v17 =	vadd.f32 $1.000000000e+00, v22;
	v21 =	vadd.f32 $-1.666666720e-01, v49  }
0x114: {  	v22 =	vor.u32 $0x6, v6;
	v38 =	vsub.f32 $8.333333770e-03, v38;
	v39 =	vsub.f32 $4.166666790e-02, v39  }
0x115: {  	v40 =	vmul.f32 v41, v41;
	v30 =	vadd.f32 v29, v34;
	v29 =	vadd.f32 $1.000000000e+00, v35  }
0x116: {  	v34 =	vor.u32 $0xC, v6;
	v55 =	vsub.f32 $4.166666790e-02, v46;
	v46 =	vmul.f32 v47, v47  }
0x117: {  	v49 =	vmul.f32 $6.309573350e-02, v10;
	v11 =	vadd.f32 v13, v11;
	v21 =	vmul.f32 v21, v51  }
0x118: {  	v13 =	vor.u32 $0x2, v6;
	v57 =	vmul.f32 v38, v36;
	v58 =	vmul.f32 v39, v36  }
0x119: {  	v60 =	vmul.f32 $1.984127010e-04, v40;
	v23 =	vadd.f32 v21, v23;
	v21 =	vadd.f32 $1.000000000e+00, v25  }
0x11a: {  	v43 =	vmul.f32 $1.388888920e-03, v40;
	v25 =	vadd.f32 $-5.000000000e-01, v54;
	v42 =	vadd.f32 $-1.666666720e-01, v57  }
0x11b: {  	v50 =	vmul.f32 $1.388888920e-03, v46;
	v38 =	vadd.f32 $-5.000000000e-01, v58;
	v39 =	vsub.f32 $8.333333770e-03, v60  }
0x11c: {  	v52 =	vmul.f32 v40, v41;
	v62 =	vsub.f32 $4.166666790e-02, v43;
	v54 =	vsub.f32 $8.333333770e-03, v45  }
0x11d: {  	[tilespmem:v6+s18+$0x0] =	vst.idx.msk $0xffff, v8;
	v57 =	vmul.f32 v55, v63;
	v58 =	vmul.f32 $1.984127010e-04, v46;
	v60 =	vsub.f32 $4.166666790e-02, v50  }
0x11e: {  	[tilespmem:v12+s18+$0x0] =	vst.idx.msk $0xffff, v7;
	v7 =	vor.u32 $0x16, v6;
	v25 =	vmul.f32 v25, v48;
	v61 =	vmul.f32 v42, v59  }
0x11f: {  	v12 =	vor.u32 $0x17, v6;
	v38 =	vmul.f32 v38, v36;
	v39 =	vmul.f32 v39, v40  }
0x120: {  	v36 =	vor.u32 $0xD, v6;
	v51 =	vmul.f32 v62, v40;
	v56 =	vmul.f32 v54, v63  }
0x121: {  	v48 =	vmul.f32 v63, v44;
	v42 =	vadd.f32 $-5.000000000e-01, v57;
	v45 =	vsub.f32 $8.333333770e-03, v58  }
0x122: {  	v54 =	vor.u32 $0x12, v6;
	v25 =	vadd.f32 $1.000000000e+00, v25;
	v35 =	vadd.f32 v61, v37  }
0x123: {  	[tilespmem:v13+s18+$0x0] =	vst.idx.msk $0xffff, v11;
	v33 =	vadd.f32 $1.000000000e+00, v38;
	v53 =	vadd.f32 $-1.666666720e-01, v39;
	v42 =	vmul.f32 v42, v63  }
0x124: {  	v37 =	vadd.f32 $-5.000000000e-01, v51;
	v59 =	vmul.f32 v45, v46;
	v61 =	vmul.f32 v46, v47;
	[tilespmem:v16+s18+$0x0] =	vst.idx.msk $0xffff, v9  }
0x125: {  	v39 =	vor.u32 $0xE, v6;
	v45 =	vmul.f32 v60, v46;
	[tilespmem:v19+s18+$0x0] =	vst.idx.msk $0xffff, v15;
	v15 =	vmul.f32 $2.511886410e-04, v10  }
0x126: {  	v51 =	vor.u32 $0x10, v6;
	v38 =	vmul.f32 v53, v52;
	v37 =	vmul.f32 v37, v40  }
0x127: {  	v40 =	vor.u32 $0xF, v6;
	v43 =	vadd.f32 $-1.666666720e-01, v59;
	v52 =	vmul.f32 $1.584893280e-02, v10  }
0x128: {  	v53 =	vor.u32 $0x11, v6;
	v42 =	vadd.f32 $1.000000000e+00, v42;
	v63 =	vadd.f32 $-5.000000000e-01, v45  }
0x129: {  	[tilespmem:v20+s18+$0x0] =	vst.idx.msk $0xffff, v14;
	v20 =	vmul.f32 $6.309573660e-05, v10;
	v38 =	vadd.f32 v38, v41;
	v41 =	vadd.f32 $-1.666666720e-01, v56  }
0x12a: {  	[tilespmem:v22+s18+$0x0] =	vst.idx.msk $0xffff, v18;
	v18 =	vor.u32 $0x18, v6;
	v22 =	vor.u32 $0x19, v6;
	v45 =	vmul.f32 v52, v52  }
0x12b: {  	v37 =	vadd.f32 $1.000000000e+00, v37;
	v43 =	vmul.f32 v43, v61;
	v41 =	vmul.f32 v41, v48  }
0x12c: {  	v56 =	vor.u32 $0x13, v6;
	[tilespmem:v24+s18+$0x0] =	vst.idx.msk $0xffff, v17;
	v48 =	vmul.f32 v49, v49;
	v60 =	vmul.f32 $1.984127010e-04, v45  }
0x12d: {  	[tilespmem:v26+s18+$0x0] =	vst.idx.msk $0xffff, v23;
	v43 =	vadd.f32 v43, v47;
	v47 =	vmul.f32 $3.981071520e-03, v10;
	v59 =	vmul.f32 v45, v52  }
0x12e: {  	[tilespmem:v28+s18+$0x0] =	vst.idx.msk $0xffff, v21;
	v21 =	vor.u32 $0x1A, v6;
	v41 =	vadd.f32 v41, v44;
	v62 =	vmul.f32 $1.984127010e-04, v48  }
0x12f: {  	[tilespmem:v32+s18+$0x0] =	vst.idx.msk $0xffff, v27;
	v55 =	vmul.f32 $1.388888920e-03, v48;
	v44 =	vmul.f32 v63, v46;
	v46 =	vsub.f32 $8.333333770e-03, v60  }
0x130: {  	v57 =	vmul.f32 v48, v49;
	v58 =	vmul.f32 v47, v47;
	[tilespmem:v31+s18+$0x0] =	vst.idx.msk $0xffff, v25;
	v25 =	vor.u32 $0x1B, v6  }
0x131: {  	v31 =	vmul.f32 $3.981071590e-06, v10;
	[tilespmem:v34+s18+$0x0] =	vst.idx.msk $0xffff, v30;
	v50 =	vsub.f32 $8.333333770e-03, v62;
	v46 =	vmul.f32 v46, v45  }
0x132: {  	v55 =	vsub.f32 $4.166666790e-02, v55;
	v60 =	vmul.f32 $1.984127010e-04, v58;
	v62 =	vmul.f32 $1.388888920e-03, v58;
	[tilespmem:v36+s18+$0x0] =	vst.idx.msk $0xffff, v29  }
0x133: {  	v44 =	vadd.f32 $1.000000000e+00, v44;
	v11 =	vmul.f32 v58, v47;
	[tilespmem:v39+s18+$0x0] =	vst.idx.msk $0xffff, v35;
	v50 =	vmul.f32 v50, v48  }
0x134: {  	v29 =	vor.u32 $0x1C, v6;
	v55 =	vmul.f32 v55, v48;
	v46 =	vadd.f32 $-1.666666720e-01, v46;
	[tilespmem:v40+s18+$0x0] =	vst.idx.msk $0xffff, v33  }
0x135: {  	v62 =	vsub.f32 $4.166666790e-02, v62;
	[tilespmem:v51+s18+$0x0] =	vst.idx.msk $0xffff, v38;
	v38 =	vor.u32 $0x20, v6;
	v50 =	vadd.f32 $-1.666666720e-01, v50  }
0x136: {  	v46 =	vmul.f32 v46, v59;
	v59 =	vsub.f32 $8.333333770e-03, v60;
	v60 =	vmul.f32 $1.000000050e-03, v10  }
0x137: {  	v51 =	vor.u32 $0x22, v6;
	v62 =	vmul.f32 v62, v58;
	[tilespmem:v53+s18+$0x0] =	vst.idx.msk $0xffff, v37;
	v50 =	vmul.f32 v50, v57  }
0x138: {  	[tilespmem:v54+s18+$0x0] =	vst.idx.msk $0xffff, v41;
	v57 =	vor.u32 $0x14, v6;
	v46 =	vadd.f32 v46, v52;
	v63 =	vmul.f32 v59, v58  }
0x139: {  	v59 =	vmul.f32 v60, v60;
	v52 =	vmul.f32 v15, v15;
	[tilespmem:v56+s18+$0x0] =	vst.idx.msk $0xffff, v42;
	v42 =	vor.u32 $0x21, v6  }
0x13a: {  	v49 =	vadd.f32 v50, v49;
	v50 =	vadd.f32 $-5.000000000e-01, v55;
	v55 =	vmul.f32 $1.388888920e-03, v45  }
0x13b: {  	v13 =	vadd.f32 $-1.666666720e-01, v63;
	v63 =	vmul.f32 $1.984127010e-04, v59;
	v32 =	vmul.f32 v52, v15  }
0x13c: {  	v48 =	vmul.f32 v50, v48;
	v50 =	vor.u32 $0x15, v6;
	v55 =	vsub.f32 $4.166666790e-02, v55  }
0x13d: {  	v11 =	vmul.f32 v13, v11;
	v63 =	vsub.f32 $8.333333770e-03, v63;
	[tilespmem:v57+s18+$0x0] =	vst.idx.msk $0xffff, v43;
	v57 =	vor.u32 $0x25, v6  }
0x13e: {  	v8 =	vadd.f32 $1.000000000e+00, v48;
	v61 =	vmul.f32 v55, v45;
	v48 =	vmul.f32 $1.388888920e-03, v59  }
0x13f: {  	v11 =	vadd.f32 v11, v47;
	v13 =	vmul.f32 v63, v59;
	v63 =	vmul.f32 v20, v20  }
0x140: {  	v55 =	vmul.f32 v59, v60;
	v61 =	vadd.f32 $-5.000000000e-01, v61;
	v16 =	vsub.f32 $4.166666790e-02, v48  }
0x141: {  	v13 =	vadd.f32 $-1.666666720e-01, v13;
	v34 =	vmul.f32 $1.984127010e-04, v63;
	v36 =	vmul.f32 $1.388888920e-03, v63  }
0x142: {  	v53 =	vmul.f32 v63, v20;
	v61 =	vmul.f32 v61, v45;
	v45 =	vadd.f32 $-5.000000000e-01, v62  }
0x143: {  	v16 =	vmul.f32 v16, v59;
	v13 =	vmul.f32 v13, v55;
	v39 =	vsub.f32 $8.333333770e-03, v34  }
0x144: {  	v62 =	vmul.f32 $1.388888920e-03, v52;
	v28 =	vsub.f32 $4.166666790e-02, v36;
	v9 =	vadd.f32 $1.000000000e+00, v61  }
0x145: {  	v14 =	vmul.f32 v45, v58;
	v58 =	vmul.f32 $1.984127010e-04, v52;
	v16 =	vadd.f32 $-5.000000000e-01, v16  }
0x146: {  	v13 =	vadd.f32 v13, v60;
	v45 =	vmul.f32 $1.584893110e-05, v10;
	v47 =	vmul.f32 v39, v63  }
0x147: {  	v23 =	vsub.f32 $4.166666790e-02, v62;
	v28 =	vmul.f32 v28, v63;
	v62 =	vmul.f32 v31, v31  }
0x148: {  	v60 =	vor.u32 $0x1E, v6;
	v10 =	vmul.f32 $9.999999970e-07, v10;
	v16 =	vmul.f32 v16, v59  }
0x149: {  	v61 =	vsub.f32 $8.333333770e-03, v58;
	v23 =	vmul.f32 v23, v52;
	v48 =	vmul.f32 v45, v45  }
0x14a: {  	v14 =	vadd.f32 $1.000000000e+00, v14;
	v36 =	vmul.f32 $1.984127010e-04, v62;
	v41 =	vmul.f32 v10, v10  }
0x14b: {  	[tilespmem:v50+s18+$0x0] =	vst.idx.msk $0xffff, v44;
	v28 =	vadd.f32 $-5.000000000e-01, v28;
	v44 =	vmul.f32 $1.388888920e-03, v62;
	v17 =	vmul.f32 v61, v52  }
0x14c: {  	v50 =	vmul.f32 v62, v31;
	v16 =	vadd.f32 $1.000000000e+00, v16;
	v55 =	vmul.f32 $1.984127010e-04, v48  }
0x14d: {  	[tilespmem:v7+s18+$0x0] =	vst.idx.msk $0xffff, v49;
	v23 =	vadd.f32 $-5.000000000e-01, v23;
	v58 =	vmul.f32 $1.388888920e-03, v48;
	v17 =	vadd.f32 $-1.666666720e-01, v17  }
0x14e: {  	[tilespmem:v12+s18+$0x0] =	vst.idx.msk $0xffff, v8;
	v24 =	vmul.f32 v28, v63;
	v63 =	vmul.f32 v48, v45;
	v59 =	vsub.f32 $8.333333770e-03, v55  }
0x14f: {  	[tilespmem:v18+s18+$0x0] =	vst.idx.msk $0xffff, v46;
	v46 =	vmul.f32 $1.984127010e-04, v41;
	v17 =	vmul.f32 v17, v32;
	v32 =	vsub.f32 $4.166666790e-02, v58  }
0x150: {  	v40 =	vsub.f32 $8.333333770e-03, v36;
	v49 =	vmul.f32 $1.388888920e-03, v41;
	v30 =	vmul.f32 v59, v48  }
0x151: {  	v19 =	vmul.f32 v23, v52;
	v37 =	vadd.f32 $1.000000000e+00, v24;
	v32 =	vmul.f32 v32, v48  }
0x152: {  	[tilespmem:v22+s18+$0x0] =	vst.idx.msk $0xffff, v9;
	v52 =	vor.u32 $0x1D, v6;
	v18 =	vsub.f32 $8.333333770e-03, v46;
	v7 =	vadd.f32 $-1.666666720e-01, v30  }
0x153: {  	[tilespmem:v21+s18+$0x0] =	vst.idx.msk $0xffff, v11;
	v61 =	vor.u32 $0x1F, v6;
	v22 =	vsub.f32 $4.166666790e-02, v49;
	v39 =	vadd.f32 $-5.000000000e-01, v32  }
0x154: {  	[tilespmem:v25+s18+$0x0] =	vst.idx.msk $0xffff, v14;
	v15 =	vadd.f32 v17, v15;
	v17 =	vadd.f32 $-1.666666720e-01, v47;
	v7 =	vmul.f32 v7, v63  }
0x155: {  	[tilespmem:v29+s18+$0x0] =	vst.idx.msk $0xffff, v13;
	v19 =	vadd.f32 $1.000000000e+00, v19;
	v43 =	vmul.f32 v39, v48;
	v48 =	vsub.f32 $4.166666790e-02, v44  }
0x156: {  	v17 =	vmul.f32 v17, v53;
	v7 =	vadd.f32 v7, v45;
	v45 =	vmul.f32 v40, v62  }
0x157: {  	v56 =	vmul.f32 v22, v41;
	[tilespmem:v52+s18+$0x0] =	vst.idx.msk $0xffff, v16;
	v52 =	vor.u32 $0x23, v6;
	v21 =	vmul.f32 v48, v62  }
0x158: {  	[tilespmem:v60+s18+$0x0] =	vst.idx.msk $0xffff, v15;
	v53 =	vmul.f32 v18, v41;
	v17 =	vadd.f32 v17, v20;
	v11 =	vadd.f32 $-1.666666720e-01, v45  }
0x159: {  	v55 =	vor.u32 $0x24, v6;
	v58 =	vmul.f32 v41, v10;
	[tilespmem:v61+s18+$0x0] =	vst.idx.msk $0xffff, v19;
	v54 =	vadd.f32 $-5.000000000e-01, v21  }
0x15a: {  	v60 =	vadd.f32 $-5.000000000e-01, v56;
	v15 =	vadd.f32 $-1.666666720e-01, v53;
	[tilespmem:v38+s18+$0x0] =	vst.idx.msk $0xffff, v17;
	v11 =	vmul.f32 v11, v50  }
0x15b: {  	v61 =	vor.u32 $0x26, v6;
	v47 =	vadd.f32 $1.000000000e+00, v43;
	[tilespmem:v42+s18+$0x0] =	vst.idx.msk $0xffff, v37;
	v59 =	vmul.f32 v54, v62  }
0x15c: {  	p2 =	sne.s32 s25, $0x30;
	v6 =	vor.u32 $0x27, v6;
	[tilespmem:v51+s18+$0x0] =	vst.idx.msk $0xffff, v7;
	v7 =	vadd.f32 v11, v31;
	v62 =	vmul.f32 v15, v58  }
.Ltmp6:
0x15d: {  	v9 =	vmul.f32 v60, v41;
	[tilespmem:v52+s18+$0x0] =	vst.idx.msk $0xffff, v47;
	v8 =	vadd.f32 $1.000000000e+00, v59;
	(pc) =	sbr.rel @p2 .LBB2_6-.Ltmp6, $4  }
0x15e: {  	[tilespmem:v55+s18+$0x0] =	vst.idx.msk $0xffff, v7;
	v7 =	vadd.f32 v62, v10  }
0x15f: {  	v63 =	vadd.f32 $1.000000000e+00, v9;
	[tilespmem:v57+s18+$0x0] =	vst.idx.msk $0xffff, v8  }
0x160: {  	[tilespmem:v61+s18+$0x0] =	vst.idx.msk $0xffff, v7  }
0x161: {  	s25 =	sadd.s32 $0x10, s25;
	[tilespmem:v6+s18+$0x0] =	vst.idx.msk $0xffff, v63  }
0x162: {  	_ =	swait.ge [sflag:s19], $0xA000  }
0x163: {  	p2 =	seq.s32 s21, $0x0;
	[sflag:s19] =	ssyncset.done $0x0  }
0x164: {  	s0 =	simm.s32 @!p2 $0x3;
	[sflag:s19] =	ssyncadd.s32 $0xFFFF6000  }
0x165: {  	s25 =	simm.s32 $0x0;
	_ =	swait.ge @!p2 [sflag:s0], $0x2000  }
0x166: {  	s25 =	smul.u32 $0x5000, s25;
	[sflag:s0] =	ssyncset.done @!p2 $0x0  }
0x167: {  	s26 =	simm.s32 $0x0;
	s28 =	simm.s32 $0x1C998;
	[sflag:s0] =	ssyncadd.s32 @!p2 $0xFFFFE000  }
0x168: {  	s25 =	sshra.s32 s25, $0x2;
	s0 =	sand.u32 $0x380, s26;
	v15 =	vld [tilespmem:s28+$0xFFFFFFE8]  }
0x169: {  	s25 =	sor.u32 s0, s25;
	v41 =	vld [tilespmem:s28+$0xFFFFFFF8]  }
0x16a: {  	v22 =	vld [tilespmem:s25+$0x5190]  }
0x16b: {  	v11 =	vld [tilespmem:s25+$0x5180]  }
0x16c: {  	v17 =	vld [tilespmem:s25+$0x51A0]  }
0x16d: {  	v20 =	vld [tilespmem:s25+$0x4DF0];
	v18 =	vbroadcast v15, $0x9;
	v19 =	vbroadcast v15, $0xD  }
0x16e: {  	v32 =	vld [tilespmem:s25+$0x51E0];
	v27 =	vbroadcast v15, $0x5;
	v24 =	vbroadcast v15, $0xB  }
0x16f: {  	v26 =	vld [tilespmem:s25+$0x4DD0];
	v25 =	vbroadcast v15, $0x3;
	v13 =	vbroadcast v41, $0x7  }
0x170: {  	v28 =	vld [tilespmem:s25+$0x4DC0];
	v12 =	vbroadcast v15, $0xE;
	v8 =	vbroadcast v41, $0xB  }
0x171: {  	v16 =	vld [tilespmem:s25+$0x4DE0];
	v29 =	vbroadcast v15, $0xA;
	v7 =	vbroadcast v41, $0x9  }
0x172: {  	v21 =	vld [tilespmem:s25+$0x4D90];
	v30 =	vbroadcast v15, $0x7;
	v5 =	vbroadcast v41, $0xE  }
0x173: {  	v23 =	vld [tilespmem:s25+$0x4D80];
	v35 =	vbroadcast v15, $0x2;
	v10 =	vbroadcast v41, $0x8  }
0x174: {  	v33 =	vld [tilespmem:s25+$0x4DB0];
	v31 =	vbroadcast v15, $0x8;
	v6 =	vbroadcast v41, $0xF  }
0x175: {  	v38 =	vld [tilespmem:s25+$0x4DA0];
	v37 =	vbroadcast v15, $0x1;
	v9 =	vbroadcast v41, $0xC  }
0x176: {  	v34 =	vld [tilespmem:s25+$0x49F0];
	v39 =	vbroadcast v15, $0x4;
	v14 =	vbroadcast v41, $0x4  }
0x177: {  	v42 =	vld [tilespmem:s25+$0x49D0];
	v40 =	vbroadcast v15, $0x0;
	v36 =	vbroadcast v41, $0x0  }
0x178: {  	v43 =	vld [tilespmem:s25+$0x49A0];
	v44 =	vbroadcast v41, $0x1;
	v49 =	vbroadcast v41, $0x6  }
0x179: {  	v45 =	vld [tilespmem:s25+$0x49C0];
	v62 =	vbroadcast v15, $0x6;
	v23 =	vmul.f32 v23, v31  }
0x17a: {  	v61 =	vld [tilespmem:s25+$0x49B0];
	v12 =	vmul.f32 v16, v12;
	v16 =	vmul.f32 v11, v36  }
0x17b: {  	v48 =	vld [tilespmem:s25+$0x4980];
	v21 =	vmul.f32 v21, v18;
	v11 =	vbroadcast v41, $0xD  }
0x17c: {  	v46 =	vld [tilespmem:s25+$0x49E0];
	v47 =	vmul.f32 v33, v24;
	v24 =	vbroadcast v15, $0xF  }
0x17d: {  	v50 =	vld [tilespmem:s25+$0x4990];
	v19 =	vmul.f32 v26, v19;
	v26 =	vbroadcast v41, $0x2  }
0x17e: {  	v18 =	vbroadcast v41, $0xA;
	v51 =	vmul.f32 v34, v30;
	v31 =	vld [tilespmem:s25+$0x51B0]  }
0x17f: {  	v33 =	vbroadcast v41, $0x5;
	v34 =	vld [tilespmem:s25+$0x51F0];
	v35 =	vmul.f32 v43, v35  }
0x180: {  	v25 =	vmul.f32 v61, v25;
	v36 =	vld [tilespmem:s25+$0x51D0];
	v40 =	vmul.f32 v48, v40  }
0x181: {  	v45 =	vmul.f32 v45, v39;
	v39 =	vmul.f32 v42, v27;
	v27 =	vld [tilespmem:s25+$0x55A0]  }
0x182: {  	v29 =	vmul.f32 v38, v29;
	v30 =	vmul.f32 v20, v24;
	v24 =	vld [tilespmem:s25+$0x51C0]  }
0x183: {  	v17 =	vmul.f32 v17, v26;
	v20 =	vbroadcast v15, $0xC;
	v26 =	vld [tilespmem:s25+$0x55B0]  }
0x184: {  	v38 =	vmul.f32 v50, v37;
	v42 =	vmul.f32 v46, v62;
	v63 =	vadd.f32 v51, v25;
	v15 =	vld [tilespmem:s28+$0x0]  }
0x185: {  	v41 =	vbroadcast v41, $0x3;
	v25 =	vld [tilespmem:s25+$0x5580];
	v40 =	vadd.f32 v45, v40;
	v28 =	vmul.f32 v28, v20  }
0x186: {  	s30 =	simm.s32 $0x18980;
	s31 =	simm.s32 $0x1;
	s29 =	simm.s32 $0x18980;
	v20 =	vmul.f32 v32, v49;
	v37 =	vadd.f32 v47, v63;
	v32 =	vmul.f32 v22, v44;
	v22 =	vld [tilespmem:s25+$0x5990]  }
.LBB2_8:
0x187: {  	v35 =	vadd.f32 v42, v35;
	v33 =	vmul.f32 v36, v33;
	v13 =	vmul.f32 v34, v13;
	v34 =	vld [tilespmem:s25+$0x55E0];
	s26 =	sadd.s32 $0x80, s26;
	s28 =	sadd.s32 $0x80, s28;
	s30 =	sadd.s32 $0x80, s30  }
0x188: {  	p2 =	sne.s32 s31, $0x3F;
	v36 =	vadd.f32 v39, v38;
	s0 =	smov.u32 s31;
	s31 =	sadd.s32 $0x1, s31;
	v23 =	vadd.f32 v23, v40;
	v31 =	vmul.f32 v31, v41;
	v38 =	vld [tilespmem:s25+$0x55F0]  }
0x189: {  	v30 =	vadd.f32 v30, v37;
	v37 =	vld [tilespmem:s25+$0x5590];
	v39 =	vbroadcast v15, $0x8;
	v40 =	vbroadcast v15, $0xF  }
0x18a: {  	v21 =	vadd.f32 v21, v36;
	v41 =	vbroadcast v15, $0x9;
	v42 =	vbroadcast v15, $0xE;
	v36 =	vld [tilespmem:s25+$0x55C0]  }
0x18b: {  	v43 =	vbroadcast v15, $0xB;
	v44 =	vbroadcast v15, $0xD;
	v30 =	vadd.f32 v31, v30;
	v31 =	vld [tilespmem:s25+$0x55D0]  }
0x18c: {  	v14 =	vmul.f32 v24, v14;
	v23 =	vadd.f32 v28, v23;
	v19 =	vadd.f32 v19, v21;
	v21 =	vld [tilespmem:s25+$0x59B0]  }
0x18d: {  	v8 =	vmul.f32 v26, v8;
	v24 =	vadd.f32 v29, v35;
	v13 =	vadd.f32 v13, v30;
	v26 =	vld [tilespmem:s25+$0x5980]  }
0x18e: {  	v10 =	vmul.f32 v25, v10;
	v16 =	vadd.f32 v16, v23;
	v19 =	vadd.f32 v32, v19  }
0x18f: {  	v18 =	vmul.f32 v27, v18;
	v12 =	vadd.f32 v12, v24;
	v8 =	vadd.f32 v8, v13  }
0x190: {  	v13 =	vadd.f32 v14, v16;
	v7 =	vmul.f32 v37, v7;
	v14 =	vadd.f32 v33, v19;
	v16 =	vld [tilespmem:s25+$0x59E0]  }
0x191: {  	v12 =	vadd.f32 v17, v12;
	v9 =	vmul.f32 v36, v9;
	v17 =	vld [tilespmem:s25+$0x59A0];
	v19 =	vmul.f32 v21, v43  }
0x192: {  	v11 =	vmul.f32 v31, v11;
	v7 =	vadd.f32 v7, v14;
	v14 =	vmul.f32 v26, v39;
	v21 =	vld [tilespmem:s25+$0x59F0]  }
0x193: {  	v12 =	vadd.f32 v20, v12;
	v10 =	vadd.f32 v10, v13;
	v13 =	vbroadcast v15, $0xA;
	v20 =	vld [tilespmem:s25+$0x59D0]  }
0x194: {  	v6 =	vmul.f32 v38, v6;
	v7 =	vadd.f32 v11, v7;
	v11 =	vmul.f32 v22, v41;
	v22 =	vld [tilespmem:s25+$0x59C0]  }
0x195: {  	v5 =	vmul.f32 v34, v5;
	v12 =	vadd.f32 v18, v12;
	v9 =	vadd.f32 v9, v10  }
0x196: {  	v6 =	vadd.f32 v6, v8;
	v7 =	vadd.f32 v11, v7;
	v8 =	vmul.f32 v17, v13  }
0x197: {  	v10 =	vbroadcast v15, $0xC;
	v5 =	vadd.f32 v5, v12;
	v11 =	vmul.f32 v21, v40  }
0x198: {  	v6 =	vadd.f32 v19, v6;
	v13 =	vmul.f32 v16, v42;
	v12 =	vmul.f32 v20, v44  }
0x199: {  	v9 =	vadd.f32 v14, v9;
	v5 =	vadd.f32 v8, v5;
	v8 =	vmul.f32 v22, v10  }
0x19a: {  	v6 =	vadd.f32 v11, v6;
	v7 =	vadd.f32 v12, v7  }
0x19b: {  	v5 =	vadd.f32 v13, v5;
	v8 =	vadd.f32 v8, v9;
	_ =	sdelay $0x1  }
0x19c: {  	v5 =	vadd.f32 v6, v5;
	v7 =	vadd.f32 v7, v8;
	_ =	sdelay $0x1  }
0x19d: {  	s0 =	sshrl.u32 s0, $0x3;
	v5 =	vadd.f32 v5, v7  }
0x19e: {  	s0 =	smul.u32 $0x5000, s0  }
0x19f: {  	v5 =	vmax.f32 v5, $0.0e+00  }
0x1a0: {  	s0 =	sshra.s32 s0, $0x2;
	s25 =	sand.u32 $0x380, s26;
	[tilespmem:s29+$0x0] =	vst v5;
	s29 =	smov.u32 s30  }
0x1a1: {  	s25 =	sor.u32 s25, s0;
	v15 =	vld [tilespmem:s28+$0xFFFFFFE8]  }
0x1a2: {  	v22 =	vld [tilespmem:s25+$0x5190]  }
0x1a3: {  	v41 =	vld [tilespmem:s28+$0xFFFFFFF8]  }
0x1a4: {  	v11 =	vld [tilespmem:s25+$0x5180]  }
0x1a5: {  	v17 =	vld [tilespmem:s25+$0x51A0]  }
0x1a6: {  	v18 =	vbroadcast v15, $0x9;
	v19 =	vbroadcast v15, $0xD;
	v20 =	vld [tilespmem:s25+$0x4DF0]  }
0x1a7: {  	v27 =	vbroadcast v15, $0x5;
	v24 =	vbroadcast v15, $0xB;
	v32 =	vld [tilespmem:s25+$0x51E0]  }
0x1a8: {  	v25 =	vbroadcast v15, $0x3;
	v26 =	vld [tilespmem:s25+$0x4DD0];
	v13 =	vbroadcast v41, $0x7  }
0x1a9: {  	v12 =	vbroadcast v15, $0xE;
	v8 =	vbroadcast v41, $0xB;
	v28 =	vld [tilespmem:s25+$0x4DC0]  }
0x1aa: {  	v29 =	vbroadcast v15, $0xA;
	v7 =	vbroadcast v41, $0x9;
	v16 =	vld [tilespmem:s25+$0x4DE0]  }
0x1ab: {  	v30 =	vbroadcast v15, $0x7;
	v5 =	vbroadcast v41, $0xE;
	v21 =	vld [tilespmem:s25+$0x4D90]  }
0x1ac: {  	v35 =	vbroadcast v15, $0x2;
	v10 =	vbroadcast v41, $0x8;
	v23 =	vld [tilespmem:s25+$0x4D80]  }
0x1ad: {  	v31 =	vbroadcast v15, $0x8;
	v6 =	vbroadcast v41, $0xF;
	v33 =	vld [tilespmem:s25+$0x4DB0]  }
0x1ae: {  	v37 =	vbroadcast v15, $0x1;
	v9 =	vbroadcast v41, $0xC;
	v38 =	vld [tilespmem:s25+$0x4DA0]  }
0x1af: {  	v39 =	vbroadcast v15, $0x4;
	v14 =	vbroadcast v41, $0x4;
	v34 =	vld [tilespmem:s25+$0x49F0]  }
0x1b0: {  	v40 =	vbroadcast v15, $0x0;
	v36 =	vbroadcast v41, $0x0;
	v42 =	vld [tilespmem:s25+$0x49D0]  }
0x1b1: {  	v44 =	vbroadcast v41, $0x1;
	v43 =	vld [tilespmem:s25+$0x49A0];
	v23 =	vmul.f32 v23, v31  }
0x1b2: {  	v12 =	vmul.f32 v16, v12;
	v16 =	vmul.f32 v11, v36;
	v45 =	vld [tilespmem:s25+$0x49C0]  }
0x1b3: {  	v11 =	vbroadcast v41, $0xD;
	v21 =	vmul.f32 v21, v18;
	v46 =	vld [tilespmem:s25+$0x49E0]  }
0x1b4: {  	v47 =	vmul.f32 v33, v24;
	v24 =	vbroadcast v15, $0xF;
	v36 =	vld [tilespmem:s25+$0x49B0]  }
0x1b5: {  	v49 =	vbroadcast v41, $0x6;
	v19 =	vmul.f32 v26, v19;
	v48 =	vld [tilespmem:s25+$0x4980]  }
0x1b6: {  	v26 =	vbroadcast v41, $0x2;
	v18 =	vbroadcast v41, $0xA;
	v50 =	vld [tilespmem:s25+$0x4990]  }
0x1b7: {  	v33 =	vbroadcast v41, $0x5;
	v51 =	vmul.f32 v34, v30;
	v31 =	vld [tilespmem:s25+$0x51B0]  }
0x1b8: {  	v17 =	vmul.f32 v17, v26;
	v30 =	vmul.f32 v20, v24;
	v34 =	vld [tilespmem:s25+$0x51F0]  }
0x1b9: {  	v20 =	vbroadcast v15, $0xC;
	v35 =	vmul.f32 v43, v35;
	v24 =	vld [tilespmem:s25+$0x51C0]  }
0x1ba: {  	v43 =	vbroadcast v15, $0x6;
	v25 =	vmul.f32 v36, v25;
	v36 =	vld [tilespmem:s25+$0x51D0]  }
.Ltmp7:
0x1bb: {  	v28 =	vmul.f32 v28, v20;
	v40 =	vmul.f32 v48, v40;
	v26 =	vld [tilespmem:s25+$0x55B0];
	(pc) =	sbr.rel @p2 .LBB2_8-.Ltmp7, $4  }
0x1bc: {  	v29 =	vmul.f32 v38, v29;
	v45 =	vmul.f32 v45, v39;
	v48 =	vadd.f32 v51, v25;
	v25 =	vld [tilespmem:s25+$0x5580]  }
0x1bd: {  	v20 =	vmul.f32 v32, v49;
	v38 =	vmul.f32 v50, v37;
	v15 =	vld [tilespmem:s28+$0x0]  }
0x1be: {  	v39 =	vmul.f32 v42, v27;
	v42 =	vmul.f32 v46, v43;
	v37 =	vadd.f32 v47, v48;
	v27 =	vld [tilespmem:s25+$0x55A0]  }
0x1bf: {  	v41 =	vbroadcast v41, $0x3;
	v32 =	vmul.f32 v22, v44;
	v40 =	vadd.f32 v45, v40;
	v22 =	vld [tilespmem:s25+$0x5990]  }
0x1c0: {  	v35 =	vadd.f32 v42, v35;
	v33 =	vmul.f32 v36, v33;
	v13 =	vmul.f32 v34, v13  }
0x1c1: {  	v55 =	vadd.f32 v39, v38;
	v56 =	vld [tilespmem:s25+$0x5590];
	v14 =	vmul.f32 v24, v14;
	v8 =	vmul.f32 v26, v8  }
0x1c2: {  	v30 =	vadd.f32 v30, v37;
	v58 =	vld [tilespmem:s25+$0x55C0];
	v31 =	vmul.f32 v31, v41;
	v10 =	vmul.f32 v25, v10  }
0x1c3: {  	v60 =	vld [tilespmem:s25+$0x55D0];
	v23 =	vadd.f32 v23, v40;
	v57 =	vbroadcast v15, $0x8;
	v38 =	vbroadcast v15, $0xF  }
0x1c4: {  	v63 =	vld [tilespmem:s25+$0x59B0];
	v21 =	vadd.f32 v21, v55;
	v59 =	vbroadcast v15, $0x9;
	v40 =	vbroadcast v15, $0xE  }
0x1c5: {  	v44 =	vld [tilespmem:s25+$0x5980];
	v61 =	vbroadcast v15, $0xB;
	v62 =	vbroadcast v15, $0xD;
	v43 =	vadd.f32 v29, v35  }
0x1c6: {  	v46 =	vld [tilespmem:s25+$0x55F0];
	v54 =	vbroadcast v15, $0xA;
	v30 =	vadd.f32 v31, v30;
	v23 =	vadd.f32 v28, v23  }
0x1c7: {  	v45 =	vld [tilespmem:s25+$0x55E0];
	v18 =	vmul.f32 v27, v18;
	v19 =	vadd.f32 v19, v21;
	v12 =	vadd.f32 v12, v43  }
0x1c8: {  	v50 =	vld [tilespmem:s25+$0x59A0];
	v13 =	vadd.f32 v13, v30;
	v7 =	vmul.f32 v56, v7;
	v9 =	vmul.f32 v58, v9  }
0x1c9: {  	v16 =	vadd.f32 v16, v23;
	v51 =	vmul.f32 v63, v61;
	v11 =	vmul.f32 v60, v11  }
0x1ca: {  	v53 =	vld [tilespmem:s25+$0x59F0];
	v52 =	vmul.f32 v44, v57;
	v19 =	vadd.f32 v32, v19;
	v12 =	vadd.f32 v17, v12  }
0x1cb: {  	v55 =	vld [tilespmem:s25+$0x59D0];
	v6 =	vmul.f32 v46, v6;
	v56 =	vmul.f32 v22, v59;
	v47 =	vadd.f32 v14, v16  }
0x1cc: {  	v57 =	vld [tilespmem:s25+$0x59C0];
	v5 =	vmul.f32 v45, v5;
	v48 =	vadd.f32 v33, v19;
	v12 =	vadd.f32 v20, v12  }
0x1cd: {  	v49 =	vld [tilespmem:s25+$0x59E0];
	v58 =	vmul.f32 v50, v54;
	v8 =	vadd.f32 v8, v13;
	v10 =	vadd.f32 v10, v47  }
0x1ce: {  	v59 =	vbroadcast v15, $0xC;
	v7 =	vadd.f32 v7, v48;
	v12 =	vadd.f32 v18, v12  }
0x1cf: {  	v60 =	vmul.f32 v53, v38;
	v6 =	vadd.f32 v6, v8;
	v9 =	vadd.f32 v9, v10  }
0x1d0: {  	v61 =	vmul.f32 v55, v62;
	v7 =	vadd.f32 v11, v7;
	v5 =	vadd.f32 v5, v12  }
0x1d1: {  	v63 =	vmul.f32 v57, v59;
	v6 =	vadd.f32 v51, v6;
	v9 =	vadd.f32 v52, v9  }
0x1d2: {  	v62 =	vmul.f32 v49, v40;
	v7 =	vadd.f32 v56, v7;
	v5 =	vadd.f32 v58, v5  }
0x1d3: {  	v6 =	vadd.f32 v60, v6;
	v8 =	vadd.f32 v63, v9  }
0x1d4: {  	v7 =	vadd.f32 v61, v7;
	v5 =	vadd.f32 v62, v5;
	_ =	sdelay $0x1  }
0x1d5: {  	v7 =	vadd.f32 v7, v8;
	v5 =	vadd.f32 v6, v5;
	_ =	sdelay $0x1  }
0x1d6: {  	s0 =	sshll.u32 s21, $0xE;
	v5 =	vadd.f32 v5, v7  }
0x1d7: {  	s0 =	sadd.s32 s14, s0  }
0x1d8: {  	s0 =	sshrl.u32 s0, $0x3;
	v5 =	vmax.f32 v5, $0.0e+00  }
0x1d9: {  	s31 =	simm.s32 $0x18980;
	s0 =	sadd.s32 s4, s0;
	[tilespmem:s29+$0x0] =	vst v5  }
0x1da: {  	[hbm4b:s0+s2] =	stream.linear.scatter [tilespmem:s31], [sflag:$0x3], $0x2000, $0x38;
	[tilespmem:$0x1E980] =	vst v63  }
.LBB2_10:
0x1db: {  	s0 =	sadd.s32 $0x2, s24  }
0x1dc: {  	p2 =	sge.u32 s0, s5  }
.Ltmp8:
0x1dd: {  	_ = 	snop;
	(pc) =	sbr.rel @p2 .LBB2_12-.Ltmp8, $1  }
0x1de: {  	_ =	sdelay $0x3  }
0x1df: {  	s0 =	sshll.u32 s0, $0x6  }
0x1e0: {  	s0 =	sand.u32 $0x3FFFFFC0, s0  }
0x1e1: {  	v5 =	vld [tilespmem:s0+$0x0];
	_ =	sdelay $0x4  }
0x1e2: {  	v6 =	vshrl.u32 v5, $0x3  }
0x1e3: {  	v6 =	vmul.u32 $0x28, v6  }
0x1e4: {  	v5 =	vand.u32 $0x7, v5  }
0x1e5: {  	v5 =	vor.u32 v5, v6  }
0x1e6: {  	v6 =	vperm.xlane v5, v1;
	_ =	sdelay $0x1  }
0x1e7: {  	v6 =	vadd.s32 v2, v6;
	_ =	sdelay $0x3  }
0x1e8: {  	s24 =	simm.s32 $0x4980;
	v5 =	vperm.xlane v5, v3  }
0x1e9: {  	[tilespmem:s24], [sflag:$0x1] =	stream.indirect_vreg.gather [hbm4b:s3+s2], $0x80, v6, vm0, $0xb8;
	[tilespmem:$0x1E980] =	vst v63  }
0x1ea: {  	s29 =	simm.s32 $0x5180;
	v5 =	vadd.s32 v2, v5  }
0x1eb: {  	[tilespmem:s29], [sflag:$0x1] =	stream.indirect_vreg.gather [hbm4b:s12+s2], $0x80, v6, vm0, $0xb8;
	[tilespmem:$0x1E980] =	vst v63  }
0x1ec: {  	s30 =	simm.s32 $0x5980  }
0x1ed: {  	[tilespmem:s30], [sflag:$0x1] =	stream.indirect_vreg.gather [hbm4b:s13+s2], $0x80, v6, vm1, $0xb8;
	[tilespmem:$0x1E980] =	vst v63  }
0x1ee: {  	s31 =	simm.s32 $0x5D80  }
0x1ef: {  	[tilespmem:s31], [sflag:$0x1] =	stream.indirect_vreg.gather [hbm4b:s3+s2], $0x80, v5, vm0, $0xb8;
	[tilespmem:$0x1E980] =	vst v63  }
0x1f0: {  	s25 =	simm.s32 $0x6580  }
0x1f1: {  	[tilespmem:s25], [sflag:$0x1] =	stream.indirect_vreg.gather [hbm4b:s12+s2], $0x80, v5, vm0, $0xb8;
	[tilespmem:$0x1E980] =	vst v63  }
0x1f2: {  	s26 =	simm.s32 $0x6D80  }
0x1f3: {  	[tilespmem:s26], [sflag:$0x1] =	stream.indirect_vreg.gather [hbm4b:s13+s2], $0x80, v5, vm1, $0xb8;
	[tilespmem:$0x1E980] =	vst v63  }
0x1f4: {  	v5 =	vld [tilespmem:s0+$0x10];
	_ =	sdelay $0x4  }
0x1f5: {  	v6 =	vshrl.u32 v5, $0x3  }
0x1f6: {  	v6 =	vmul.u32 $0x28, v6  }
0x1f7: {  	v5 =	vand.u32 $0x7, v5  }
0x1f8: {  	v5 =	vor.u32 v5, v6  }
0x1f9: {  	v6 =	vperm.xlane v5, v1;
	_ =	sdelay $0x1  }
0x1fa: {  	v6 =	vadd.s32 v2, v6;
	_ =	sdelay $0x3  }
0x1fb: {  	s28 =	simm.s32 $0x7180;
	v5 =	vperm.xlane v5, v3  }
0x1fc: {  	[tilespmem:s28], [sflag:$0x1] =	stream.indirect_vreg.gather [hbm4b:s3+s2], $0x80, v6, vm0, $0xb8;
	[tilespmem:$0x1E980] =	vst v63  }
0x1fd: {  	s29 =	simm.s32 $0x7980;
	v5 =	vadd.s32 v2, v5  }
0x1fe: {  	[tilespmem:s29], [sflag:$0x1] =	stream.indirect_vreg.gather [hbm4b:s12+s2], $0x80, v6, vm0, $0xb8;
	[tilespmem:$0x1E980] =	vst v63  }
0x1ff: {  	s30 =	simm.s32 $0x8180  }
0x200: {  	[tilespmem:s30], [sflag:$0x1] =	stream.indirect_vreg.gather [hbm4b:s13+s2], $0x80, v6, vm1, $0xb8;
	[tilespmem:$0x1E980] =	vst v63  }
0x201: {  	s31 =	simm.s32 $0x8580  }
0x202: {  	[tilespmem:s31], [sflag:$0x1] =	stream.indirect_vreg.gather [hbm4b:s3+s2], $0x80, v5, vm0, $0xb8;
	[tilespmem:$0x1E980] =	vst v63  }
0x203: {  	s25 =	simm.s32 $0x8D80  }
0x204: {  	[tilespmem:s25], [sflag:$0x1] =	stream.indirect_vreg.gather [hbm4b:s12+s2], $0x80, v5, vm0, $0xb8;
	[tilespmem:$0x1E980] =	vst v63  }
0x205: {  	s26 =	simm.s32 $0x9580  }
0x206: {  	[tilespmem:s26], [sflag:$0x1] =	stream.indirect_vreg.gather [hbm4b:s13+s2], $0x80, v5, vm1, $0xb8;
	[tilespmem:$0x1E980] =	vst v63  }
0x207: {  	v5 =	vld [tilespmem:s0+$0x20];
	_ =	sdelay $0x4  }
0x208: {  	v6 =	vshrl.u32 v5, $0x3  }
0x209: {  	v6 =	vmul.u32 $0x28, v6  }
0x20a: {  	v5 =	vand.u32 $0x7, v5  }
0x20b: {  	v5 =	vor.u32 v5, v6  }
0x20c: {  	v6 =	vperm.xlane v5, v1;
	_ =	sdelay $0x1  }
0x20d: {  	v6 =	vadd.s32 v2, v6;
	_ =	sdelay $0x3  }
0x20e: {  	s28 =	simm.s32 $0x9980;
	v5 =	vperm.xlane v5, v3  }
0x20f: {  	[tilespmem:s28], [sflag:$0x1] =	stream.indirect_vreg.gather [hbm4b:s3+s2], $0x80, v6, vm0, $0xb8;
	[tilespmem:$0x1E980] =	vst v63  }
0x210: {  	s29 =	simm.s32 $0xA180;
	v5 =	vadd.s32 v2, v5  }
0x211: {  	[tilespmem:s29], [sflag:$0x1] =	stream.indirect_vreg.gather [hbm4b:s12+s2], $0x80, v6, vm0, $0xb8;
	[tilespmem:$0x1E980] =	vst v63  }
0x212: {  	s30 =	simm.s32 $0xA980  }
0x213: {  	[tilespmem:s30], [sflag:$0x1] =	stream.indirect_vreg.gather [hbm4b:s13+s2], $0x80, v6, vm1, $0xb8;
	[tilespmem:$0x1E980] =	vst v63  }
0x214: {  	s31 =	simm.s32 $0xAD80  }
0x215: {  	[tilespmem:s31], [sflag:$0x1] =	stream.indirect_vreg.gather [hbm4b:s3+s2], $0x80, v5, vm0, $0xb8;
	[tilespmem:$0x1E980] =	vst v63  }
0x216: {  	_ = 	snop  }
0x217: {  	[tilespmem:s1], [sflag:$0x1] =	stream.indirect_vreg.gather [hbm4b:s12+s2], $0x80, v5, vm0, $0xb8;
	[tilespmem:$0x1E980] =	vst v63  }
0x218: {  	_ = 	snop  }
0x219: {  	[tilespmem:s6], [sflag:$0x1] =	stream.indirect_vreg.gather [hbm4b:s13+s2], $0x80, v5, vm1, $0xb8;
	[tilespmem:$0x1E980] =	vst v63  }
0x21a: {  	v5 =	vld [tilespmem:s0+$0x30];
	_ =	sdelay $0x4  }
0x21b: {  	v6 =	vshrl.u32 v5, $0x3  }
0x21c: {  	v6 =	vmul.u32 $0x28, v6  }
0x21d: {  	v5 =	vand.u32 $0x7, v5  }
0x21e: {  	v5 =	vor.u32 v5, v6  }
0x21f: {  	v6 =	vperm.xlane v5, v1;
	_ =	sdelay $0x1  }
0x220: {  	v6 =	vadd.s32 v2, v6;
	_ =	sdelay $0x3  }
0x221: {  	v5 =	vperm.xlane v5, v3  }
0x222: {  	[tilespmem:s8], [sflag:$0x1] =	stream.indirect_vreg.gather [hbm4b:s3+s2], $0x80, v6, vm0, $0xb8;
	[tilespmem:$0x1E980] =	vst v63  }
0x223: {  	v5 =	vadd.s32 v2, v5  }
0x224: {  	[tilespmem:s9], [sflag:$0x1] =	stream.indirect_vreg.gather [hbm4b:s12+s2], $0x80, v6, vm0, $0xb8;
	[tilespmem:$0x1E980] =	vst v63  }
0x225: {  	_ = 	snop  }
0x226: {  	[tilespmem:s10], [sflag:$0x1] =	stream.indirect_vreg.gather [hbm4b:s13+s2], $0x80, v6, vm1, $0xb8;
	[tilespmem:$0x1E980] =	vst v63  }
0x227: {  	_ = 	snop  }
0x228: {  	[tilespmem:s11], [sflag:$0x1] =	stream.indirect_vreg.gather [hbm4b:s3+s2], $0x80, v5, vm0, $0xb8;
	[tilespmem:$0x1E980] =	vst v63  }
0x229: {  	_ = 	snop  }
0x22a: {  	[tilespmem:s15], [sflag:$0x1] =	stream.indirect_vreg.gather [hbm4b:s12+s2], $0x80, v5, vm0, $0xb8;
	[tilespmem:$0x1E980] =	vst v63  }
0x22b: {  	_ = 	snop  }
0x22c: {  	[tilespmem:s7], [sflag:$0x1] =	stream.indirect_vreg.gather [hbm4b:s13+s2], $0x80, v5, vm1, $0xb8;
	[tilespmem:$0x1E980] =	vst v63  }
.LBB2_12:
.Ltmp9:
0x22d: {  	(pc) =	sbr.rel @p1 .LBB2_18-.Ltmp9, $1  }
0x22e: {  	_ =	sdelay $0x3  }
0x22f: {  	v5 =	vor.u32 s23, v0;
	s23 =	simm.s32 $0x0  }
.LBB2_14:
0x230: {  	v10 =	vor.u32 s23, v5;
	_ =	sdelay $0x4  }
0x231: {  	v33 =	vld.idx.msk [tilespmem:v10+s16+$0x0], $0xffff;
	_ =	sdelay $0x4  }
0x232: {  	v6 =	vmul.f32 $2.511886360e-01, v33  }
0x233: {  	v11 =	vmul.f32 $6.309573350e-02, v33;
	v17 =	vmul.f32 $1.584893280e-02, v33  }
0x234: {  	v21 =	vmul.f32 $3.981071520e-03, v33;
	v23 =	vmul.f32 $1.000000050e-03, v33  }
0x235: {  	v29 =	vmul.f32 $2.511886410e-04, v33;
	v34 =	vmul.f32 $6.309573660e-05, v33  }
0x236: {  	v7 =	vmul.f32 v6, v6;
	v12 =	vmul.f32 v11, v11  }
0x237: {  	v18 =	vmul.f32 v17, v17;
	v22 =	vmul.f32 v21, v21  }
0x238: {  	v24 =	vmul.f32 v23, v23;
	v48 =	vmul.f32 v29, v29  }
0x239: {  	v53 =	vmul.f32 v34, v34;
	v8 =	vmul.f32 $1.984127010e-04, v7  }
0x23a: {  	v9 =	vmul.f32 $1.388888920e-03, v7;
	v13 =	vmul.f32 v7, v6  }
0x23b: {  	v14 =	vmul.f32 $1.984127010e-04, v12;
	v15 =	vmul.f32 $1.388888920e-03, v12  }
0x23c: {  	v40 =	vmul.f32 v12, v11;
	v41 =	vmul.f32 $1.984127010e-04, v18  }
0x23d: {  	v19 =	vmul.f32 $1.388888920e-03, v18;
	v44 =	vmul.f32 v18, v17  }
0x23e: {  	v45 =	vmul.f32 $1.984127010e-04, v22;
	v20 =	vmul.f32 $1.388888920e-03, v22  }
0x23f: {  	v47 =	vmul.f32 v22, v21;
	v25 =	vmul.f32 $1.984127010e-04, v24  }
0x240: {  	v26 =	vmul.f32 $1.388888920e-03, v24;
	v51 =	vmul.f32 v24, v23  }
0x241: {  	v16 =	vmov s23;
	v28 =	vmul.f32 $1.984127010e-04, v48;
	v30 =	vmul.f32 $1.388888920e-03, v48  }
0x242: {  	v31 =	vmul.f32 v48, v29;
	v8 =	vsub.f32 $8.333333770e-03, v8;
	v9 =	vsub.f32 $4.166666790e-02, v9  }
0x243: {  	v32 =	vmul.f32 $1.984127010e-04, v53;
	v36 =	vsub.f32 $8.333333770e-03, v14;
	v37 =	vsub.f32 $4.166666790e-02, v15  }
0x244: {  	v35 =	vmul.f32 $1.388888920e-03, v53;
	v14 =	vsub.f32 $8.333333770e-03, v41;
	v43 =	vsub.f32 $4.166666790e-02, v19  }
0x245: {  	v56 =	vmul.f32 v53, v34;
	v19 =	vsub.f32 $8.333333770e-03, v45;
	v20 =	vsub.f32 $4.166666790e-02, v20  }
0x246: {  	v25 =	vsub.f32 $8.333333770e-03, v25;
	v41 =	vmul.f32 $3.981071590e-06, v33;
	v8 =	vmul.f32 v8, v7  }
0x247: {  	v26 =	vsub.f32 $4.166666790e-02, v26;
	v9 =	vmul.f32 v9, v7;
	v39 =	vmul.f32 v37, v12  }
0x248: {  	v28 =	vsub.f32 $8.333333770e-03, v28;
	v14 =	vmul.f32 v14, v18;
	v15 =	vmul.f32 v43, v18  }
0x249: {  	v52 =	vsub.f32 $4.166666790e-02, v30;
	v46 =	vmul.f32 v19, v22;
	v20 =	vmul.f32 v20, v22  }
0x24a: {  	v32 =	vsub.f32 $8.333333770e-03, v32;
	v49 =	vmul.f32 v25, v24;
	v50 =	vmul.f32 v26, v24  }
0x24b: {  	v35 =	vsub.f32 $4.166666790e-02, v35;
	v28 =	vmul.f32 v28, v48;
	v54 =	vmul.f32 v52, v48  }
0x24c: {  	v37 =	vmul.f32 $1.584893110e-05, v33;
	v8 =	vadd.f32 $-1.666666720e-01, v8;
	v9 =	vadd.f32 $-5.000000000e-01, v9  }
0x24d: {  	v55 =	vmul.f32 v32, v53;
	v14 =	vadd.f32 $-1.666666720e-01, v14;
	v15 =	vadd.f32 $-5.000000000e-01, v15  }
0x24e: {  	v35 =	vmul.f32 v35, v53;
	v27 =	vadd.f32 $-5.000000000e-01, v20;
	v25 =	vadd.f32 $-5.000000000e-01, v50  }
0x24f: {  	v28 =	vadd.f32 $-1.666666720e-01, v28;
	v8 =	vmul.f32 v8, v13;
	v7 =	vmul.f32 v9, v7  }
0x250: {  	v35 =	vadd.f32 $-5.000000000e-01, v35;
	v14 =	vmul.f32 v14, v44;
	v18 =	vmul.f32 v15, v18  }
0x251: {  	v38 =	vshll.u32 v16, $0x7;
	v22 =	vmul.f32 v27, v22;
	v25 =	vmul.f32 v25, v24  }
0x252: {  	v9 =	vadd.f32 $-5.000000000e-01, v39;
	v31 =	vmul.f32 v28, v31;
	v35 =	vmul.f32 v35, v53  }
0x253: {  	v44 =	vmul.f32 $9.999999970e-07, v33;
	v8 =	vadd.f32 v8, v6;
	v6 =	vmul.f32 v36, v12  }
0x254: {  	v7 =	vadd.f32 $1.000000000e+00, v7;
	v9 =	vmul.f32 v9, v12;
	v15 =	vadd.f32 v14, v17  }
0x255: {  	v10 =	vld.idx.msk [tilespmem:v10+s17+$0x0], $0xffff;
	v17 =	vadd.f32 $-1.666666720e-01, v46;
	v27 =	vadd.f32 v31, v29;
	v36 =	vmul.f32 v37, v37  }
0x256: {  	v29 =	vadd.f32 $-1.666666720e-01, v55;
	v63 =	vmul.f32 v44, v44;
	v42 =	vadd.f32 $-1.666666720e-01, v6  }
0x257: {  	v6 =	vor.u32 v4, v38;
	v17 =	vmul.f32 v17, v47;
	v38 =	vmul.f32 $1.984127010e-04, v36  }
0x258: {  	v14 =	vadd.f32 $1.000000000e+00, v18;
	v39 =	vmul.f32 $1.388888920e-03, v36;
	v29 =	vmul.f32 v29, v56  }
0x259: {  	v9 =	vadd.f32 $1.000000000e+00, v9;
	v59 =	vmul.f32 v36, v37;
	v45 =	vmul.f32 $1.984127010e-04, v63  }
0x25a: {  	v46 =	vmul.f32 $1.388888920e-03, v63;
	v47 =	vmul.f32 $2.511886360e-01, v10;
	v12 =	vor.u32 $0x1, v6  }
0x25b: {  	v16 =	vor.u32 $0x3, v6;
	v19 =	vor.u32 $0x4, v6;
	v20 =	vor.u32 $0x5, v6  }
0x25c: {  	v24 =	vor.u32 $0x7, v6;
	v26 =	vor.u32 $0x8, v6;
	v28 =	vor.u32 $0x9, v6  }
0x25d: {  	v32 =	vor.u32 $0xA, v6;
	v31 =	vor.u32 $0xB, v6;
	v18 =	vadd.f32 v17, v21  }
0x25e: {  	v13 =	vmul.f32 v42, v40;
	v17 =	vadd.f32 $1.000000000e+00, v22;
	v21 =	vadd.f32 $-1.666666720e-01, v49  }
0x25f: {  	v22 =	vor.u32 $0x6, v6;
	v38 =	vsub.f32 $8.333333770e-03, v38;
	v39 =	vsub.f32 $4.166666790e-02, v39  }
0x260: {  	v40 =	vmul.f32 v41, v41;
	v30 =	vadd.f32 v29, v34;
	v29 =	vadd.f32 $1.000000000e+00, v35  }
0x261: {  	v34 =	vor.u32 $0xC, v6;
	v55 =	vsub.f32 $4.166666790e-02, v46;
	v46 =	vmul.f32 v47, v47  }
0x262: {  	v49 =	vmul.f32 $6.309573350e-02, v10;
	v11 =	vadd.f32 v13, v11;
	v21 =	vmul.f32 v21, v51  }
0x263: {  	v13 =	vor.u32 $0x2, v6;
	v57 =	vmul.f32 v38, v36;
	v58 =	vmul.f32 v39, v36  }
0x264: {  	v60 =	vmul.f32 $1.984127010e-04, v40;
	v23 =	vadd.f32 v21, v23;
	v21 =	vadd.f32 $1.000000000e+00, v25  }
0x265: {  	v43 =	vmul.f32 $1.388888920e-03, v40;
	v25 =	vadd.f32 $-5.000000000e-01, v54;
	v42 =	vadd.f32 $-1.666666720e-01, v57  }
0x266: {  	v50 =	vmul.f32 $1.388888920e-03, v46;
	v38 =	vadd.f32 $-5.000000000e-01, v58;
	v39 =	vsub.f32 $8.333333770e-03, v60  }
0x267: {  	v52 =	vmul.f32 v40, v41;
	v62 =	vsub.f32 $4.166666790e-02, v43;
	v54 =	vsub.f32 $8.333333770e-03, v45  }
0x268: {  	[tilespmem:v6+s18+$0x0] =	vst.idx.msk $0xffff, v8;
	v57 =	vmul.f32 v55, v63;
	v58 =	vmul.f32 $1.984127010e-04, v46;
	v60 =	vsub.f32 $4.166666790e-02, v50  }
0x269: {  	[tilespmem:v12+s18+$0x0] =	vst.idx.msk $0xffff, v7;
	v7 =	vor.u32 $0x16, v6;
	v25 =	vmul.f32 v25, v48;
	v61 =	vmul.f32 v42, v59  }
0x26a: {  	v12 =	vor.u32 $0x17, v6;
	v38 =	vmul.f32 v38, v36;
	v39 =	vmul.f32 v39, v40  }
0x26b: {  	v36 =	vor.u32 $0xD, v6;
	v51 =	vmul.f32 v62, v40;
	v56 =	vmul.f32 v54, v63  }
0x26c: {  	v48 =	vmul.f32 v63, v44;
	v42 =	vadd.f32 $-5.000000000e-01, v57;
	v45 =	vsub.f32 $8.333333770e-03, v58  }
0x26d: {  	v54 =	vor.u32 $0x12, v6;
	v25 =	vadd.f32 $1.000000000e+00, v25;
	v35 =	vadd.f32 v61, v37  }
0x26e: {  	[tilespmem:v13+s18+$0x0] =	vst.idx.msk $0xffff, v11;
	v33 =	vadd.f32 $1.000000000e+00, v38;
	v53 =	vadd.f32 $-1.666666720e-01, v39;
	v42 =	vmul.f32 v42, v63  }
0x26f: {  	v37 =	vadd.f32 $-5.000000000e-01, v51;
	v59 =	vmul.f32 v45, v46;
	v61 =	vmul.f32 v46, v47;
	[tilespmem:v16+s18+$0x0] =	vst.idx.msk $0xffff, v9  }
0x270: {  	v39 =	vor.u32 $0xE, v6;
	v45 =	vmul.f32 v60, v46;
	[tilespmem:v19+s18+$0x0] =	vst.idx.msk $0xffff, v15;
	v15 =	vmul.f32 $2.511886410e-04, v10  }
0x271: {  	v51 =	vor.u32 $0x10, v6;
	v38 =	vmul.f32 v53, v52;
	v37 =	vmul.f32 v37, v40  }
0x272: {  	v40 =	vor.u32 $0xF, v6;
	v43 =	vadd.f32 $-1.666666720e-01, v59;
	v52 =	vmul.f32 $1.584893280e-02, v10  }
0x273: {  	v53 =	vor.u32 $0x11, v6;
	v42 =	vadd.f32 $1.000000000e+00, v42;
	v63 =	vadd.f32 $-5.000000000e-01, v45  }
0x274: {  	[tilespmem:v20+s18+$0x0] =	vst.idx.msk $0xffff, v14;
	v20 =	vmul.f32 $6.309573660e-05, v10;
	v38 =	vadd.f32 v38, v41;
	v41 =	vadd.f32 $-1.666666720e-01, v56  }
0x275: {  	[tilespmem:v22+s18+$0x0] =	vst.idx.msk $0xffff, v18;
	v18 =	vor.u32 $0x18, v6;
	v22 =	vor.u32 $0x19, v6;
	v45 =	vmul.f32 v52, v52  }
0x276: {  	v37 =	vadd.f32 $1.000000000e+00, v37;
	v43 =	vmul.f32 v43, v61;
	v41 =	vmul.f32 v41, v48  }
0x277: {  	v56 =	vor.u32 $0x13, v6;
	[tilespmem:v24+s18+$0x0] =	vst.idx.msk $0xffff, v17;
	v48 =	vmul.f32 v49, v49;
	v60 =	vmul.f32 $1.984127010e-04, v45  }
0x278: {  	[tilespmem:v26+s18+$0x0] =	vst.idx.msk $0xffff, v23;
	v43 =	vadd.f32 v43, v47;
	v47 =	vmul.f32 $3.981071520e-03, v10;
	v59 =	vmul.f32 v45, v52  }
0x279: {  	[tilespmem:v28+s18+$0x0] =	vst.idx.msk $0xffff, v21;
	v21 =	vor.u32 $0x1A, v6;
	v41 =	vadd.f32 v41, v44;
	v62 =	vmul.f32 $1.984127010e-04, v48  }
0x27a: {  	[tilespmem:v32+s18+$0x0] =	vst.idx.msk $0xffff, v27;
	v55 =	vmul.f32 $1.388888920e-03, v48;
	v44 =	vmul.f32 v63, v46;
	v46 =	vsub.f32 $8.333333770e-03, v60  }
0x27b: {  	v57 =	vmul.f32 v48, v49;
	v58 =	vmul.f32 v47, v47;
	[tilespmem:v31+s18+$0x0] =	vst.idx.msk $0xffff, v25;
	v25 =	vor.u32 $0x1B, v6  }
0x27c: {  	v31 =	vmul.f32 $3.981071590e-06, v10;
	[tilespmem:v34+s18+$0x0] =	vst.idx.msk $0xffff, v30;
	v50 =	vsub.f32 $8.333333770e-03, v62;
	v46 =	vmul.f32 v46, v45  }
0x27d: {  	v55 =	vsub.f32 $4.166666790e-02, v55;
	v60 =	vmul.f32 $1.984127010e-04, v58;
	v62 =	vmul.f32 $1.388888920e-03, v58;
	[tilespmem:v36+s18+$0x0] =	vst.idx.msk $0xffff, v29  }
0x27e: {  	v44 =	vadd.f32 $1.000000000e+00, v44;
	v11 =	vmul.f32 v58, v47;
	[tilespmem:v39+s18+$0x0] =	vst.idx.msk $0xffff, v35;
	v50 =	vmul.f32 v50, v48  }
0x27f: {  	v29 =	vor.u32 $0x1C, v6;
	v55 =	vmul.f32 v55, v48;
	v46 =	vadd.f32 $-1.666666720e-01, v46;
	[tilespmem:v40+s18+$0x0] =	vst.idx.msk $0xffff, v33  }
0x280: {  	v62 =	vsub.f32 $4.166666790e-02, v62;
	[tilespmem:v51+s18+$0x0] =	vst.idx.msk $0xffff, v38;
	v38 =	vor.u32 $0x20, v6;
	v50 =	vadd.f32 $-1.666666720e-01, v50  }
0x281: {  	v46 =	vmul.f32 v46, v59;
	v59 =	vsub.f32 $8.333333770e-03, v60;
	v60 =	vmul.f32 $1.000000050e-03, v10  }
0x282: {  	v51 =	vor.u32 $0x22, v6;
	v62 =	vmul.f32 v62, v58;
	[tilespmem:v53+s18+$0x0] =	vst.idx.msk $0xffff, v37;
	v50 =	vmul.f32 v50, v57  }
0x283: {  	[tilespmem:v54+s18+$0x0] =	vst.idx.msk $0xffff, v41;
	v57 =	vor.u32 $0x14, v6;
	v46 =	vadd.f32 v46, v52;
	v63 =	vmul.f32 v59, v58  }
0x284: {  	v59 =	vmul.f32 v60, v60;
	v52 =	vmul.f32 v15, v15;
	[tilespmem:v56+s18+$0x0] =	vst.idx.msk $0xffff, v42;
	v42 =	vor.u32 $0x21, v6  }
0x285: {  	v49 =	vadd.f32 v50, v49;
	v50 =	vadd.f32 $-5.000000000e-01, v55;
	v55 =	vmul.f32 $1.388888920e-03, v45  }
0x286: {  	v13 =	vadd.f32 $-1.666666720e-01, v63;
	v63 =	vmul.f32 $1.984127010e-04, v59;
	v32 =	vmul.f32 v52, v15  }
0x287: {  	v48 =	vmul.f32 v50, v48;
	v50 =	vor.u32 $0x15, v6;
	v55 =	vsub.f32 $4.166666790e-02, v55  }
0x288: {  	v11 =	vmul.f32 v13, v11;
	v63 =	vsub.f32 $8.333333770e-03, v63;
	[tilespmem:v57+s18+$0x0] =	vst.idx.msk $0xffff, v43;
	v57 =	vor.u32 $0x25, v6  }
0x289: {  	v8 =	vadd.f32 $1.000000000e+00, v48;
	v61 =	vmul.f32 v55, v45;
	v48 =	vmul.f32 $1.388888920e-03, v59  }
0x28a: {  	v11 =	vadd.f32 v11, v47;
	v13 =	vmul.f32 v63, v59;
	v63 =	vmul.f32 v20, v20  }
0x28b: {  	v55 =	vmul.f32 v59, v60;
	v61 =	vadd.f32 $-5.000000000e-01, v61;
	v16 =	vsub.f32 $4.166666790e-02, v48  }
0x28c: {  	v13 =	vadd.f32 $-1.666666720e-01, v13;
	v34 =	vmul.f32 $1.984127010e-04, v63;
	v36 =	vmul.f32 $1.388888920e-03, v63  }
0x28d: {  	v53 =	vmul.f32 v63, v20;
	v61 =	vmul.f32 v61, v45;
	v45 =	vadd.f32 $-5.000000000e-01, v62  }
0x28e: {  	v16 =	vmul.f32 v16, v59;
	v13 =	vmul.f32 v13, v55;
	v39 =	vsub.f32 $8.333333770e-03, v34  }
0x28f: {  	v62 =	vmul.f32 $1.388888920e-03, v52;
	v28 =	vsub.f32 $4.166666790e-02, v36;
	v9 =	vadd.f32 $1.000000000e+00, v61  }
0x290: {  	v14 =	vmul.f32 v45, v58;
	v58 =	vmul.f32 $1.984127010e-04, v52;
	v16 =	vadd.f32 $-5.000000000e-01, v16  }
0x291: {  	v13 =	vadd.f32 v13, v60;
	v45 =	vmul.f32 $1.584893110e-05, v10;
	v47 =	vmul.f32 v39, v63  }
0x292: {  	v23 =	vsub.f32 $4.166666790e-02, v62;
	v28 =	vmul.f32 v28, v63;
	v62 =	vmul.f32 v31, v31  }
0x293: {  	v60 =	vor.u32 $0x1E, v6;
	v10 =	vmul.f32 $9.999999970e-07, v10;
	v16 =	vmul.f32 v16, v59  }
0x294: {  	v61 =	vsub.f32 $8.333333770e-03, v58;
	v23 =	vmul.f32 v23, v52;
	v48 =	vmul.f32 v45, v45  }
0x295: {  	v14 =	vadd.f32 $1.000000000e+00, v14;
	v36 =	vmul.f32 $1.984127010e-04, v62;
	v41 =	vmul.f32 v10, v10  }
0x296: {  	[tilespmem:v50+s18+$0x0] =	vst.idx.msk $0xffff, v44;
	v28 =	vadd.f32 $-5.000000000e-01, v28;
	v44 =	vmul.f32 $1.388888920e-03, v62;
	v17 =	vmul.f32 v61, v52  }
0x297: {  	v50 =	vmul.f32 v62, v31;
	v16 =	vadd.f32 $1.000000000e+00, v16;
	v55 =	vmul.f32 $1.984127010e-04, v48  }
0x298: {  	[tilespmem:v7+s18+$0x0] =	vst.idx.msk $0xffff, v49;
	v23 =	vadd.f32 $-5.000000000e-01, v23;
	v58 =	vmul.f32 $1.388888920e-03, v48;
	v17 =	vadd.f32 $-1.666666720e-01, v17  }
0x299: {  	[tilespmem:v12+s18+$0x0] =	vst.idx.msk $0xffff, v8;
	v24 =	vmul.f32 v28, v63;
	v63 =	vmul.f32 v48, v45;
	v59 =	vsub.f32 $8.333333770e-03, v55  }
0x29a: {  	[tilespmem:v18+s18+$0x0] =	vst.idx.msk $0xffff, v46;
	v46 =	vmul.f32 $1.984127010e-04, v41;
	v17 =	vmul.f32 v17, v32;
	v32 =	vsub.f32 $4.166666790e-02, v58  }
0x29b: {  	v40 =	vsub.f32 $8.333333770e-03, v36;
	v49 =	vmul.f32 $1.388888920e-03, v41;
	v30 =	vmul.f32 v59, v48  }
0x29c: {  	v19 =	vmul.f32 v23, v52;
	v37 =	vadd.f32 $1.000000000e+00, v24;
	v32 =	vmul.f32 v32, v48  }
0x29d: {  	[tilespmem:v22+s18+$0x0] =	vst.idx.msk $0xffff, v9;
	v52 =	vor.u32 $0x1D, v6;
	v18 =	vsub.f32 $8.333333770e-03, v46;
	v7 =	vadd.f32 $-1.666666720e-01, v30  }
0x29e: {  	[tilespmem:v21+s18+$0x0] =	vst.idx.msk $0xffff, v11;
	v61 =	vor.u32 $0x1F, v6;
	v22 =	vsub.f32 $4.166666790e-02, v49;
	v39 =	vadd.f32 $-5.000000000e-01, v32  }
0x29f: {  	[tilespmem:v25+s18+$0x0] =	vst.idx.msk $0xffff, v14;
	v15 =	vadd.f32 v17, v15;
	v17 =	vadd.f32 $-1.666666720e-01, v47;
	v7 =	vmul.f32 v7, v63  }
0x2a0: {  	[tilespmem:v29+s18+$0x0] =	vst.idx.msk $0xffff, v13;
	v19 =	vadd.f32 $1.000000000e+00, v19;
	v43 =	vmul.f32 v39, v48;
	v48 =	vsub.f32 $4.166666790e-02, v44  }
0x2a1: {  	v17 =	vmul.f32 v17, v53;
	v7 =	vadd.f32 v7, v45;
	v45 =	vmul.f32 v40, v62  }
0x2a2: {  	v56 =	vmul.f32 v22, v41;
	[tilespmem:v52+s18+$0x0] =	vst.idx.msk $0xffff, v16;
	v52 =	vor.u32 $0x23, v6;
	v21 =	vmul.f32 v48, v62  }
0x2a3: {  	[tilespmem:v60+s18+$0x0] =	vst.idx.msk $0xffff, v15;
	v53 =	vmul.f32 v18, v41;
	v17 =	vadd.f32 v17, v20;
	v11 =	vadd.f32 $-1.666666720e-01, v45  }
0x2a4: {  	v55 =	vor.u32 $0x24, v6;
	v58 =	vmul.f32 v41, v10;
	[tilespmem:v61+s18+$0x0] =	vst.idx.msk $0xffff, v19;
	v54 =	vadd.f32 $-5.000000000e-01, v21  }
0x2a5: {  	v60 =	vadd.f32 $-5.000000000e-01, v56;
	v15 =	vadd.f32 $-1.666666720e-01, v53;
	[tilespmem:v38+s18+$0x0] =	vst.idx.msk $0xffff, v17;
	v11 =	vmul.f32 v11, v50  }
0x2a6: {  	v61 =	vor.u32 $0x26, v6;
	v47 =	vadd.f32 $1.000000000e+00, v43;
	[tilespmem:v42+s18+$0x0] =	vst.idx.msk $0xffff, v37;
	v59 =	vmul.f32 v54, v62  }
0x2a7: {  	p1 =	sne.s32 s23, $0x30;
	v6 =	vor.u32 $0x27, v6;
	[tilespmem:v51+s18+$0x0] =	vst.idx.msk $0xffff, v7;
	v7 =	vadd.f32 v11, v31;
	v62 =	vmul.f32 v15, v58  }
.Ltmp10:
0x2a8: {  	v9 =	vmul.f32 v60, v41;
	[tilespmem:v52+s18+$0x0] =	vst.idx.msk $0xffff, v47;
	v8 =	vadd.f32 $1.000000000e+00, v59;
	(pc) =	sbr.rel @p1 .LBB2_14-.Ltmp10, $4  }
0x2a9: {  	[tilespmem:v55+s18+$0x0] =	vst.idx.msk $0xffff, v7;
	v7 =	vadd.f32 v62, v10  }
0x2aa: {  	v63 =	vadd.f32 $1.000000000e+00, v9;
	[tilespmem:v57+s18+$0x0] =	vst.idx.msk $0xffff, v8  }
0x2ab: {  	[tilespmem:v61+s18+$0x0] =	vst.idx.msk $0xffff, v7  }
0x2ac: {  	s23 =	sadd.s32 $0x10, s23;
	[tilespmem:v6+s18+$0x0] =	vst.idx.msk $0xffff, v63  }
0x2ad: {  	_ =	swait.ge [sflag:s20], $0xA000  }
0x2ae: {  	p1 =	seq.s32 s21, $0x0;
	[sflag:s20] =	ssyncset.done $0x0  }
0x2af: {  	s23 =	simm.s32 $0x0;
	s0 =	simm.s32 @!p1 $0x4;
	[sflag:s20] =	ssyncadd.s32 $0xFFFF6000  }
0x2b0: {  	s23 =	smul.u32 $0x5000, s23;
	_ =	swait.ge @!p1 [sflag:s0], $0x2000  }
0x2b1: {  	s24 =	simm.s32 $0x0;
	s25 =	simm.s32 $0x1C998;
	[sflag:s0] =	ssyncset.done @!p1 $0x0  }
0x2b2: {  	s31 =	sand.u32 $0x380, s24;
	s23 =	sshra.s32 s23, $0x2;
	[sflag:s0] =	ssyncadd.s32 @!p1 $0xFFFFE000  }
0x2b3: {  	s23 =	sor.u32 s31, s23;
	v15 =	vld [tilespmem:s25+$0xFFFFFFE8]  }
0x2b4: {  	v22 =	vld [tilespmem:s23+$0xF190]  }
0x2b5: {  	v41 =	vld [tilespmem:s25+$0xFFFFFFF8]  }
0x2b6: {  	v11 =	vld [tilespmem:s23+$0xF180]  }
0x2b7: {  	v17 =	vld [tilespmem:s23+$0xF1A0]  }
0x2b8: {  	v20 =	vld [tilespmem:s23+$0xEDF0];
	v18 =	vbroadcast v15, $0x9;
	v19 =	vbroadcast v15, $0xD  }
0x2b9: {  	v32 =	vld [tilespmem:s23+$0xF1E0];
	v27 =	vbroadcast v15, $0x5;
	v24 =	vbroadcast v15, $0xB  }
0x2ba: {  	v26 =	vld [tilespmem:s23+$0xEDD0];
	v25 =	vbroadcast v15, $0x3;
	v13 =	vbroadcast v41, $0x7  }
0x2bb: {  	v28 =	vld [tilespmem:s23+$0xEDC0];
	v12 =	vbroadcast v15, $0xE;
	v8 =	vbroadcast v41, $0xB  }
0x2bc: {  	v16 =	vld [tilespmem:s23+$0xEDE0];
	v29 =	vbroadcast v15, $0xA;
	v7 =	vbroadcast v41, $0x9  }
0x2bd: {  	v21 =	vld [tilespmem:s23+$0xED90];
	v30 =	vbroadcast v15, $0x7;
	v5 =	vbroadcast v41, $0xE  }
0x2be: {  	v23 =	vld [tilespmem:s23+$0xED80];
	v35 =	vbroadcast v15, $0x2;
	v10 =	vbroadcast v41, $0x8  }
0x2bf: {  	v33 =	vld [tilespmem:s23+$0xEDB0];
	v31 =	vbroadcast v15, $0x8;
	v6 =	vbroadcast v41, $0xF  }
0x2c0: {  	v38 =	vld [tilespmem:s23+$0xEDA0];
	v37 =	vbroadcast v15, $0x1;
	v9 =	vbroadcast v41, $0xC  }
0x2c1: {  	v34 =	vld [tilespmem:s23+$0xE9F0];
	v39 =	vbroadcast v15, $0x4;
	v14 =	vbroadcast v41, $0x4  }
0x2c2: {  	v42 =	vld [tilespmem:s23+$0xE9D0];
	v40 =	vbroadcast v15, $0x0;
	v36 =	vbroadcast v41, $0x0  }
0x2c3: {  	v43 =	vld [tilespmem:s23+$0xE9A0];
	v44 =	vbroadcast v41, $0x1;
	v49 =	vbroadcast v41, $0x6  }
0x2c4: {  	v45 =	vld [tilespmem:s23+$0xE9C0];
	v62 =	vbroadcast v15, $0x6;
	v23 =	vmul.f32 v23, v31  }
0x2c5: {  	v61 =	vld [tilespmem:s23+$0xE9B0];
	v12 =	vmul.f32 v16, v12;
	v16 =	vmul.f32 v11, v36  }
0x2c6: {  	v48 =	vld [tilespmem:s23+$0xE980];
	v21 =	vmul.f32 v21, v18;
	v11 =	vbroadcast v41, $0xD  }
0x2c7: {  	v46 =	vld [tilespmem:s23+$0xE9E0];
	v47 =	vmul.f32 v33, v24;
	v24 =	vbroadcast v15, $0xF  }
0x2c8: {  	v50 =	vld [tilespmem:s23+$0xE990];
	v19 =	vmul.f32 v26, v19;
	v26 =	vbroadcast v41, $0x2  }
0x2c9: {  	v18 =	vbroadcast v41, $0xA;
	v51 =	vmul.f32 v34, v30;
	v31 =	vld [tilespmem:s23+$0xF1B0]  }
0x2ca: {  	v33 =	vbroadcast v41, $0x5;
	v34 =	vld [tilespmem:s23+$0xF1F0];
	v35 =	vmul.f32 v43, v35  }
0x2cb: {  	v25 =	vmul.f32 v61, v25;
	v36 =	vld [tilespmem:s23+$0xF1D0];
	v40 =	vmul.f32 v48, v40  }
0x2cc: {  	v45 =	vmul.f32 v45, v39;
	v39 =	vmul.f32 v42, v27;
	v27 =	vld [tilespmem:s23+$0xF5A0]  }
0x2cd: {  	v29 =	vmul.f32 v38, v29;
	v30 =	vmul.f32 v20, v24;
	v24 =	vld [tilespmem:s23+$0xF1C0]  }
0x2ce: {  	v17 =	vmul.f32 v17, v26;
	v20 =	vbroadcast v15, $0xC;
	v26 =	vld [tilespmem:s23+$0xF5B0]  }
0x2cf: {  	v38 =	vmul.f32 v50, v37;
	v42 =	vmul.f32 v46, v62;
	v63 =	vadd.f32 v51, v25;
	v15 =	vld [tilespmem:s25+$0x0]  }
0x2d0: {  	v41 =	vbroadcast v41, $0x3;
	v25 =	vld [tilespmem:s23+$0xF580];
	v40 =	vadd.f32 v45, v40;
	v28 =	vmul.f32 v28, v20  }
0x2d1: {  	s28 =	simm.s32 $0x1A980;
	s29 =	simm.s32 $0x1;
	s26 =	simm.s32 $0x1A980;
	v20 =	vmul.f32 v32, v49;
	v37 =	vadd.f32 v47, v63;
	v32 =	vmul.f32 v22, v44;
	v22 =	vld [tilespmem:s23+$0xF990]  }
.LBB2_16:
0x2d2: {  	v35 =	vadd.f32 v42, v35;
	v33 =	vmul.f32 v36, v33;
	v13 =	vmul.f32 v34, v13;
	v34 =	vld [tilespmem:s23+$0xF5E0];
	s24 =	sadd.s32 $0x80, s24;
	s25 =	sadd.s32 $0x80, s25;
	s28 =	sadd.s32 $0x80, s28  }
0x2d3: {  	p1 =	sne.s32 s29, $0x3F;
	v36 =	vadd.f32 v39, v38;
	s0 =	smov.u32 s29;
	s29 =	sadd.s32 $0x1, s29;
	v23 =	vadd.f32 v23, v40;
	v31 =	vmul.f32 v31, v41;
	v38 =	vld [tilespmem:s23+$0xF5F0]  }
0x2d4: {  	v30 =	vadd.f32 v30, v37;
	v37 =	vld [tilespmem:s23+$0xF590];
	v39 =	vbroadcast v15, $0x8;
	v40 =	vbroadcast v15, $0xF  }
0x2d5: {  	v21 =	vadd.f32 v21, v36;
	v41 =	vbroadcast v15, $0x9;
	v42 =	vbroadcast v15, $0xE;
	v36 =	vld [tilespmem:s23+$0xF5C0]  }
0x2d6: {  	v43 =	vbroadcast v15, $0xB;
	v44 =	vbroadcast v15, $0xD;
	v30 =	vadd.f32 v31, v30;
	v31 =	vld [tilespmem:s23+$0xF5D0]  }
0x2d7: {  	v14 =	vmul.f32 v24, v14;
	v23 =	vadd.f32 v28, v23;
	v19 =	vadd.f32 v19, v21;
	v21 =	vld [tilespmem:s23+$0xF9B0]  }
0x2d8: {  	v8 =	vmul.f32 v26, v8;
	v24 =	vadd.f32 v29, v35;
	v13 =	vadd.f32 v13, v30;
	v26 =	vld [tilespmem:s23+$0xF980]  }
0x2d9: {  	v10 =	vmul.f32 v25, v10;
	v16 =	vadd.f32 v16, v23;
	v19 =	vadd.f32 v32, v19  }
0x2da: {  	v18 =	vmul.f32 v27, v18;
	v12 =	vadd.f32 v12, v24;
	v8 =	vadd.f32 v8, v13  }
0x2db: {  	v13 =	vadd.f32 v14, v16;
	v7 =	vmul.f32 v37, v7;
	v14 =	vadd.f32 v33, v19;
	v16 =	vld [tilespmem:s23+$0xF9E0]  }
0x2dc: {  	v12 =	vadd.f32 v17, v12;
	v9 =	vmul.f32 v36, v9;
	v17 =	vld [tilespmem:s23+$0xF9A0];
	v19 =	vmul.f32 v21, v43  }
0x2dd: {  	v11 =	vmul.f32 v31, v11;
	v7 =	vadd.f32 v7, v14;
	v14 =	vmul.f32 v26, v39;
	v21 =	vld [tilespmem:s23+$0xF9F0]  }
0x2de: {  	v12 =	vadd.f32 v20, v12;
	v10 =	vadd.f32 v10, v13;
	v13 =	vbroadcast v15, $0xA;
	v20 =	vld [tilespmem:s23+$0xF9D0]  }
0x2df: {  	v6 =	vmul.f32 v38, v6;
	v7 =	vadd.f32 v11, v7;
	v11 =	vmul.f32 v22, v41;
	v22 =	vld [tilespmem:s23+$0xF9C0]  }
0x2e0: {  	v5 =	vmul.f32 v34, v5;
	v12 =	vadd.f32 v18, v12;
	v9 =	vadd.f32 v9, v10  }
0x2e1: {  	v6 =	vadd.f32 v6, v8;
	v7 =	vadd.f32 v11, v7;
	v8 =	vmul.f32 v17, v13  }
0x2e2: {  	v10 =	vbroadcast v15, $0xC;
	v5 =	vadd.f32 v5, v12;
	v11 =	vmul.f32 v21, v40  }
0x2e3: {  	v6 =	vadd.f32 v19, v6;
	v13 =	vmul.f32 v16, v42;
	v12 =	vmul.f32 v20, v44  }
0x2e4: {  	v9 =	vadd.f32 v14, v9;
	v5 =	vadd.f32 v8, v5;
	v8 =	vmul.f32 v22, v10  }
0x2e5: {  	v6 =	vadd.f32 v11, v6;
	v7 =	vadd.f32 v12, v7  }
0x2e6: {  	v5 =	vadd.f32 v13, v5;
	v8 =	vadd.f32 v8, v9;
	_ =	sdelay $0x1  }
0x2e7: {  	v5 =	vadd.f32 v6, v5;
	v7 =	vadd.f32 v7, v8;
	_ =	sdelay $0x1  }
0x2e8: {  	s0 =	sshrl.u32 s0, $0x3;
	v5 =	vadd.f32 v5, v7  }
0x2e9: {  	s0 =	smul.u32 $0x5000, s0  }
0x2ea: {  	v5 =	vmax.f32 v5, $0.0e+00  }
0x2eb: {  	s0 =	sshra.s32 s0, $0x2;
	s23 =	sand.u32 $0x380, s24;
	[tilespmem:s26+$0x0] =	vst v5;
	s26 =	smov.u32 s28  }
0x2ec: {  	s23 =	sor.u32 s23, s0;
	v15 =	vld [tilespmem:s25+$0xFFFFFFE8]  }
0x2ed: {  	v22 =	vld [tilespmem:s23+$0xF190]  }
0x2ee: {  	v41 =	vld [tilespmem:s25+$0xFFFFFFF8]  }
0x2ef: {  	v11 =	vld [tilespmem:s23+$0xF180]  }
0x2f0: {  	v17 =	vld [tilespmem:s23+$0xF1A0]  }
0x2f1: {  	v18 =	vbroadcast v15, $0x9;
	v19 =	vbroadcast v15, $0xD;
	v20 =	vld [tilespmem:s23+$0xEDF0]  }
0x2f2: {  	v27 =	vbroadcast v15, $0x5;
	v24 =	vbroadcast v15, $0xB;
	v32 =	vld [tilespmem:s23+$0xF1E0]  }
0x2f3: {  	v25 =	vbroadcast v15, $0x3;
	v26 =	vld [tilespmem:s23+$0xEDD0];
	v13 =	vbroadcast v41, $0x7  }
0x2f4: {  	v12 =	vbroadcast v15, $0xE;
	v8 =	vbroadcast v41, $0xB;
	v28 =	vld [tilespmem:s23+$0xEDC0]  }
0x2f5: {  	v29 =	vbroadcast v15, $0xA;
	v7 =	vbroadcast v41, $0x9;
	v16 =	vld [tilespmem:s23+$0xEDE0]  }
0x2f6: {  	v30 =	vbroadcast v15, $0x7;
	v5 =	vbroadcast v41, $0xE;
	v21 =	vld [tilespmem:s23+$0xED90]  }
0x2f7: {  	v35 =	vbroadcast v15, $0x2;
	v10 =	vbroadcast v41, $0x8;
	v23 =	vld [tilespmem:s23+$0xED80]  }
0x2f8: {  	v31 =	vbroadcast v15, $0x8;
	v6 =	vbroadcast v41, $0xF;
	v33 =	vld [tilespmem:s23+$0xEDB0]  }
0x2f9: {  	v37 =	vbroadcast v15, $0x1;
	v9 =	vbroadcast v41, $0xC;
	v38 =	vld [tilespmem:s23+$0xEDA0]  }
0x2fa: {  	v39 =	vbroadcast v15, $0x4;
	v14 =	vbroadcast v41, $0x4;
	v34 =	vld [tilespmem:s23+$0xE9F0]  }
0x2fb: {  	v40 =	vbroadcast v15, $0x0;
	v36 =	vbroadcast v41, $0x0;
	v42 =	vld [tilespmem:s23+$0xE9D0]  }
0x2fc: {  	v44 =	vbroadcast v41, $0x1;
	v43 =	vld [tilespmem:s23+$0xE9A0];
	v23 =	vmul.f32 v23, v31  }
0x2fd: {  	v12 =	vmul.f32 v16, v12;
	v16 =	vmul.f32 v11, v36;
	v45 =	vld [tilespmem:s23+$0xE9C0]  }
0x2fe: {  	v11 =	vbroadcast v41, $0xD;
	v21 =	vmul.f32 v21, v18;
	v46 =	vld [tilespmem:s23+$0xE9E0]  }
0x2ff: {  	v47 =	vmul.f32 v33, v24;
	v24 =	vbroadcast v15, $0xF;
	v36 =	vld [tilespmem:s23+$0xE9B0]  }
0x300: {  	v49 =	vbroadcast v41, $0x6;
	v19 =	vmul.f32 v26, v19;
	v48 =	vld [tilespmem:s23+$0xE980]  }
0x301: {  	v26 =	vbroadcast v41, $0x2;
	v18 =	vbroadcast v41, $0xA;
	v50 =	vld [tilespmem:s23+$0xE990]  }
0x302: {  	v33 =	vbroadcast v41, $0x5;
	v51 =	vmul.f32 v34, v30;
	v31 =	vld [tilespmem:s23+$0xF1B0]  }
0x303: {  	v17 =	vmul.f32 v17, v26;
	v30 =	vmul.f32 v20, v24;
	v34 =	vld [tilespmem:s23+$0xF1F0]  }
0x304: {  	v20 =	vbroadcast v15, $0xC;
	v35 =	vmul.f32 v43, v35;
	v24 =	vld [tilespmem:s23+$0xF1C0]  }
0x305: {  	v43 =	vbroadcast v15, $0x6;
	v25 =	vmul.f32 v36, v25;
	v36 =	vld [tilespmem:s23+$0xF1D0]  }
.Ltmp11:
0x306: {  	v28 =	vmul.f32 v28, v20;
	v40 =	vmul.f32 v48, v40;
	v26 =	vld [tilespmem:s23+$0xF5B0];
	(pc) =	sbr.rel @p1 .LBB2_16-.Ltmp11, $4  }
0x307: {  	v29 =	vmul.f32 v38, v29;
	v45 =	vmul.f32 v45, v39;
	v48 =	vadd.f32 v51, v25;
	v25 =	vld [tilespmem:s23+$0xF580]  }
0x308: {  	v20 =	vmul.f32 v32, v49;
	v38 =	vmul.f32 v50, v37;
	v15 =	vld [tilespmem:s25+$0x0]  }
0x309: {  	v39 =	vmul.f32 v42, v27;
	v42 =	vmul.f32 v46, v43;
	v37 =	vadd.f32 v47, v48;
	v27 =	vld [tilespmem:s23+$0xF5A0]  }
0x30a: {  	v41 =	vbroadcast v41, $0x3;
	v32 =	vmul.f32 v22, v44;
	v40 =	vadd.f32 v45, v40;
	v22 =	vld [tilespmem:s23+$0xF990]  }
0x30b: {  	v35 =	vadd.f32 v42, v35;
	v33 =	vmul.f32 v36, v33;
	v13 =	vmul.f32 v34, v13  }
0x30c: {  	v55 =	vadd.f32 v39, v38;
	v56 =	vld [tilespmem:s23+$0xF590];
	v14 =	vmul.f32 v24, v14;
	v8 =	vmul.f32 v26, v8  }
0x30d: {  	v30 =	vadd.f32 v30, v37;
	v58 =	vld [tilespmem:s23+$0xF5C0];
	v31 =	vmul.f32 v31, v41;
	v10 =	vmul.f32 v25, v10  }
0x30e: {  	v60 =	vld [tilespmem:s23+$0xF5D0];
	v23 =	vadd.f32 v23, v40;
	v57 =	vbroadcast v15, $0x8;
	v38 =	vbroadcast v15, $0xF  }
0x30f: {  	v63 =	vld [tilespmem:s23+$0xF9B0];
	v21 =	vadd.f32 v21, v55;
	v59 =	vbroadcast v15, $0x9;
	v40 =	vbroadcast v15, $0xE  }
0x310: {  	v44 =	vld [tilespmem:s23+$0xF980];
	v61 =	vbroadcast v15, $0xB;
	v62 =	vbroadcast v15, $0xD;
	v43 =	vadd.f32 v29, v35  }
0x311: {  	v46 =	vld [tilespmem:s23+$0xF5F0];
	v54 =	vbroadcast v15, $0xA;
	v30 =	vadd.f32 v31, v30;
	v23 =	vadd.f32 v28, v23  }
0x312: {  	v45 =	vld [tilespmem:s23+$0xF5E0];
	v18 =	vmul.f32 v27, v18;
	v19 =	vadd.f32 v19, v21;
	v12 =	vadd.f32 v12, v43  }
0x313: {  	v50 =	vld [tilespmem:s23+$0xF9A0];
	v13 =	vadd.f32 v13, v30;
	v7 =	vmul.f32 v56, v7;
	v9 =	vmul.f32 v58, v9  }
0x314: {  	v16 =	vadd.f32 v16, v23;
	v51 =	vmul.f32 v63, v61;
	v11 =	vmul.f32 v60, v11  }
0x315: {  	v53 =	vld [tilespmem:s23+$0xF9F0];
	v52 =	vmul.f32 v44, v57;
	v19 =	vadd.f32 v32, v19;
	v12 =	vadd.f32 v17, v12  }
0x316: {  	v55 =	vld [tilespmem:s23+$0xF9D0];
	v6 =	vmul.f32 v46, v6;
	v56 =	vmul.f32 v22, v59;
	v47 =	vadd.f32 v14, v16  }
0x317: {  	v57 =	vld [tilespmem:s23+$0xF9C0];
	v5 =	vmul.f32 v45, v5;
	v48 =	vadd.f32 v33, v19;
	v12 =	vadd.f32 v20, v12  }
0x318: {  	v49 =	vld [tilespmem:s23+$0xF9E0];
	v58 =	vmul.f32 v50, v54;
	v8 =	vadd.f32 v8, v13;
	v10 =	vadd.f32 v10, v47  }
0x319: {  	v59 =	vbroadcast v15, $0xC;
	v7 =	vadd.f32 v7, v48;
	v12 =	vadd.f32 v18, v12  }
0x31a: {  	v60 =	vmul.f32 v53, v38;
	v6 =	vadd.f32 v6, v8;
	v9 =	vadd.f32 v9, v10  }
0x31b: {  	v61 =	vmul.f32 v55, v62;
	v7 =	vadd.f32 v11, v7;
	v5 =	vadd.f32 v5, v12  }
0x31c: {  	v63 =	vmul.f32 v57, v59;
	v6 =	vadd.f32 v51, v6;
	v9 =	vadd.f32 v52, v9  }
0x31d: {  	v62 =	vmul.f32 v49, v40;
	v7 =	vadd.f32 v56, v7;
	v5 =	vadd.f32 v58, v5  }
0x31e: {  	v6 =	vadd.f32 v60, v6;
	v8 =	vadd.f32 v63, v9  }
0x31f: {  	v7 =	vadd.f32 v61, v7;
	v5 =	vadd.f32 v62, v5;
	_ =	sdelay $0x1  }
0x320: {  	v7 =	vadd.f32 v7, v8;
	v5 =	vadd.f32 v6, v5;
	_ =	sdelay $0x1  }
.Ltmp12:
0x321: {  	s0 =	sshll.u32 s22, $0xD;
	v5 =	vadd.f32 v5, v7;
	(pc) =	sbr.rel .LBB2_18-.Ltmp12, $4  }
0x322: {  	s0 =	sadd.s32 s14, s0  }
0x323: {  	s0 =	sshrl.u32 s0, $0x3;
	v5 =	vmax.f32 v5, $0.0e+00  }
0x324: {  	s31 =	simm.s32 $0x1A980;
	s0 =	sadd.s32 s4, s0;
	[tilespmem:s26+$0x0] =	vst v5  }
0x325: {  	[hbm4b:s0+s2] =	stream.linear.scatter [tilespmem:s31], [sflag:$0x4], $0x2000, $0x38;
	[tilespmem:$0x1E980] =	vst v63  }
.LBB2_20:
0x326: {  	_ =	sfence.sel $0x180000  }
0x327: {  	[bflag:$0x0] =	sbarrier.arrive $0xFFFF  }
0x328: {  	_ =	strace $0x90000047  }
0x329: {  	s0 =	stileid.u32;
	[bflag:$0x2] =	sbarrier.arrive $0xFFFF  }
0x32a: {  	p0 =	sne.s32 s0, $0x0;
	s0 =	rddreg [dreg:$0x3]  }
0x32b: {  	s0 =	sadd.s32 @!p0 $0x100000, s0  }
0x32c: {  	[sflag:s0] =	ssyncadd.tile.s32 @!p0 $0x1;
	_ =	shalt  }
.Lfunc_end2:
_tile_overlayer_lowered:
.L_overlay_start_2:
0x32d: {  	(tag) =	ssettag $0x2  }
0x32e: {  	s0 =	rddreg [dreg:$0x0];
	s2 =	stileid.u32  }
0x32f: {  	s1 =	rddreg [dreg:$0x1];
	p0 =	sne.s32 s2, $0x0  }
0x330: {  	s3 =	rddreg [dreg:$0x2];
	[bflag:$0x3] =	sbarrier.arrive $0xFFFF;
	s2 =	simm.s32 @!p0 $0x1C05  }
0x331: {  	[timem:s3], [sflag:s2] =	dma.local @!p0 [hbm:s0], s1  }
0x332: {  	s0 =	simm.s32 @!p0 $0x5  }
0x333: {  	_ =	swait.ge @!p0 [sflag:s0], s1  }
0x334: {  	s1 =	ssub.s32 @!p0 $0x0, s1;
	[sflag:s0] =	ssyncset.done @!p0 $0x0  }
0x335: {  	[sflag:s0] =	ssyncadd.s32 @!p0 s1  }
0x336: {  	[bflag:$0x3] =	sbarrier.arrive $0xFFFF  }
0x337: {  	_ =	shalt  }

</sc_bundles>
